<compile_context>
chip_gen: v7x
topology: tpu7x:2x2x1
jax: 0.10.2.dev20260603
libtpu: 0.0.44.dev20260713+nightly
codegen_flags: <defaults>
</compile_context>

<pallas_src>
import functools

import jax
import jax.numpy as jnp
from jax import lax
from jax.experimental import pallas as pl
from jax.experimental.pallas import tpu as pltpu
from jax.experimental.pallas import tpu_sc as plsc

NC = 2
NS = 16
NW = NC * NS
D = 128
ROW_BLK = 1280


def _sc_mesh():
    return plsc.VectorSubcoreMesh(
        core_axis_name="c", subcore_axis_name="s", num_cores=NC, num_subcores=NS
    )




def _make_deg_kernel(npad, n_chunks, chunk):
    zper = npad // NS

    @functools.partial(
        pl.kernel,
        out_type=jax.ShapeDtypeStruct((NC * npad,), jnp.float32),
        mesh=_sc_mesh(),
        scratch_types=[
            pltpu.VMEM((n_chunks, chunk), jnp.int32),
            pltpu.VMEM((chunk,), jnp.float32),
            pltpu.VMEM((zper,), jnp.float32),
            pltpu.VMEM_SHARED((npad,), jnp.float32),
        ],
    )
    def deg_kernel(dst_hbm, out_hbm, dst_v, ones_v, zbuf, acc):
        cid = lax.axis_index("c")
        sid = lax.axis_index("s")
        wid = sid * NC + cid

        one16 = jnp.ones((16,), jnp.float32)
        zero16 = jnp.zeros((16,), jnp.float32)

        def fill_ones(i, _):
            ones_v[pl.ds(i * 16, 16)] = one16
            return 0

        lax.fori_loop(0, chunk // 16, fill_ones, 0)

        def fill_zero(i, _):
            zbuf[pl.ds(i * 16, 16)] = zero16
            return 0

        lax.fori_loop(0, zper // 16, fill_zero, 0)

        pltpu.sync_copy(zbuf, acc.at[pl.ds(sid * zper, zper)])
        plsc.subcore_barrier()

        pltpu.sync_copy(dst_hbm.at[wid], dst_v)

        def body(j, _):
            pltpu.sync_copy(ones_v, acc.at[dst_v.at[j]], add=True)
            return 0

        lax.fori_loop(0, n_chunks, body, 0)
        plsc.subcore_barrier()
        pltpu.sync_copy(
            acc.at[pl.ds(sid * zper, zper)],
            out_hbm.at[pl.ds(cid * npad + sid * zper, zper)],
        )

    return deg_kernel


def _make_edge_kernel(npad, n_chunks, chunk, nphase):
    zrows = npad // NS
    assert n_chunks % (2 * nphase) == 0
    hc = n_chunks // nphase
    dp = D // 2

    @functools.partial(
        pl.kernel,
        out_type=jax.ShapeDtypeStruct((NC, npad, D), jnp.float32),
        mesh=_sc_mesh(),
        scratch_types=[
            pltpu.VMEM((hc, chunk), jnp.int32),
            pltpu.VMEM((hc, chunk), jnp.int32),
            pltpu.VMEM((chunk, dp), jnp.int32),
            pltpu.VMEM((chunk, dp), jnp.int32),
            pltpu.VMEM((chunk, D), jnp.float32),
            pltpu.VMEM_SHARED((npad, D), jnp.float32),
            pltpu.SemaphoreType.DMA,
            pltpu.SemaphoreType.DMA,
            pltpu.SemaphoreType.DMA,
        ],
        compiler_params=pltpu.CompilerParams(
            use_tc_tiling_on_sc=False, needs_layout_passes=False
        ),
    )
    def edge_kernel(src_hbm, dst_hbm, g_hbm, out_hbm, src_v, dst_v, ibufa,
                    ibufb, fbuf, acc, sema, semb, sems):
        cid = lax.axis_index("c")
        sid = lax.axis_index("s")
        wid = sid * NC + cid

        row0 = sid * zrows
        zero16 = jnp.zeros((16,), jnp.float32)

        def zb(i, _):
            fbuf[i // (D // 16), pl.ds((i % (D // 16)) * 16, 16)] = zero16
            return 0

        lax.fori_loop(0, chunk * (D // 16), zb, 0)

        nfull, rem = divmod(zrows, chunk)
        for k in range(nfull):
            pltpu.sync_copy(fbuf, acc.at[pl.ds(row0 + k * chunk, chunk)])
        if rem:
            pltpu.sync_copy(
                fbuf.at[pl.ds(0, rem)],
                acc.at[pl.ds(row0 + nfull * chunk, rem)],
            )
        plsc.subcore_barrier()

        mask = jnp.full((16,), -65536, jnp.int32)

        def unpack_to_fbuf(ibuf):
            def cv(r, _):
                for c in range(dp // 16):
                    x = ibuf[r, pl.ds(c * 16, 16)]
                    fbuf[r, pl.ds(c * 32, 16)] = plsc.bitcast(
                        lax.shift_left(x, 16), jnp.float32
                    )
                    fbuf[r, pl.ds(c * 32 + 16, 16)] = plsc.bitcast(
                        lax.bitwise_and(x, mask), jnp.float32
                    )
                return 0

            lax.fori_loop(0, chunk, cv, 0)

        for phase in range(nphase):
            pltpu.sync_copy(src_hbm.at[wid, pl.ds(phase * hc, hc)], src_v)
            pltpu.sync_copy(dst_hbm.at[wid, pl.ds(phase * hc, hc)], dst_v)

            pltpu.async_copy(g_hbm.at[src_v.at[0]], ibufa, sema)

            def body(k, _):
                j0 = 2 * k
                j1 = j0 + 1

                pltpu.async_copy(g_hbm.at[src_v.at[j1]], ibufb, semb)
                pltpu.make_async_copy(g_hbm.at[src_v.at[j0]], ibufa, sema).wait()

                @pl.when(j0 > 0)
                def _():
                    pltpu.make_async_copy(
                        fbuf, acc.at[dst_v.at[j0 - 1]], sems
                    ).wait()

                unpack_to_fbuf(ibufa)
                pltpu.async_copy(fbuf, acc.at[dst_v.at[j0]], sems, add=True)

                @pl.when(j0 + 2 < hc)
                def _():
                    pltpu.async_copy(g_hbm.at[src_v.at[j0 + 2]], ibufa, sema)

                pltpu.make_async_copy(g_hbm.at[src_v.at[j1]], ibufb, semb).wait()
                pltpu.make_async_copy(fbuf, acc.at[dst_v.at[j0]], sems).wait()
                unpack_to_fbuf(ibufb)
                pltpu.async_copy(fbuf, acc.at[dst_v.at[j1]], sems, add=True)
                return 0

            lax.fori_loop(0, hc // 2, body, 0)
            pltpu.make_async_copy(fbuf, acc.at[dst_v.at[hc - 1]], sems).wait()

        plsc.subcore_barrier()
        pltpu.sync_copy(
            acc.at[pl.ds(row0, zrows)], out_hbm.at[cid, pl.ds(row0, zrows)]
        )

    return edge_kernel




def _pack_g(g):
    ga = jnp.concatenate(
        [g[:, 32 * c:32 * c + 16] for c in range(D // 32)], axis=1
    )
    gb = jnp.concatenate(
        [g[:, 32 * c + 16:32 * c + 32] for c in range(D // 32)], axis=1
    )
    la = lax.bitcast_convert_type(
        ga.astype(jnp.bfloat16), jnp.uint16
    ).astype(jnp.int32)
    hb = lax.bitcast_convert_type(
        gb.astype(jnp.bfloat16), jnp.uint16
    ).astype(jnp.int32)
    return lax.bitwise_or(la, lax.shift_left(hb, 16))


def _mm_scale_body(x_ref, w_ref, c_ref, o_ref, p_ref, s_ref):
    s = lax.rsqrt(c_ref[0] + c_ref[1] + 1.0)
    g = jnp.dot(x_ref[...], w_ref[...], preferred_element_type=jnp.float32) * s
    o_ref[...] = g
    p_ref[...] = _pack_g(g)
    s_ref[...] = s


def _elu(t):
    return jnp.where(t > 0, t, jnp.exp(jnp.minimum(t, 0.0)) - 1.0)


def _layer_mid_body(a_ref, g_ref, s_ref, b_ref, w_ref, o_ref, p_ref):
    s = s_ref[...]
    t = s * (a_ref[0] + a_ref[1] + g_ref[...]) + b_ref[...]
    g = jnp.dot(_elu(t), w_ref[...], preferred_element_type=jnp.float32) * s
    o_ref[...] = g
    p_ref[...] = _pack_g(g)


def _layer_out_body(a_ref, g_ref, s_ref, b_ref, o_ref):
    t = s_ref[...] * (a_ref[0] + a_ref[1] + g_ref[...]) + b_ref[...]
    o_ref[...] = _elu(t)


def _row_grid(npad):
    nb = npad // ROW_BLK
    spec_x = pl.BlockSpec((ROW_BLK, D), lambda i: (i, 0))
    spec_a = pl.BlockSpec((NC, ROW_BLK, D), lambda i: (0, i, 0))
    spec_s = pl.BlockSpec((ROW_BLK, 1), lambda i: (i, 0))
    spec_w = pl.BlockSpec((D, D), lambda i: (0, 0))
    spec_b = pl.BlockSpec((1, D), lambda i: (0, 0))
    return nb, spec_x, spec_a, spec_s, spec_w, spec_b




def kernel(x, edge_index, W1, b1, W2, b2):
    n = x.shape[0]
    e = edge_index.shape[1]
    assert x.shape[1] == D and W1.shape == (D, D)

    npad = -(-(n + 1) // ROW_BLK) * ROW_BLK
    chunk, nphase = 128, 2
    ec = NW * chunk
    grp = 2 * nphase
    n_chunks = ((e + ec - 1) // ec + grp - 1) // grp * grp
    e_pad = n_chunks * ec

    src = edge_index[0]
    dst = edge_index[1]
    src2 = jnp.concatenate(
        [src, jnp.zeros((e_pad - e,), jnp.int32)]
    ).reshape(NW, n_chunks, chunk)
    dst2 = jnp.concatenate(
        [dst, jnp.full((e_pad - e,), n, jnp.int32)]
    ).reshape(NW, n_chunks, chunk)

    x_p = jnp.pad(x, ((0, npad - n), (0, 0)))
    b1r = b1.reshape(1, D)
    b2r = b2.reshape(1, D)

    counts = _make_deg_kernel(npad, n_chunks, chunk)(dst2).reshape(NC, npad)

    nb, spec_x, spec_a, spec_s, spec_w, spec_b = _row_grid(npad)

    spec_p = pl.BlockSpec((ROW_BLK, D // 2), lambda i: (i, 0))
    spec_c = pl.BlockSpec((NC, ROW_BLK, 1), lambda i: (0, i, 0))
    g_shapes = [
        jax.ShapeDtypeStruct((npad, D), jnp.float32),
        jax.ShapeDtypeStruct((npad, D // 2), jnp.int32),
    ]

    g1, g1p, dinv = pl.pallas_call(
        _mm_scale_body,
        grid=(nb,),
        in_specs=[spec_x, spec_w, spec_c],
        out_specs=[spec_x, spec_p, spec_s],
        out_shape=g_shapes
        + [jax.ShapeDtypeStruct((npad, 1), jnp.float32)],
    )(x_p, W1, counts.reshape(NC, npad, 1))

    edge_kernel = _make_edge_kernel(npad, n_chunks, chunk, nphase)

    acc1 = edge_kernel(src2, dst2, g1p)

    g2, g2p = pl.pallas_call(
        _layer_mid_body,
        grid=(nb,),
        in_specs=[spec_a, spec_x, spec_s, spec_b, spec_w],
        out_specs=[spec_x, spec_p],
        out_shape=g_shapes,
    )(acc1, g1, dinv, b1r, W2)

    acc2 = edge_kernel(src2, dst2, g2p)

    out = pl.pallas_call(
        _layer_out_body,
        grid=(nb,),
        in_specs=[spec_a, spec_x, spec_s, spec_b],
        out_specs=spec_x,
        out_shape=jax.ShapeDtypeStruct((npad, D), jnp.float32),
    )(acc2, g2, dinv, b2r)

    return out[:n]

# --- scband reference (transcript-rebuilt; emitter-appended) ---
"""Pipeline reference for scband-down-gnnencoder-15882789061103 (READ-ONLY COPY).

The authoritative reference and input builder live on the scoring server;
editing this copy changes nothing except your own understanding.
"""

import jax, jax.numpy as jnp
import numpy as np

N = 10000
E = 320000
D_IN = 128
D_HID = 128
D_OUT = 128


def setup_inputs(seed: int = 0) -> dict:
    key = jax.random.key(seed)
    k1, k2, k3, k4, k5, k6 = jax.random.split(key, 6)
    x = jax.random.normal(k1, (N, D_IN), dtype=jnp.float32)
    edge_index = jax.random.randint(k2, (2, E), 0, N, dtype=jnp.int32)
    # GCNConv layer 1 params (glorot-ish init)
    W1 = jax.random.normal(k3, (D_IN, D_HID), dtype=jnp.float32) * (1.0 / np.sqrt(D_IN))
    b1 = jnp.zeros((D_HID,), dtype=jnp.float32)
    # GCNConv layer 2 params
    W2 = jax.random.normal(k4, (D_HID, D_OUT), dtype=jnp.float32) * (1.0 / np.sqrt(D_HID))
    b2 = jnp.zeros((D_OUT,), dtype=jnp.float32)
    return {"x": x, "edge_index": edge_index, "W1": W1, "b1": b1, "W2": W2, "b2": b2}


def _gcn_conv(x, src, dst, W, b):
    n = x.shape[0]
    # symmetric normalization with self-loops already appended in src/dst
    deg = jnp.zeros((n,), dtype=x.dtype).at[dst].add(jnp.ones_like(dst, dtype=x.dtype))
    dinv = jnp.where(deg > 0, 1.0 / jnp.sqrt(deg), 0.0)
    norm = dinv[src] * dinv[dst]
    h = x @ W
    msg = h[src] * norm[:, None]
    out = jnp.zeros((n, h.shape[1]), dtype=x.dtype).at[dst].add(msg)
    return out + b


def reference(x, edge_index, W1, b1, W2, b2):
    # DownGNNEncoder.forward with layer='gcn', bn=Identity, eval-mode dropout (identity),
    # ELU activation after every conv (including the last one).
    n = x.shape[0]
    loop = jnp.arange(n, dtype=edge_index.dtype)
    src = jnp.concatenate([edge_index[0], loop])
    dst = jnp.concatenate([edge_index[1], loop])
    h = _gcn_conv(x, src, dst, W1, b1)
    h = jax.nn.elu(h)
    h = _gcn_conv(h, src, dst, W2, b2)
    h = jax.nn.elu(h)
    return h

if __name__ == "__main__":
    import jax
    _d = setup_inputs()
    print(jax.jit(kernel)(*tuple(_d.values())))

</pallas_src>

<mosaic_0001>
#map = affine_map<(d0, d1) -> (0, 0, 0)>
#map1 = affine_map<(d0, d1) -> (0)>
module attributes {stable_mosaic.version = 14 : i64} {
  func.func @deg_kernel(%arg0: i32, %arg1: i32, %arg2: memref<32x80x128xi32, #tpu.memory_space<hbm>>, %arg3: memref<20480xf32, #tpu.memory_space<hbm>>, %arg4: memref<80x128xi32, #tpu.memory_space<vmem>>, %arg5: memref<128xf32, #tpu.memory_space<vmem>>, %arg6: memref<640xf32, #tpu.memory_space<vmem>>, %arg7: memref<10240xf32, #tpu.memory_space<vmem_shared>>) attributes {dimension_semantics = [#tpu.dimension_semantics<core_parallel>, #tpu.dimension_semantics<subcore_parallel>], iteration_bounds = array<i64: 2, 16>, scalar_prefetch = 0 : i64, scratch_operands = 4 : i64, tpu.core_type = #tpu.core_type<sc_vector_subcore>, window_params = [{transform_indices = #map}, {transform_indices = #map1}]} {
    %mul3A = arith.constant 2 : i32
    %mul3A_0 = arith.muli %arg1, %mul3A : i32
    %add3A = arith.addi %mul3A_0, %arg0 : i32
    %broadcast_in_dim3A = arith.constant 1.000000e+00 : f32
    %broadcast_in_dim3A_1 = vector.broadcast %broadcast_in_dim3A : f32 to vector<16xf32>
    %broadcast_in_dim3A_2 = arith.constant 0.000000e+00 : f32
    %broadcast_in_dim3A_3 = vector.broadcast %broadcast_in_dim3A_2 : f32 to vector<16xf32>
    %scan3A = arith.constant 0 : i32
    %scan3A_4 = arith.constant 0 : i32
    %scan3A_5 = arith.constant 8 : i32
    %scan3A_6 = arith.addi %scan3A_4, %scan3A_5 : i32
    %scan3A_7 = arith.constant 1 : i32
    %scan3A_8 = scf.for %scan3A_34 = %scan3A_4 to %scan3A_6 step %scan3A_7 iter_args(%scan3A_35 = %scan3A) -> (i32)  : i32 {
      %mul3A_36 = arith.constant 16 : i32
      %mul3A_37 = arith.muli %scan3A_34, %mul3A_36 : i32
      %swap3A = arith.index_cast %mul3A_37 : i32 to index
      %swap3A_38 = tpu.vector_load %arg5[%swap3A] {strides = array<i32>} : memref<128xf32, #tpu.memory_space<vmem>>, vector<16xf32>,
      %swap3A_39 = vector.shape_cast %swap3A_38 : vector<16xf32> to vector<16xf32>
      %swap3A_40 = vector.shape_cast %broadcast_in_dim3A_1 : vector<16xf32> to vector<16xf32>
      tpu.vector_store %arg5[%swap3A], %swap3A_40 {strides = array<i32>} : memref<128xf32, #tpu.memory_space<vmem>>, vector<16xf32>,
      %scan3A_41 = arith.constant 0 : i32
      scf.yield %scan3A_41 : i32
    }
    %scan3A_9 = arith.constant 8 : i32
    %scan3A_10 = arith.constant 0 : i32
    %scan3A_11 = arith.constant 0 : i32
    %scan3A_12 = arith.constant 40 : i32
    %scan3A_13 = arith.addi %scan3A_11, %scan3A_12 : i32
    %scan3A_14 = arith.constant 1 : i32
    %scan3A_15 = scf.for %scan3A_34 = %scan3A_11 to %scan3A_13 step %scan3A_14 iter_args(%scan3A_35 = %scan3A_10) -> (i32)  : i32 {
      %mul3A_36 = arith.constant 16 : i32
      %mul3A_37 = arith.muli %scan3A_34, %mul3A_36 : i32
      %swap3A = arith.index_cast %mul3A_37 : i32 to index
      %swap3A_38 = tpu.vector_load %arg6[%swap3A] {strides = array<i32>} : memref<640xf32, #tpu.memory_space<vmem>>, vector<16xf32>,
      %swap3A_39 = vector.shape_cast %swap3A_38 : vector<16xf32> to vector<16xf32>
      %swap3A_40 = vector.shape_cast %broadcast_in_dim3A_3 : vector<16xf32> to vector<16xf32>
      tpu.vector_store %arg6[%swap3A], %swap3A_40 {strides = array<i32>} : memref<640xf32, #tpu.memory_space<vmem>>, vector<16xf32>,
      %scan3A_41 = arith.constant 0 : i32
      scf.yield %scan3A_41 : i32
    }
    %scan3A_16 = arith.constant 40 : i32
    %mul3A_17 = arith.constant 640 : i32
    %mul3A_18 = arith.muli %arg1, %mul3A_17 : i32
    "tpu.region"() ({
      %run_scoped3A = tpu.sem_alloc : memref<!tpu.dma_semaphore, #tpu.memory_space<semaphore_mem>>
      %dma_start3A = tpu.memref_slice %arg7[%mul3A_18] : memref<10240xf32, #tpu.memory_space<vmem_shared>> -> memref<640xf32, #tpu.memory_space<vmem_shared>>
      %dma_start3A_34 = tpu.memref_slice %arg7[%mul3A_18] : memref<10240xf32, #tpu.memory_space<vmem_shared>> -> memref<640xf32, #tpu.memory_space<vmem_shared>>
      tpu.enqueue_dma source(%arg6 : memref<640xf32, #tpu.memory_space<vmem>>) target(%dma_start3A_34 : memref<640xf32, #tpu.memory_space<vmem_shared>>) target_semaphore(%run_scoped3A : memref<!tpu.dma_semaphore, #tpu.memory_space<semaphore_mem>>)
      %dma_wait3A = tpu.memref_slice %arg7[%mul3A_18] : memref<10240xf32, #tpu.memory_space<vmem_shared>> -> memref<640xf32, #tpu.memory_space<vmem_shared>>
      %dma_wait3A_35 = tpu.memref_slice %arg7[%mul3A_18] : memref<10240xf32, #tpu.memory_space<vmem_shared>> -> memref<640xf32, #tpu.memory_space<vmem_shared>>
      tpu.wait_dma2 semaphore(%run_scoped3A : memref<!tpu.dma_semaphore, #tpu.memory_space<semaphore_mem>>) src(%arg6 : memref<640xf32, #tpu.memory_space<vmem>>) dst(%dma_wait3A_35 : memref<640xf32, #tpu.memory_space<vmem_shared>>)
      tpu.yield
    }) : () -> ()
    %barrier3A = arith.constant 0 : index
    tpu.barrier barrier_id(%barrier3A)
    "tpu.region"() ({
      %run_scoped3A = tpu.sem_alloc : memref<!tpu.dma_semaphore, #tpu.memory_space<semaphore_mem>>
      %dma_start3A = arith.constant 0 : i32
      %dma_start3A_34 = arith.constant 0 : i32
      %dma_start3A_35 = tpu.memref_slice %arg2[%add3A, %dma_start3A, %dma_start3A_34] : memref<32x80x128xi32, #tpu.memory_space<hbm>> -> memref<1x80x128xi32, #tpu.memory_space<hbm>>
      %dma_start3A_36 = tpu.memref_squeeze %dma_start3A_35 : memref<1x80x128xi32, #tpu.memory_space<hbm>> -> memref<80x128xi32, #tpu.memory_space<hbm>>
      %dma_start3A_37 = arith.constant 0 : i32
      %dma_start3A_38 = arith.constant 0 : i32
      %dma_start3A_39 = tpu.memref_slice %arg2[%add3A, %dma_start3A_37, %dma_start3A_38] : memref<32x80x128xi32, #tpu.memory_space<hbm>> -> memref<1x80x128xi32, #tpu.memory_space<hbm>>
      %dma_start3A_40 = tpu.memref_squeeze %dma_start3A_39 : memref<1x80x128xi32, #tpu.memory_space<hbm>> -> memref<80x128xi32, #tpu.memory_space<hbm>>
      tpu.enqueue_dma source(%dma_start3A_40 : memref<80x128xi32, #tpu.memory_space<hbm>>) target(%arg4 : memref<80x128xi32, #tpu.memory_space<vmem>>) target_semaphore(%run_scoped3A : memref<!tpu.dma_semaphore, #tpu.memory_space<semaphore_mem>>)
      %dma_wait3A = arith.constant 0 : i32
      %dma_wait3A_41 = arith.constant 0 : i32
      %dma_wait3A_42 = tpu.memref_slice %arg2[%add3A, %dma_wait3A, %dma_wait3A_41] : memref<32x80x128xi32, #tpu.memory_space<hbm>> -> memref<1x80x128xi32, #tpu.memory_space<hbm>>
      %dma_wait3A_43 = tpu.memref_squeeze %dma_wait3A_42 : memref<1x80x128xi32, #tpu.memory_space<hbm>> -> memref<80x128xi32, #tpu.memory_space<hbm>>
      %dma_wait3A_44 = arith.constant 0 : i32
      %dma_wait3A_45 = arith.constant 0 : i32
      %dma_wait3A_46 = tpu.memref_slice %arg2[%add3A, %dma_wait3A_44, %dma_wait3A_45] : memref<32x80x128xi32, #tpu.memory_space<hbm>> -> memref<1x80x128xi32, #tpu.memory_space<hbm>>
      %dma_wait3A_47 = tpu.memref_squeeze %dma_wait3A_46 : memref<1x80x128xi32, #tpu.memory_space<hbm>> -> memref<80x128xi32, #tpu.memory_space<hbm>>
      tpu.wait_dma2 semaphore(%run_scoped3A : memref<!tpu.dma_semaphore, #tpu.memory_space<semaphore_mem>>) src(%dma_wait3A_47 : memref<80x128xi32, #tpu.memory_space<hbm>>) dst(%arg4 : memref<80x128xi32, #tpu.memory_space<vmem>>)
      tpu.yield
    }) : () -> ()
    %scan3A_19 = arith.constant 0 : i32
    %scan3A_20 = arith.constant 0 : i32
    %scan3A_21 = arith.constant 80 : i32
    %scan3A_22 = arith.addi %scan3A_20, %scan3A_21 : i32
    %scan3A_23 = arith.constant 1 : i32
    %scan3A_24 = scf.for %scan3A_34 = %scan3A_20 to %scan3A_22 step %scan3A_23 iter_args(%scan3A_35 = %scan3A_19) -> (i32)  : i32 {
      "tpu.region"() ({
        %run_scoped3A = tpu.sem_alloc : memref<!tpu.dma_semaphore, #tpu.memory_space<semaphore_mem>>
        %dma_start3A = arith.constant 0 : i32
        %dma_start3A_37 = tpu.memref_slice %arg4[%scan3A_34, %dma_start3A] : memref<80x128xi32, #tpu.memory_space<vmem>> -> memref<1x128xi32, #tpu.memory_space<vmem>>
        %dma_start3A_38 = tpu.memref_squeeze %dma_start3A_37 : memref<1x128xi32, #tpu.memory_space<vmem>> -> memref<128xi32, #tpu.memory_space<vmem>>
        %dma_start3A_39 = arith.constant 0 : i32
        %dma_start3A_40 = tpu.memref_slice %arg7[%dma_start3A_39] : memref<10240xf32, #tpu.memory_space<vmem_shared>> -> memref<10240xf32, #tpu.memory_space<vmem_shared>>
        tpu.enqueue_indirect_dma source(%arg5 : memref<128xf32, #tpu.memory_space<vmem>>) target(%dma_start3A_40 : memref<10240xf32, #tpu.memory_space<vmem_shared>>) offsets(%dma_start3A_38 : memref<128xi32, #tpu.memory_space<vmem>>) semaphore(%run_scoped3A : memref<!tpu.dma_semaphore, #tpu.memory_space<semaphore_mem>>) {add = true}
        %dma_wait3A = arith.constant 0 : i32
        %dma_wait3A_41 = tpu.memref_slice %arg4[%scan3A_34, %dma_wait3A] : memref<80x128xi32, #tpu.memory_space<vmem>> -> memref<1x128xi32, #tpu.memory_space<vmem>>
        %dma_wait3A_42 = tpu.memref_squeeze %dma_wait3A_41 : memref<1x128xi32, #tpu.memory_space<vmem>> -> memref<128xi32, #tpu.memory_space<vmem>>
        %dma_wait3A_43 = arith.constant 0 : i32
        %dma_wait3A_44 = tpu.memref_slice %arg7[%dma_wait3A_43] : memref<10240xf32, #tpu.memory_space<vmem_shared>> -> memref<10240xf32, #tpu.memory_space<vmem_shared>>
        tpu.wait_indirect_dma semaphore(%run_scoped3A : memref<!tpu.dma_semaphore, #tpu.memory_space<semaphore_mem>>) src(%arg5 : memref<128xf32, #tpu.memory_space<vmem>>) dst(%dma_wait3A_44 : memref<10240xf32, #tpu.memory_space<vmem_shared>>)
        tpu.yield
      }) : () -> ()
      %scan3A_36 = arith.constant 0 : i32
      scf.yield %scan3A_36 : i32
    }
    %scan3A_25 = arith.constant 80 : i32
    %barrier3A_26 = arith.constant 0 : index
    tpu.barrier barrier_id(%barrier3A_26)
    %mul3A_27 = arith.constant 640 : i32
    %mul3A_28 = arith.muli %arg1, %mul3A_27 : i32
    %mul3A_29 = arith.constant 10240 : i32
    %mul3A_30 = arith.muli %arg0, %mul3A_29 : i32
    %mul3A_31 = arith.constant 640 : i32
    %mul3A_32 = arith.muli %arg1, %mul3A_31 : i32
    %add3A_33 = arith.addi %mul3A_30, %mul3A_32 : i32
    "tpu.region"() ({
      %run_scoped3A = tpu.sem_alloc : memref<!tpu.dma_semaphore, #tpu.memory_space<semaphore_mem>>
      %dma_start3A = tpu.memref_slice %arg3[%add3A_33] : memref<20480xf32, #tpu.memory_space<hbm>> -> memref<640xf32, #tpu.memory_space<hbm>>
      %dma_start3A_34 = tpu.memref_slice %arg7[%mul3A_28] : memref<10240xf32, #tpu.memory_space<vmem_shared>> -> memref<640xf32, #tpu.memory_space<vmem_shared>>
      tpu.enqueue_dma source(%dma_start3A_34 : memref<640xf32, #tpu.memory_space<vmem_shared>>) target(%dma_start3A : memref<640xf32, #tpu.memory_space<hbm>>) target_semaphore(%run_scoped3A : memref<!tpu.dma_semaphore, #tpu.memory_space<semaphore_mem>>)
      %dma_wait3A = tpu.memref_slice %arg3[%add3A_33] : memref<20480xf32, #tpu.memory_space<hbm>> -> memref<640xf32, #tpu.memory_space<hbm>>
      %dma_wait3A_35 = tpu.memref_slice %arg7[%mul3A_28] : memref<10240xf32, #tpu.memory_space<vmem_shared>> -> memref<640xf32, #tpu.memory_space<vmem_shared>>
      tpu.wait_dma2 semaphore(%run_scoped3A : memref<!tpu.dma_semaphore, #tpu.memory_space<semaphore_mem>>) src(%dma_wait3A_35 : memref<640xf32, #tpu.memory_space<vmem_shared>>) dst(%dma_wait3A : memref<640xf32, #tpu.memory_space<hbm>>)
      tpu.yield
    }) : () -> ()
    return
  }
}

#map = affine_map<(d0, d1) -> (0, 0, 0)>
#map1 = affine_map<(d0, d1) -> (0, 0)>
module attributes {stable_mosaic.version = 14 : i64} {
  func.func @edge_kernel(%arg0: i32, %arg1: i32, %arg2: memref<32x80x128xi32, #tpu.memory_space<hbm>>, %arg3: memref<32x80x128xi32, #tpu.memory_space<hbm>>, %arg4: memref<10240x64xi32, #tpu.memory_space<hbm>>, %arg5: memref<2x10240x128xf32, #tpu.memory_space<hbm>>, %arg6: memref<40x128xi32, #tpu.memory_space<vmem>>, %arg7: memref<40x128xi32, #tpu.memory_space<vmem>>, %arg8: memref<128x64xi32, #tpu.memory_space<vmem>>, %arg9: memref<128x64xi32, #tpu.memory_space<vmem>>, %arg10: memref<128x128xf32, #tpu.memory_space<vmem>>, %arg11: memref<10240x128xf32, #tpu.memory_space<vmem_shared>>, %arg12: memref<!tpu.dma_semaphore, #tpu.memory_space<semaphore_mem>>, %arg13: memref<!tpu.dma_semaphore, #tpu.memory_space<semaphore_mem>>, %arg14: memref<!tpu.dma_semaphore, #tpu.memory_space<semaphore_mem>>) attributes {dimension_semantics = [#tpu.dimension_semantics<core_parallel>, #tpu.dimension_semantics<subcore_parallel>], iteration_bounds = array<i64: 2, 16>, scalar_prefetch = 0 : i64, scratch_operands = 9 : i64, tpu.core_type = #tpu.core_type<sc_vector_subcore>, window_params = [{transform_indices = #map}, {transform_indices = #map}, {transform_indices = #map1}, {transform_indices = #map}]} {
    %mul3A = arith.constant 2 : i32
    %mul3A_0 = arith.muli %arg1, %mul3A : i32
    %add3A = arith.addi %mul3A_0, %arg0 : i32
    %mul3A_1 = arith.constant 640 : i32
    %mul3A_2 = arith.muli %arg1, %mul3A_1 : i32
    %broadcast_in_dim3A = arith.constant 0.000000e+00 : f32
    %broadcast_in_dim3A_3 = vector.broadcast %broadcast_in_dim3A : f32 to vector<16xf32>
    %scan3A = arith.constant 0 : i32
    %scan3A_4 = arith.constant 0 : i32
    %scan3A_5 = arith.constant 1024 : i32
    %scan3A_6 = arith.addi %scan3A_4, %scan3A_5 : i32
    %scan3A_7 = arith.constant 1 : i32
    %scan3A_8 = scf.for %scan3A_63 = %scan3A_4 to %scan3A_6 step %scan3A_7 iter_args(%scan3A_64 = %scan3A) -> (i32)  : i32 {
      %jit3A = arith.constant 8 : i32
      %div3A = arith.divsi %scan3A_63, %jit3A : i32
      %sign3A = arith.constant 0 : i32
      %sign3A_65 = arith.cmpi sgt, %scan3A_63, %sign3A : i32
      %sign3A_66 = arith.extui %sign3A_65 : i1 to i32
      %sign3A_67 = arith.constant 0 : i32
      %sign3A_68 = arith.cmpi slt, %scan3A_63, %sign3A_67 : i32
      %sign3A_69 = arith.extui %sign3A_68 : i1 to i32
      %sign3A_70 = arith.subi %sign3A_66, %sign3A_69 : i32
      %sign3A_71 = arith.constant 0 : i32
      %sign3A_72 = arith.cmpi sgt, %jit3A, %sign3A_71 : i32
      %sign3A_73 = arith.extui %sign3A_72 : i1 to i32
      %sign3A_74 = arith.constant 0 : i32
      %sign3A_75 = arith.cmpi slt, %jit3A, %sign3A_74 : i32
      %sign3A_76 = arith.extui %sign3A_75 : i1 to i32
      %sign3A_77 = arith.subi %sign3A_73, %sign3A_76 : i32
      %ne3A = arith.cmpi ne, %sign3A_70, %sign3A_77 : i32
      %rem3A = arith.remsi %scan3A_63, %jit3A : i32
      %ne3A_78 = arith.constant 0 : i32
      %ne3A_79 = arith.cmpi ne, %rem3A, %ne3A_78 : i32
      %and3A = arith.andi %ne3A, %ne3A_79 : i1
      %sub3A = arith.constant 1 : i32
      %sub3A_80 = arith.subi %div3A, %sub3A : i32
      %select_n3A = arith.select %and3A, %sub3A_80, %div3A : i32
      %jit3A_81 = arith.constant 8 : i32
      %eq3A = arith.constant 0 : i32
      %eq3A_82 = arith.cmpi eq, %jit3A_81, %eq3A : i32
      %jit3A_83 = arith.constant 1 : i32
      %select_n3A_84 = arith.select %eq3A_82, %jit3A_83, %jit3A_81 : i32
      %rem3A_85 = arith.remsi %scan3A_63, %select_n3A_84 : i32
      %ne3A_86 = arith.constant 0 : i32
      %ne3A_87 = arith.cmpi ne, %rem3A_85, %ne3A_86 : i32
      %lt3A = arith.constant 0 : i32
      %lt3A_88 = arith.cmpi slt, %rem3A_85, %lt3A : i32
      %lt3A_89 = arith.constant 0 : i32
      %lt3A_90 = arith.cmpi slt, %select_n3A_84, %lt3A_89 : i32
      %ne3A_91 = arith.xori %lt3A_88, %lt3A_90 : i1
      %and3A_92 = arith.andi %ne3A_91, %ne3A_87 : i1
      %add3A_93 = arith.addi %rem3A_85, %select_n3A_84 : i32
      %select_n3A_94 = arith.select %and3A_92, %add3A_93, %rem3A_85 : i32
      %mul3A_95 = arith.constant 16 : i32
      %mul3A_96 = arith.muli %select_n3A_94, %mul3A_95 : i32
      %swap3A = arith.index_cast %select_n3A : i32 to index
      %swap3A_97 = arith.index_cast %mul3A_96 : i32 to index
      %swap3A_98 = tpu.vector_load %arg10[%swap3A, %swap3A_97] {strides = array<i32>} : memref<128x128xf32, #tpu.memory_space<vmem>>, vector<16xf32>,
      tpu.vector_store %arg10[%swap3A, %swap3A_97], %broadcast_in_dim3A_3 {strides = array<i32>} : memref<128x128xf32, #tpu.memory_space<vmem>>, vector<16xf32>,
      %scan3A_99 = arith.constant 0 : i32
      scf.yield %scan3A_99 : i32
    }
    %scan3A_9 = arith.constant 1024 : i32
    %add3A_10 = arith.constant 0 : i32
    %add3A_11 = arith.addi %mul3A_2, %add3A_10 : i32
    "tpu.region"() ({
      %run_scoped3A = tpu.sem_alloc : memref<!tpu.dma_semaphore, #tpu.memory_space<semaphore_mem>>
      %dma_start3A_63 = arith.constant 0 : i32
      %dma_start3A_64 = tpu.memref_slice %arg11[%add3A_11, %dma_start3A_63] : memref<10240x128xf32, #tpu.memory_space<vmem_shared>> -> memref<128x128xf32, #tpu.memory_space<vmem_shared>>
      %dma_start3A_65 = arith.constant 0 : i32
      %dma_start3A_66 = tpu.memref_slice %arg11[%add3A_11, %dma_start3A_65] : memref<10240x128xf32, #tpu.memory_space<vmem_shared>> -> memref<128x128xf32, #tpu.memory_space<vmem_shared>>
      tpu.enqueue_dma source(%arg10 : memref<128x128xf32, #tpu.memory_space<vmem>>) target(%dma_start3A_66 : memref<128x128xf32, #tpu.memory_space<vmem_shared>>) target_semaphore(%run_scoped3A : memref<!tpu.dma_semaphore, #tpu.memory_space<semaphore_mem>>)
      %dma_wait3A_67 = arith.constant 0 : i32
      %dma_wait3A_68 = tpu.memref_slice %arg11[%add3A_11, %dma_wait3A_67] : memref<10240x128xf32, #tpu.memory_space<vmem_shared>> -> memref<128x128xf32, #tpu.memory_space<vmem_shared>>
      %dma_wait3A_69 = arith.constant 0 : i32
      %dma_wait3A_70 = tpu.memref_slice %arg11[%add3A_11, %dma_wait3A_69] : memref<10240x128xf32, #tpu.memory_space<vmem_shared>> -> memref<128x128xf32, #tpu.memory_space<vmem_shared>>
      tpu.wait_dma2 semaphore(%run_scoped3A : memref<!tpu.dma_semaphore, #tpu.memory_space<semaphore_mem>>) src(%arg10 : memref<128x128xf32, #tpu.memory_space<vmem>>) dst(%dma_wait3A_70 : memref<128x128xf32, #tpu.memory_space<vmem_shared>>)
      tpu.yield
    }) : () -> ()
    %add3A_12 = arith.constant 128 : i32
    %add3A_13 = arith.addi %mul3A_2, %add3A_12 : i32
    "tpu.region"() ({
      %run_scoped3A = tpu.sem_alloc : memref<!tpu.dma_semaphore, #tpu.memory_space<semaphore_mem>>
      %dma_start3A_63 = arith.constant 0 : i32
      %dma_start3A_64 = tpu.memref_slice %arg11[%add3A_13, %dma_start3A_63] : memref<10240x128xf32, #tpu.memory_space<vmem_shared>> -> memref<128x128xf32, #tpu.memory_space<vmem_shared>>
      %dma_start3A_65 = arith.constant 0 : i32
      %dma_start3A_66 = tpu.memref_slice %arg11[%add3A_13, %dma_start3A_65] : memref<10240x128xf32, #tpu.memory_space<vmem_shared>> -> memref<128x128xf32, #tpu.memory_space<vmem_shared>>
      tpu.enqueue_dma source(%arg10 : memref<128x128xf32, #tpu.memory_space<vmem>>) target(%dma_start3A_66 : memref<128x128xf32, #tpu.memory_space<vmem_shared>>) target_semaphore(%run_scoped3A : memref<!tpu.dma_semaphore, #tpu.memory_space<semaphore_mem>>)
      %dma_wait3A_67 = arith.constant 0 : i32
      %dma_wait3A_68 = tpu.memref_slice %arg11[%add3A_13, %dma_wait3A_67] : memref<10240x128xf32, #tpu.memory_space<vmem_shared>> -> memref<128x128xf32, #tpu.memory_space<vmem_shared>>
      %dma_wait3A_69 = arith.constant 0 : i32
      %dma_wait3A_70 = tpu.memref_slice %arg11[%add3A_13, %dma_wait3A_69] : memref<10240x128xf32, #tpu.memory_space<vmem_shared>> -> memref<128x128xf32, #tpu.memory_space<vmem_shared>>
      tpu.wait_dma2 semaphore(%run_scoped3A : memref<!tpu.dma_semaphore, #tpu.memory_space<semaphore_mem>>) src(%arg10 : memref<128x128xf32, #tpu.memory_space<vmem>>) dst(%dma_wait3A_70 : memref<128x128xf32, #tpu.memory_space<vmem_shared>>)
      tpu.yield
    }) : () -> ()
    %add3A_14 = arith.constant 256 : i32
    %add3A_15 = arith.addi %mul3A_2, %add3A_14 : i32
    "tpu.region"() ({
      %run_scoped3A = tpu.sem_alloc : memref<!tpu.dma_semaphore, #tpu.memory_space<semaphore_mem>>
      %dma_start3A_63 = arith.constant 0 : i32
      %dma_start3A_64 = tpu.memref_slice %arg11[%add3A_15, %dma_start3A_63] : memref<10240x128xf32, #tpu.memory_space<vmem_shared>> -> memref<128x128xf32, #tpu.memory_space<vmem_shared>>
      %dma_start3A_65 = arith.constant 0 : i32
      %dma_start3A_66 = tpu.memref_slice %arg11[%add3A_15, %dma_start3A_65] : memref<10240x128xf32, #tpu.memory_space<vmem_shared>> -> memref<128x128xf32, #tpu.memory_space<vmem_shared>>
      tpu.enqueue_dma source(%arg10 : memref<128x128xf32, #tpu.memory_space<vmem>>) target(%dma_start3A_66 : memref<128x128xf32, #tpu.memory_space<vmem_shared>>) target_semaphore(%run_scoped3A : memref<!tpu.dma_semaphore, #tpu.memory_space<semaphore_mem>>)
      %dma_wait3A_67 = arith.constant 0 : i32
      %dma_wait3A_68 = tpu.memref_slice %arg11[%add3A_15, %dma_wait3A_67] : memref<10240x128xf32, #tpu.memory_space<vmem_shared>> -> memref<128x128xf32, #tpu.memory_space<vmem_shared>>
      %dma_wait3A_69 = arith.constant 0 : i32
      %dma_wait3A_70 = tpu.memref_slice %arg11[%add3A_15, %dma_wait3A_69] : memref<10240x128xf32, #tpu.memory_space<vmem_shared>> -> memref<128x128xf32, #tpu.memory_space<vmem_shared>>
      tpu.wait_dma2 semaphore(%run_scoped3A : memref<!tpu.dma_semaphore, #tpu.memory_space<semaphore_mem>>) src(%arg10 : memref<128x128xf32, #tpu.memory_space<vmem>>) dst(%dma_wait3A_70 : memref<128x128xf32, #tpu.memory_space<vmem_shared>>)
      tpu.yield
    }) : () -> ()
    %add3A_16 = arith.constant 384 : i32
    %add3A_17 = arith.addi %mul3A_2, %add3A_16 : i32
    "tpu.region"() ({
      %run_scoped3A = tpu.sem_alloc : memref<!tpu.dma_semaphore, #tpu.memory_space<semaphore_mem>>
      %dma_start3A_63 = arith.constant 0 : i32
      %dma_start3A_64 = tpu.memref_slice %arg11[%add3A_17, %dma_start3A_63] : memref<10240x128xf32, #tpu.memory_space<vmem_shared>> -> memref<128x128xf32, #tpu.memory_space<vmem_shared>>
      %dma_start3A_65 = arith.constant 0 : i32
      %dma_start3A_66 = tpu.memref_slice %arg11[%add3A_17, %dma_start3A_65] : memref<10240x128xf32, #tpu.memory_space<vmem_shared>> -> memref<128x128xf32, #tpu.memory_space<vmem_shared>>
      tpu.enqueue_dma source(%arg10 : memref<128x128xf32, #tpu.memory_space<vmem>>) target(%dma_start3A_66 : memref<128x128xf32, #tpu.memory_space<vmem_shared>>) target_semaphore(%run_scoped3A : memref<!tpu.dma_semaphore, #tpu.memory_space<semaphore_mem>>)
      %dma_wait3A_67 = arith.constant 0 : i32
      %dma_wait3A_68 = tpu.memref_slice %arg11[%add3A_17, %dma_wait3A_67] : memref<10240x128xf32, #tpu.memory_space<vmem_shared>> -> memref<128x128xf32, #tpu.memory_space<vmem_shared>>
      %dma_wait3A_69 = arith.constant 0 : i32
      %dma_wait3A_70 = tpu.memref_slice %arg11[%add3A_17, %dma_wait3A_69] : memref<10240x128xf32, #tpu.memory_space<vmem_shared>> -> memref<128x128xf32, #tpu.memory_space<vmem_shared>>
      tpu.wait_dma2 semaphore(%run_scoped3A : memref<!tpu.dma_semaphore, #tpu.memory_space<semaphore_mem>>) src(%arg10 : memref<128x128xf32, #tpu.memory_space<vmem>>) dst(%dma_wait3A_70 : memref<128x128xf32, #tpu.memory_space<vmem_shared>>)
      tpu.yield
    }) : () -> ()
    %add3A_18 = arith.constant 512 : i32
    %add3A_19 = arith.addi %mul3A_2, %add3A_18 : i32
    "tpu.region"() ({
      %run_scoped3A = tpu.sem_alloc : memref<!tpu.dma_semaphore, #tpu.memory_space<semaphore_mem>>
      %dma_start3A_63 = arith.constant 0 : i32
      %dma_start3A_64 = tpu.memref_slice %arg11[%add3A_19, %dma_start3A_63] : memref<10240x128xf32, #tpu.memory_space<vmem_shared>> -> memref<128x128xf32, #tpu.memory_space<vmem_shared>>
      %dma_start3A_65 = arith.constant 0 : i32
      %dma_start3A_66 = tpu.memref_slice %arg11[%add3A_19, %dma_start3A_65] : memref<10240x128xf32, #tpu.memory_space<vmem_shared>> -> memref<128x128xf32, #tpu.memory_space<vmem_shared>>
      tpu.enqueue_dma source(%arg10 : memref<128x128xf32, #tpu.memory_space<vmem>>) target(%dma_start3A_66 : memref<128x128xf32, #tpu.memory_space<vmem_shared>>) target_semaphore(%run_scoped3A : memref<!tpu.dma_semaphore, #tpu.memory_space<semaphore_mem>>)
      %dma_wait3A_67 = arith.constant 0 : i32
      %dma_wait3A_68 = tpu.memref_slice %arg11[%add3A_19, %dma_wait3A_67] : memref<10240x128xf32, #tpu.memory_space<vmem_shared>> -> memref<128x128xf32, #tpu.memory_space<vmem_shared>>
      %dma_wait3A_69 = arith.constant 0 : i32
      %dma_wait3A_70 = tpu.memref_slice %arg11[%add3A_19, %dma_wait3A_69] : memref<10240x128xf32, #tpu.memory_space<vmem_shared>> -> memref<128x128xf32, #tpu.memory_space<vmem_shared>>
      tpu.wait_dma2 semaphore(%run_scoped3A : memref<!tpu.dma_semaphore, #tpu.memory_space<semaphore_mem>>) src(%arg10 : memref<128x128xf32, #tpu.memory_space<vmem>>) dst(%dma_wait3A_70 : memref<128x128xf32, #tpu.memory_space<vmem_shared>>)
      tpu.yield
    }) : () -> ()
    %barrier3A = arith.constant 0 : index
    tpu.barrier barrier_id(%barrier3A)
    %broadcast_in_dim3A_20 = arith.constant -65536 : i32
    %broadcast_in_dim3A_21 = vector.broadcast %broadcast_in_dim3A_20 : i32 to vector<16xi32>
    "tpu.region"() ({
      %run_scoped3A = tpu.sem_alloc : memref<!tpu.dma_semaphore, #tpu.memory_space<semaphore_mem>>
      %dma_start3A_63 = arith.constant 0 : i32
      %dma_start3A_64 = arith.constant 0 : i32
      %dma_start3A_65 = tpu.memref_slice %arg2[%add3A, %dma_start3A_63, %dma_start3A_64] : memref<32x80x128xi32, #tpu.memory_space<hbm>> -> memref<1x40x128xi32, #tpu.memory_space<hbm>>
      %dma_start3A_66 = tpu.memref_squeeze %dma_start3A_65 : memref<1x40x128xi32, #tpu.memory_space<hbm>> -> memref<40x128xi32, #tpu.memory_space<hbm>>
      %dma_start3A_67 = arith.constant 0 : i32
      %dma_start3A_68 = arith.constant 0 : i32
      %dma_start3A_69 = tpu.memref_slice %arg2[%add3A, %dma_start3A_67, %dma_start3A_68] : memref<32x80x128xi32, #tpu.memory_space<hbm>> -> memref<1x40x128xi32, #tpu.memory_space<hbm>>
      %dma_start3A_70 = tpu.memref_squeeze %dma_start3A_69 : memref<1x40x128xi32, #tpu.memory_space<hbm>> -> memref<40x128xi32, #tpu.memory_space<hbm>>
      tpu.enqueue_dma source(%dma_start3A_70 : memref<40x128xi32, #tpu.memory_space<hbm>>) target(%arg6 : memref<40x128xi32, #tpu.memory_space<vmem>>) target_semaphore(%run_scoped3A : memref<!tpu.dma_semaphore, #tpu.memory_space<semaphore_mem>>)
      %dma_wait3A_71 = arith.constant 0 : i32
      %dma_wait3A_72 = arith.constant 0 : i32
      %dma_wait3A_73 = tpu.memref_slice %arg2[%add3A, %dma_wait3A_71, %dma_wait3A_72] : memref<32x80x128xi32, #tpu.memory_space<hbm>> -> memref<1x40x128xi32, #tpu.memory_space<hbm>>
      %dma_wait3A_74 = tpu.memref_squeeze %dma_wait3A_73 : memref<1x40x128xi32, #tpu.memory_space<hbm>> -> memref<40x128xi32, #tpu.memory_space<hbm>>
      %dma_wait3A_75 = arith.constant 0 : i32
      %dma_wait3A_76 = arith.constant 0 : i32
      %dma_wait3A_77 = tpu.memref_slice %arg2[%add3A, %dma_wait3A_75, %dma_wait3A_76] : memref<32x80x128xi32, #tpu.memory_space<hbm>> -> memref<1x40x128xi32, #tpu.memory_space<hbm>>
      %dma_wait3A_78 = tpu.memref_squeeze %dma_wait3A_77 : memref<1x40x128xi32, #tpu.memory_space<hbm>> -> memref<40x128xi32, #tpu.memory_space<hbm>>
      tpu.wait_dma2 semaphore(%run_scoped3A : memref<!tpu.dma_semaphore, #tpu.memory_space<semaphore_mem>>) src(%dma_wait3A_78 : memref<40x128xi32, #tpu.memory_space<hbm>>) dst(%arg6 : memref<40x128xi32, #tpu.memory_space<vmem>>)
      tpu.yield
    }) : () -> ()
    "tpu.region"() ({
      %run_scoped3A = tpu.sem_alloc : memref<!tpu.dma_semaphore, #tpu.memory_space<semaphore_mem>>
      %dma_start3A_63 = arith.constant 0 : i32
      %dma_start3A_64 = arith.constant 0 : i32
      %dma_start3A_65 = tpu.memref_slice %arg3[%add3A, %dma_start3A_63, %dma_start3A_64] : memref<32x80x128xi32, #tpu.memory_space<hbm>> -> memref<1x40x128xi32, #tpu.memory_space<hbm>>
      %dma_start3A_66 = tpu.memref_squeeze %dma_start3A_65 : memref<1x40x128xi32, #tpu.memory_space<hbm>> -> memref<40x128xi32, #tpu.memory_space<hbm>>
      %dma_start3A_67 = arith.constant 0 : i32
      %dma_start3A_68 = arith.constant 0 : i32
      %dma_start3A_69 = tpu.memref_slice %arg3[%add3A, %dma_start3A_67, %dma_start3A_68] : memref<32x80x128xi32, #tpu.memory_space<hbm>> -> memref<1x40x128xi32, #tpu.memory_space<hbm>>
      %dma_start3A_70 = tpu.memref_squeeze %dma_start3A_69 : memref<1x40x128xi32, #tpu.memory_space<hbm>> -> memref<40x128xi32, #tpu.memory_space<hbm>>
      tpu.enqueue_dma source(%dma_start3A_70 : memref<40x128xi32, #tpu.memory_space<hbm>>) target(%arg7 : memref<40x128xi32, #tpu.memory_space<vmem>>) target_semaphore(%run_scoped3A : memref<!tpu.dma_semaphore, #tpu.memory_space<semaphore_mem>>)
      %dma_wait3A_71 = arith.constant 0 : i32
      %dma_wait3A_72 = arith.constant 0 : i32
      %dma_wait3A_73 = tpu.memref_slice %arg3[%add3A, %dma_wait3A_71, %dma_wait3A_72] : memref<32x80x128xi32, #tpu.memory_space<hbm>> -> memref<1x40x128xi32, #tpu.memory_space<hbm>>
      %dma_wait3A_74 = tpu.memref_squeeze %dma_wait3A_73 : memref<1x40x128xi32, #tpu.memory_space<hbm>> -> memref<40x128xi32, #tpu.memory_space<hbm>>
      %dma_wait3A_75 = arith.constant 0 : i32
      %dma_wait3A_76 = arith.constant 0 : i32
      %dma_wait3A_77 = tpu.memref_slice %arg3[%add3A, %dma_wait3A_75, %dma_wait3A_76] : memref<32x80x128xi32, #tpu.memory_space<hbm>> -> memref<1x40x128xi32, #tpu.memory_space<hbm>>
      %dma_wait3A_78 = tpu.memref_squeeze %dma_wait3A_77 : memref<1x40x128xi32, #tpu.memory_space<hbm>> -> memref<40x128xi32, #tpu.memory_space<hbm>>
      tpu.wait_dma2 semaphore(%run_scoped3A : memref<!tpu.dma_semaphore, #tpu.memory_space<semaphore_mem>>) src(%dma_wait3A_78 : memref<40x128xi32, #tpu.memory_space<hbm>>) dst(%arg7 : memref<40x128xi32, #tpu.memory_space<vmem>>)
      tpu.yield
    }) : () -> ()
    %dma_start3A = arith.constant 0 : i32
    %dma_start3A_22 = arith.constant 0 : i32
    %dma_start3A_23 = tpu.memref_slice %arg6[%dma_start3A, %dma_start3A_22] : memref<40x128xi32, #tpu.memory_space<vmem>> -> memref<1x128xi32, #tpu.memory_space<vmem>>
    %dma_start3A_24 = tpu.memref_squeeze %dma_start3A_23 : memref<1x128xi32, #tpu.memory_space<vmem>> -> memref<128xi32, #tpu.memory_space<vmem>>
    %dma_start3A_25 = arith.constant 0 : i32
    %dma_start3A_26 = arith.constant 0 : i32
    %dma_start3A_27 = tpu.memref_slice %arg4[%dma_start3A_25, %dma_start3A_26] : memref<10240x64xi32, #tpu.memory_space<hbm>> -> memref<10240x64xi32, #tpu.memory_space<hbm>>
    tpu.enqueue_indirect_dma source(%dma_start3A_27 : memref<10240x64xi32, #tpu.memory_space<hbm>>) target(%arg8 : memref<128x64xi32, #tpu.memory_space<vmem>>) offsets(%dma_start3A_24 : memref<128xi32, #tpu.memory_space<vmem>>) semaphore(%arg12 : memref<!tpu.dma_semaphore, #tpu.memory_space<semaphore_mem>>)
    %scan3A_28 = arith.constant 0 : i32
    %scan3A_29 = arith.constant 0 : i32
    %scan3A_30 = arith.constant 20 : i32
    %scan3A_31 = arith.addi %scan3A_29, %scan3A_30 : i32
    %scan3A_32 = arith.constant 1 : i32
    %scan3A_33 = scf.for %scan3A_63 = %scan3A_29 to %scan3A_31 step %scan3A_32 iter_args(%scan3A_64 = %scan3A_28) -> (i32)  : i32 {
      %mul3A_65 = arith.constant 2 : i32
      %mul3A_66 = arith.muli %mul3A_65, %scan3A_63 : i32
      %add3A_67 = arith.constant 1 : i32
      %add3A_68 = arith.addi %mul3A_66, %add3A_67 : i32
      %dma_start3A_69 = arith.constant 0 : i32
      %dma_start3A_70 = tpu.memref_slice %arg6[%add3A_68, %dma_start3A_69] : memref<40x128xi32, #tpu.memory_space<vmem>> -> memref<1x128xi32, #tpu.memory_space<vmem>>
      %dma_start3A_71 = tpu.memref_squeeze %dma_start3A_70 : memref<1x128xi32, #tpu.memory_space<vmem>> -> memref<128xi32, #tpu.memory_space<vmem>>
      %dma_start3A_72 = arith.constant 0 : i32
      %dma_start3A_73 = arith.constant 0 : i32
      %dma_start3A_74 = tpu.memref_slice %arg4[%dma_start3A_72, %dma_start3A_73] : memref<10240x64xi32, #tpu.memory_space<hbm>> -> memref<10240x64xi32, #tpu.memory_space<hbm>>
      tpu.enqueue_indirect_dma source(%dma_start3A_74 : memref<10240x64xi32, #tpu.memory_space<hbm>>) target(%arg9 : memref<128x64xi32, #tpu.memory_space<vmem>>) offsets(%dma_start3A_71 : memref<128xi32, #tpu.memory_space<vmem>>) semaphore(%arg13 : memref<!tpu.dma_semaphore, #tpu.memory_space<semaphore_mem>>)
      %dma_wait3A_75 = arith.constant 0 : i32
      %dma_wait3A_76 = tpu.memref_slice %arg6[%mul3A_66, %dma_wait3A_75] : memref<40x128xi32, #tpu.memory_space<vmem>> -> memref<1x128xi32, #tpu.memory_space<vmem>>
      %dma_wait3A_77 = tpu.memref_squeeze %dma_wait3A_76 : memref<1x128xi32, #tpu.memory_space<vmem>> -> memref<128xi32, #tpu.memory_space<vmem>>
      %dma_wait3A_78 = arith.constant 0 : i32
      %dma_wait3A_79 = arith.constant 0 : i32
      %dma_wait3A_80 = tpu.memref_slice %arg4[%dma_wait3A_78, %dma_wait3A_79] : memref<10240x64xi32, #tpu.memory_space<hbm>> -> memref<10240x64xi32, #tpu.memory_space<hbm>>
      tpu.wait_indirect_dma semaphore(%arg12 : memref<!tpu.dma_semaphore, #tpu.memory_space<semaphore_mem>>) src(%dma_wait3A_80 : memref<10240x64xi32, #tpu.memory_space<hbm>>) dst(%arg8 : memref<128x64xi32, #tpu.memory_space<vmem>>)
      %gt3A = arith.constant 0 : i32
      %gt3A_81 = arith.cmpi sgt, %mul3A_66, %gt3A : i32
      %convert_element_type3A = arith.extui %gt3A_81 : i1 to i32
      %cond3A = arith.constant 0 : i32
      %cond3A_82 = arith.cmpi ne, %convert_element_type3A, %cond3A : i32
      scf.if %cond3A_82 {
        %sub3A = arith.constant 1 : i32
        %sub3A_128 = arith.subi %mul3A_66, %sub3A : i32
        %dma_wait3A_129 = arith.constant 0 : i32
        %dma_wait3A_130 = tpu.memref_slice %arg7[%sub3A_128, %dma_wait3A_129] : memref<40x128xi32, #tpu.memory_space<vmem>> -> memref<1x128xi32, #tpu.memory_space<vmem>>
        %dma_wait3A_131 = tpu.memref_squeeze %dma_wait3A_130 : memref<1x128xi32, #tpu.memory_space<vmem>> -> memref<128xi32, #tpu.memory_space<vmem>>
        %dma_wait3A_132 = arith.constant 0 : i32
        %dma_wait3A_133 = arith.constant 0 : i32
        %dma_wait3A_134 = tpu.memref_slice %arg11[%dma_wait3A_132, %dma_wait3A_133] : memref<10240x128xf32, #tpu.memory_space<vmem_shared>> -> memref<10240x128xf32, #tpu.memory_space<vmem_shared>>
        tpu.wait_indirect_dma semaphore(%arg14 : memref<!tpu.dma_semaphore, #tpu.memory_space<semaphore_mem>>) src(%arg10 : memref<128x128xf32, #tpu.memory_space<vmem>>) dst(%dma_wait3A_134 : memref<10240x128xf32, #tpu.memory_space<vmem_shared>>)
      } else {
      }
      %scan3A_83 = arith.constant 0 : i32
      %scan3A_84 = arith.constant 0 : i32
      %scan3A_85 = arith.constant 128 : i32
      %scan3A_86 = arith.addi %scan3A_84, %scan3A_85 : i32
      %scan3A_87 = arith.constant 1 : i32
      %scan3A_88 = scf.for %scan3A_128 = %scan3A_84 to %scan3A_86 step %scan3A_87 iter_args(%scan3A_129 = %scan3A_83) -> (i32)  : i32 {
        %get3A = arith.index_cast %scan3A_128 : i32 to index
        %get3A_130 = arith.constant 0 : index
        %get3A_131 = tpu.vector_load %arg8[%get3A, %get3A_130] {strides = array<i32>} : memref<128x64xi32, #tpu.memory_space<vmem>>, vector<16xi32>,
        %shift_left3A = arith.constant 16 : i32
        %shift_left3A_132 = vector.broadcast %shift_left3A : i32 to vector<16xi32>
        %shift_left3A_133 = arith.shli %get3A_131, %shift_left3A_132 : vector<16xi32>
        %bitcast3A = vector.bitcast %shift_left3A_133 : vector<16xi32> to vector<16xf32>
        %swap3A = arith.index_cast %scan3A_128 : i32 to index
        %swap3A_134 = arith.constant 0 : index
        %swap3A_135 = tpu.vector_load %arg10[%swap3A, %swap3A_134] {strides = array<i32>} : memref<128x128xf32, #tpu.memory_space<vmem>>, vector<16xf32>,
        tpu.vector_store %arg10[%swap3A, %swap3A_134], %bitcast3A {strides = array<i32>} : memref<128x128xf32, #tpu.memory_space<vmem>>, vector<16xf32>,
        %and3A = arith.andi %get3A_131, %broadcast_in_dim3A_21 : vector<16xi32>
        %bitcast3A_136 = vector.bitcast %and3A : vector<16xi32> to vector<16xf32>
        %swap3A_137 = arith.index_cast %scan3A_128 : i32 to index
        %swap3A_138 = arith.constant 16 : index
        %swap3A_139 = tpu.vector_load %arg10[%swap3A_137, %swap3A_138] {strides = array<i32>} : memref<128x128xf32, #tpu.memory_space<vmem>>, vector<16xf32>,
        tpu.vector_store %arg10[%swap3A_137, %swap3A_138], %bitcast3A_136 {strides = array<i32>} : memref<128x128xf32, #tpu.memory_space<vmem>>, vector<16xf32>,
        %get3A_140 = arith.index_cast %scan3A_128 : i32 to index
        %get3A_141 = arith.constant 16 : index
        %get3A_142 = tpu.vector_load %arg8[%get3A_140, %get3A_141] {strides = array<i32>} : memref<128x64xi32, #tpu.memory_space<vmem>>, vector<16xi32>,
        %shift_left3A_143 = arith.constant 16 : i32
        %shift_left3A_144 = vector.broadcast %shift_left3A_143 : i32 to vector<16xi32>
        %shift_left3A_145 = arith.shli %get3A_142, %shift_left3A_144 : vector<16xi32>
        %bitcast3A_146 = vector.bitcast %shift_left3A_145 : vector<16xi32> to vector<16xf32>
        %swap3A_147 = arith.index_cast %scan3A_128 : i32 to index
        %swap3A_148 = arith.constant 32 : index
        %swap3A_149 = tpu.vector_load %arg10[%swap3A_147, %swap3A_148] {strides = array<i32>} : memref<128x128xf32, #tpu.memory_space<vmem>>, vector<16xf32>,
        tpu.vector_store %arg10[%swap3A_147, %swap3A_148], %bitcast3A_146 {strides = array<i32>} : memref<128x128xf32, #tpu.memory_space<vmem>>, vector<16xf32>,
        %and3A_150 = arith.andi %get3A_142, %broadcast_in_dim3A_21 : vector<16xi32>
        %bitcast3A_151 = vector.bitcast %and3A_150 : vector<16xi32> to vector<16xf32>
        %swap3A_152 = arith.index_cast %scan3A_128 : i32 to index
        %swap3A_153 = arith.constant 48 : index
        %swap3A_154 = tpu.vector_load %arg10[%swap3A_152, %swap3A_153] {strides = array<i32>} : memref<128x128xf32, #tpu.memory_space<vmem>>, vector<16xf32>,
        tpu.vector_store %arg10[%swap3A_152, %swap3A_153], %bitcast3A_151 {strides = array<i32>} : memref<128x128xf32, #tpu.memory_space<vmem>>, vector<16xf32>,
        %get3A_155 = arith.index_cast %scan3A_128 : i32 to index
        %get3A_156 = arith.constant 32 : index
        %get3A_157 = tpu.vector_load %arg8[%get3A_155, %get3A_156] {strides = array<i32>} : memref<128x64xi32, #tpu.memory_space<vmem>>, vector<16xi32>,
        %shift_left3A_158 = arith.constant 16 : i32
        %shift_left3A_159 = vector.broadcast %shift_left3A_158 : i32 to vector<16xi32>
        %shift_left3A_160 = arith.shli %get3A_157, %shift_left3A_159 : vector<16xi32>
        %bitcast3A_161 = vector.bitcast %shift_left3A_160 : vector<16xi32> to vector<16xf32>
        %swap3A_162 = arith.index_cast %scan3A_128 : i32 to index
        %swap3A_163 = arith.constant 64 : index
        %swap3A_164 = tpu.vector_load %arg10[%swap3A_162, %swap3A_163] {strides = array<i32>} : memref<128x128xf32, #tpu.memory_space<vmem>>, vector<16xf32>,
        tpu.vector_store %arg10[%swap3A_162, %swap3A_163], %bitcast3A_161 {strides = array<i32>} : memref<128x128xf32, #tpu.memory_space<vmem>>, vector<16xf32>,
        %and3A_165 = arith.andi %get3A_157, %broadcast_in_dim3A_21 : vector<16xi32>
        %bitcast3A_166 = vector.bitcast %and3A_165 : vector<16xi32> to vector<16xf32>
        %swap3A_167 = arith.index_cast %scan3A_128 : i32 to index
        %swap3A_168 = arith.constant 80 : index
        %swap3A_169 = tpu.vector_load %arg10[%swap3A_167, %swap3A_168] {strides = array<i32>} : memref<128x128xf32, #tpu.memory_space<vmem>>, vector<16xf32>,
        tpu.vector_store %arg10[%swap3A_167, %swap3A_168], %bitcast3A_166 {strides = array<i32>} : memref<128x128xf32, #tpu.memory_space<vmem>>, vector<16xf32>,
        %get3A_170 = arith.index_cast %scan3A_128 : i32 to index
        %get3A_171 = arith.constant 48 : index
        %get3A_172 = tpu.vector_load %arg8[%get3A_170, %get3A_171] {strides = array<i32>} : memref<128x64xi32, #tpu.memory_space<vmem>>, vector<16xi32>,
        %shift_left3A_173 = arith.constant 16 : i32
        %shift_left3A_174 = vector.broadcast %shift_left3A_173 : i32 to vector<16xi32>
        %shift_left3A_175 = arith.shli %get3A_172, %shift_left3A_174 : vector<16xi32>
        %bitcast3A_176 = vector.bitcast %shift_left3A_175 : vector<16xi32> to vector<16xf32>
        %swap3A_177 = arith.index_cast %scan3A_128 : i32 to index
        %swap3A_178 = arith.constant 96 : index
        %swap3A_179 = tpu.vector_load %arg10[%swap3A_177, %swap3A_178] {strides = array<i32>} : memref<128x128xf32, #tpu.memory_space<vmem>>, vector<16xf32>,
        tpu.vector_store %arg10[%swap3A_177, %swap3A_178], %bitcast3A_176 {strides = array<i32>} : memref<128x128xf32, #tpu.memory_space<vmem>>, vector<16xf32>,
        %and3A_180 = arith.andi %get3A_172, %broadcast_in_dim3A_21 : vector<16xi32>
        %bitcast3A_181 = vector.bitcast %and3A_180 : vector<16xi32> to vector<16xf32>
        %swap3A_182 = arith.index_cast %scan3A_128 : i32 to index
        %swap3A_183 = arith.constant 112 : index
        %swap3A_184 = tpu.vector_load %arg10[%swap3A_182, %swap3A_183] {strides = array<i32>} : memref<128x128xf32, #tpu.memory_space<vmem>>, vector<16xf32>,
        tpu.vector_store %arg10[%swap3A_182, %swap3A_183], %bitcast3A_181 {strides = array<i32>} : memref<128x128xf32, #tpu.memory_space<vmem>>, vector<16xf32>,
        %scan3A_185 = arith.constant 0 : i32
        scf.yield %scan3A_185 : i32
      }
      %scan3A_89 = arith.constant 128 : i32
      %dma_start3A_90 = arith.constant 0 : i32
      %dma_start3A_91 = tpu.memref_slice %arg7[%mul3A_66, %dma_start3A_90] : memref<40x128xi32, #tpu.memory_space<vmem>> -> memref<1x128xi32, #tpu.memory_space<vmem>>
      %dma_start3A_92 = tpu.memref_squeeze %dma_start3A_91 : memref<1x128xi32, #tpu.memory_space<vmem>> -> memref<128xi32, #tpu.memory_space<vmem>>
      %dma_start3A_93 = arith.constant 0 : i32
      %dma_start3A_94 = arith.constant 0 : i32
      %dma_start3A_95 = tpu.memref_slice %arg11[%dma_start3A_93, %dma_start3A_94] : memref<10240x128xf32, #tpu.memory_space<vmem_shared>> -> memref<10240x128xf32, #tpu.memory_space<vmem_shared>>
      tpu.enqueue_indirect_dma source(%arg10 : memref<128x128xf32, #tpu.memory_space<vmem>>) target(%dma_start3A_95 : memref<10240x128xf32, #tpu.memory_space<vmem_shared>>) offsets(%dma_start3A_92 : memref<128xi32, #tpu.memory_space<vmem>>) semaphore(%arg14 : memref<!tpu.dma_semaphore, #tpu.memory_space<semaphore_mem>>) {add = true}
      %add3A_96 = arith.constant 2 : i32
      %add3A_97 = arith.addi %mul3A_66, %add3A_96 : i32
      %lt3A = arith.constant 40 : i32
      %lt3A_98 = arith.cmpi slt, %add3A_97, %lt3A : i32
      %convert_element_type3A_99 = arith.extui %lt3A_98 : i1 to i32
      %cond3A_100 = arith.constant 0 : i32
      %cond3A_101 = arith.cmpi ne, %convert_element_type3A_99, %cond3A_100 : i32
      scf.if %cond3A_101 {
        %add3A_128 = arith.constant 2 : i32
        %add3A_129 = arith.addi %mul3A_66, %add3A_128 : i32
        %dma_start3A_130 = arith.constant 0 : i32
        %dma_start3A_131 = tpu.memref_slice %arg6[%add3A_129, %dma_start3A_130] : memref<40x128xi32, #tpu.memory_space<vmem>> -> memref<1x128xi32, #tpu.memory_space<vmem>>
        %dma_start3A_132 = tpu.memref_squeeze %dma_start3A_131 : memref<1x128xi32, #tpu.memory_space<vmem>> -> memref<128xi32, #tpu.memory_space<vmem>>
        %dma_start3A_133 = arith.constant 0 : i32
        %dma_start3A_134 = arith.constant 0 : i32
        %dma_start3A_135 = tpu.memref_slice %arg4[%dma_start3A_133, %dma_start3A_134] : memref<10240x64xi32, #tpu.memory_space<hbm>> -> memref<10240x64xi32, #tpu.memory_space<hbm>>
        tpu.enqueue_indirect_dma source(%dma_start3A_135 : memref<10240x64xi32, #tpu.memory_space<hbm>>) target(%arg8 : memref<128x64xi32, #tpu.memory_space<vmem>>) offsets(%dma_start3A_132 : memref<128xi32, #tpu.memory_space<vmem>>) semaphore(%arg12 : memref<!tpu.dma_semaphore, #tpu.memory_space<semaphore_mem>>)
      } else {
      }
      %dma_wait3A_102 = arith.constant 0 : i32
      %dma_wait3A_103 = tpu.memref_slice %arg6[%add3A_68, %dma_wait3A_102] : memref<40x128xi32, #tpu.memory_space<vmem>> -> memref<1x128xi32, #tpu.memory_space<vmem>>
      %dma_wait3A_104 = tpu.memref_squeeze %dma_wait3A_103 : memref<1x128xi32, #tpu.memory_space<vmem>> -> memref<128xi32, #tpu.memory_space<vmem>>
      %dma_wait3A_105 = arith.constant 0 : i32
      %dma_wait3A_106 = arith.constant 0 : i32
      %dma_wait3A_107 = tpu.memref_slice %arg4[%dma_wait3A_105, %dma_wait3A_106] : memref<10240x64xi32, #tpu.memory_space<hbm>> -> memref<10240x64xi32, #tpu.memory_space<hbm>>
      tpu.wait_indirect_dma semaphore(%arg13 : memref<!tpu.dma_semaphore, #tpu.memory_space<semaphore_mem>>) src(%dma_wait3A_107 : memref<10240x64xi32, #tpu.memory_space<hbm>>) dst(%arg9 : memref<128x64xi32, #tpu.memory_space<vmem>>)
      %dma_wait3A_108 = arith.constant 0 : i32
      %dma_wait3A_109 = tpu.memref_slice %arg7[%mul3A_66, %dma_wait3A_108] : memref<40x128xi32, #tpu.memory_space<vmem>> -> memref<1x128xi32, #tpu.memory_space<vmem>>
      %dma_wait3A_110 = tpu.memref_squeeze %dma_wait3A_109 : memref<1x128xi32, #tpu.memory_space<vmem>> -> memref<128xi32, #tpu.memory_space<vmem>>
      %dma_wait3A_111 = arith.constant 0 : i32
      %dma_wait3A_112 = arith.constant 0 : i32
      %dma_wait3A_113 = tpu.memref_slice %arg11[%dma_wait3A_111, %dma_wait3A_112] : memref<10240x128xf32, #tpu.memory_space<vmem_shared>> -> memref<10240x128xf32, #tpu.memory_space<vmem_shared>>
      tpu.wait_indirect_dma semaphore(%arg14 : memref<!tpu.dma_semaphore, #tpu.memory_space<semaphore_mem>>) src(%arg10 : memref<128x128xf32, #tpu.memory_space<vmem>>) dst(%dma_wait3A_113 : memref<10240x128xf32, #tpu.memory_space<vmem_shared>>)
      %scan3A_114 = arith.constant 0 : i32
      %scan3A_115 = arith.constant 0 : i32
      %scan3A_116 = arith.constant 128 : i32
      %scan3A_117 = arith.addi %scan3A_115, %scan3A_116 : i32
      %scan3A_118 = arith.constant 1 : i32
      %scan3A_119 = scf.for %scan3A_128 = %scan3A_115 to %scan3A_117 step %scan3A_118 iter_args(%scan3A_129 = %scan3A_114) -> (i32)  : i32 {
        %get3A = arith.index_cast %scan3A_128 : i32 to index
        %get3A_130 = arith.constant 0 : index
        %get3A_131 = tpu.vector_load %arg9[%get3A, %get3A_130] {strides = array<i32>} : memref<128x64xi32, #tpu.memory_space<vmem>>, vector<16xi32>,
        %shift_left3A = arith.constant 16 : i32
        %shift_left3A_132 = vector.broadcast %shift_left3A : i32 to vector<16xi32>
        %shift_left3A_133 = arith.shli %get3A_131, %shift_left3A_132 : vector<16xi32>
        %bitcast3A = vector.bitcast %shift_left3A_133 : vector<16xi32> to vector<16xf32>
        %swap3A = arith.index_cast %scan3A_128 : i32 to index
        %swap3A_134 = arith.constant 0 : index
        %swap3A_135 = tpu.vector_load %arg10[%swap3A, %swap3A_134] {strides = array<i32>} : memref<128x128xf32, #tpu.memory_space<vmem>>, vector<16xf32>,
        tpu.vector_store %arg10[%swap3A, %swap3A_134], %bitcast3A {strides = array<i32>} : memref<128x128xf32, #tpu.memory_space<vmem>>, vector<16xf32>,
        %and3A = arith.andi %get3A_131, %broadcast_in_dim3A_21 : vector<16xi32>
        %bitcast3A_136 = vector.bitcast %and3A : vector<16xi32> to vector<16xf32>
        %swap3A_137 = arith.index_cast %scan3A_128 : i32 to index
        %swap3A_138 = arith.constant 16 : index
        %swap3A_139 = tpu.vector_load %arg10[%swap3A_137, %swap3A_138] {strides = array<i32>} : memref<128x128xf32, #tpu.memory_space<vmem>>, vector<16xf32>,
        tpu.vector_store %arg10[%swap3A_137, %swap3A_138], %bitcast3A_136 {strides = array<i32>} : memref<128x128xf32, #tpu.memory_space<vmem>>, vector<16xf32>,
        %get3A_140 = arith.index_cast %scan3A_128 : i32 to index
        %get3A_141 = arith.constant 16 : index
        %get3A_142 = tpu.vector_load %arg9[%get3A_140, %get3A_141] {strides = array<i32>} : memref<128x64xi32, #tpu.memory_space<vmem>>, vector<16xi32>,
        %shift_left3A_143 = arith.constant 16 : i32
        %shift_left3A_144 = vector.broadcast %shift_left3A_143 : i32 to vector<16xi32>
        %shift_left3A_145 = arith.shli %get3A_142, %shift_left3A_144 : vector<16xi32>
        %bitcast3A_146 = vector.bitcast %shift_left3A_145 : vector<16xi32> to vector<16xf32>
        %swap3A_147 = arith.index_cast %scan3A_128 : i32 to index
        %swap3A_148 = arith.constant 32 : index
        %swap3A_149 = tpu.vector_load %arg10[%swap3A_147, %swap3A_148] {strides = array<i32>} : memref<128x128xf32, #tpu.memory_space<vmem>>, vector<16xf32>,
        tpu.vector_store %arg10[%swap3A_147, %swap3A_148], %bitcast3A_146 {strides = array<i32>} : memref<128x128xf32, #tpu.memory_space<vmem>>, vector<16xf32>,
        %and3A_150 = arith.andi %get3A_142, %broadcast_in_dim3A_21 : vector<16xi32>
        %bitcast3A_151 = vector.bitcast %and3A_150 : vector<16xi32> to vector<16xf32>
        %swap3A_152 = arith.index_cast %scan3A_128 : i32 to index
        %swap3A_153 = arith.constant 48 : index
        %swap3A_154 = tpu.vector_load %arg10[%swap3A_152, %swap3A_153] {strides = array<i32>} : memref<128x128xf32, #tpu.memory_space<vmem>>, vector<16xf32>,
        tpu.vector_store %arg10[%swap3A_152, %swap3A_153], %bitcast3A_151 {strides = array<i32>} : memref<128x128xf32, #tpu.memory_space<vmem>>, vector<16xf32>,
        %get3A_155 = arith.index_cast %scan3A_128 : i32 to index
        %get3A_156 = arith.constant 32 : index
        %get3A_157 = tpu.vector_load %arg9[%get3A_155, %get3A_156] {strides = array<i32>} : memref<128x64xi32, #tpu.memory_space<vmem>>, vector<16xi32>,
        %shift_left3A_158 = arith.constant 16 : i32
        %shift_left3A_159 = vector.broadcast %shift_left3A_158 : i32 to vector<16xi32>
        %shift_left3A_160 = arith.shli %get3A_157, %shift_left3A_159 : vector<16xi32>
        %bitcast3A_161 = vector.bitcast %shift_left3A_160 : vector<16xi32> to vector<16xf32>
        %swap3A_162 = arith.index_cast %scan3A_128 : i32 to index
        %swap3A_163 = arith.constant 64 : index
        %swap3A_164 = tpu.vector_load %arg10[%swap3A_162, %swap3A_163] {strides = array<i32>} : memref<128x128xf32, #tpu.memory_space<vmem>>, vector<16xf32>,
        tpu.vector_store %arg10[%swap3A_162, %swap3A_163], %bitcast3A_161 {strides = array<i32>} : memref<128x128xf32, #tpu.memory_space<vmem>>, vector<16xf32>,
        %and3A_165 = arith.andi %get3A_157, %broadcast_in_dim3A_21 : vector<16xi32>
        %bitcast3A_166 = vector.bitcast %and3A_165 : vector<16xi32> to vector<16xf32>
        %swap3A_167 = arith.index_cast %scan3A_128 : i32 to index
        %swap3A_168 = arith.constant 80 : index
        %swap3A_169 = tpu.vector_load %arg10[%swap3A_167, %swap3A_168] {strides = array<i32>} : memref<128x128xf32, #tpu.memory_space<vmem>>, vector<16xf32>,
        tpu.vector_store %arg10[%swap3A_167, %swap3A_168], %bitcast3A_166 {strides = array<i32>} : memref<128x128xf32, #tpu.memory_space<vmem>>, vector<16xf32>,
        %get3A_170 = arith.index_cast %scan3A_128 : i32 to index
        %get3A_171 = arith.constant 48 : index
        %get3A_172 = tpu.vector_load %arg9[%get3A_170, %get3A_171] {strides = array<i32>} : memref<128x64xi32, #tpu.memory_space<vmem>>, vector<16xi32>,
        %shift_left3A_173 = arith.constant 16 : i32
        %shift_left3A_174 = vector.broadcast %shift_left3A_173 : i32 to vector<16xi32>
        %shift_left3A_175 = arith.shli %get3A_172, %shift_left3A_174 : vector<16xi32>
        %bitcast3A_176 = vector.bitcast %shift_left3A_175 : vector<16xi32> to vector<16xf32>
        %swap3A_177 = arith.index_cast %scan3A_128 : i32 to index
        %swap3A_178 = arith.constant 96 : index
        %swap3A_179 = tpu.vector_load %arg10[%swap3A_177, %swap3A_178] {strides = array<i32>} : memref<128x128xf32, #tpu.memory_space<vmem>>, vector<16xf32>,
        tpu.vector_store %arg10[%swap3A_177, %swap3A_178], %bitcast3A_176 {strides = array<i32>} : memref<128x128xf32, #tpu.memory_space<vmem>>, vector<16xf32>,
        %and3A_180 = arith.andi %get3A_172, %broadcast_in_dim3A_21 : vector<16xi32>
        %bitcast3A_181 = vector.bitcast %and3A_180 : vector<16xi32> to vector<16xf32>
        %swap3A_182 = arith.index_cast %scan3A_128 : i32 to index
        %swap3A_183 = arith.constant 112 : index
        %swap3A_184 = tpu.vector_load %arg10[%swap3A_182, %swap3A_183] {strides = array<i32>} : memref<128x128xf32, #tpu.memory_space<vmem>>, vector<16xf32>,
        tpu.vector_store %arg10[%swap3A_182, %swap3A_183], %bitcast3A_181 {strides = array<i32>} : memref<128x128xf32, #tpu.memory_space<vmem>>, vector<16xf32>,
        %scan3A_185 = arith.constant 0 : i32
        scf.yield %scan3A_185 : i32
      }
      %scan3A_120 = arith.constant 128 : i32
      %dma_start3A_121 = arith.constant 0 : i32
      %dma_start3A_122 = tpu.memref_slice %arg7[%add3A_68, %dma_start3A_121] : memref<40x128xi32, #tpu.memory_space<vmem>> -> memref<1x128xi32, #tpu.memory_space<vmem>>
      %dma_start3A_123 = tpu.memref_squeeze %dma_start3A_122 : memref<1x128xi32, #tpu.memory_space<vmem>> -> memref<128xi32, #tpu.memory_space<vmem>>
      %dma_start3A_124 = arith.constant 0 : i32
      %dma_start3A_125 = arith.constant 0 : i32
      %dma_start3A_126 = tpu.memref_slice %arg11[%dma_start3A_124, %dma_start3A_125] : memref<10240x128xf32, #tpu.memory_space<vmem_shared>> -> memref<10240x128xf32, #tpu.memory_space<vmem_shared>>
      tpu.enqueue_indirect_dma source(%arg10 : memref<128x128xf32, #tpu.memory_space<vmem>>) target(%dma_start3A_126 : memref<10240x128xf32, #tpu.memory_space<vmem_shared>>) offsets(%dma_start3A_123 : memref<128xi32, #tpu.memory_space<vmem>>) semaphore(%arg14 : memref<!tpu.dma_semaphore, #tpu.memory_space<semaphore_mem>>) {add = true}
      %scan3A_127 = arith.constant 0 : i32
      scf.yield %scan3A_127 : i32
    }
    %scan3A_34 = arith.constant 20 : i32
    %dma_wait3A = arith.constant 39 : i32
    %dma_wait3A_35 = arith.constant 0 : i32
    %dma_wait3A_36 = tpu.memref_slice %arg7[%dma_wait3A, %dma_wait3A_35] : memref<40x128xi32, #tpu.memory_space<vmem>> -> memref<1x128xi32, #tpu.memory_space<vmem>>
    %dma_wait3A_37 = tpu.memref_squeeze %dma_wait3A_36 : memref<1x128xi32, #tpu.memory_space<vmem>> -> memref<128xi32, #tpu.memory_space<vmem>>
    %dma_wait3A_38 = arith.constant 0 : i32
    %dma_wait3A_39 = arith.constant 0 : i32
    %dma_wait3A_40 = tpu.memref_slice %arg11[%dma_wait3A_38, %dma_wait3A_39] : memref<10240x128xf32, #tpu.memory_space<vmem_shared>> -> memref<10240x128xf32, #tpu.memory_space<vmem_shared>>
    tpu.wait_indirect_dma semaphore(%arg14 : memref<!tpu.dma_semaphore, #tpu.memory_space<semaphore_mem>>) src(%arg10 : memref<128x128xf32, #tpu.memory_space<vmem>>) dst(%dma_wait3A_40 : memref<10240x128xf32, #tpu.memory_space<vmem_shared>>)
    "tpu.region"() ({
      %run_scoped3A = tpu.sem_alloc : memref<!tpu.dma_semaphore, #tpu.memory_space<semaphore_mem>>
      %dma_start3A_63 = arith.constant 40 : i32
      %dma_start3A_64 = arith.constant 0 : i32
      %dma_start3A_65 = tpu.memref_slice %arg2[%add3A, %dma_start3A_63, %dma_start3A_64] : memref<32x80x128xi32, #tpu.memory_space<hbm>> -> memref<1x40x128xi32, #tpu.memory_space<hbm>>
      %dma_start3A_66 = tpu.memref_squeeze %dma_start3A_65 : memref<1x40x128xi32, #tpu.memory_space<hbm>> -> memref<40x128xi32, #tpu.memory_space<hbm>>
      %dma_start3A_67 = arith.constant 40 : i32
      %dma_start3A_68 = arith.constant 0 : i32
      %dma_start3A_69 = tpu.memref_slice %arg2[%add3A, %dma_start3A_67, %dma_start3A_68] : memref<32x80x128xi32, #tpu.memory_space<hbm>> -> memref<1x40x128xi32, #tpu.memory_space<hbm>>
      %dma_start3A_70 = tpu.memref_squeeze %dma_start3A_69 : memref<1x40x128xi32, #tpu.memory_space<hbm>> -> memref<40x128xi32, #tpu.memory_space<hbm>>
      tpu.enqueue_dma source(%dma_start3A_70 : memref<40x128xi32, #tpu.memory_space<hbm>>) target(%arg6 : memref<40x128xi32, #tpu.memory_space<vmem>>) target_semaphore(%run_scoped3A : memref<!tpu.dma_semaphore, #tpu.memory_space<semaphore_mem>>)
      %dma_wait3A_71 = arith.constant 40 : i32
      %dma_wait3A_72 = arith.constant 0 : i32
      %dma_wait3A_73 = tpu.memref_slice %arg2[%add3A, %dma_wait3A_71, %dma_wait3A_72] : memref<32x80x128xi32, #tpu.memory_space<hbm>> -> memref<1x40x128xi32, #tpu.memory_space<hbm>>
      %dma_wait3A_74 = tpu.memref_squeeze %dma_wait3A_73 : memref<1x40x128xi32, #tpu.memory_space<hbm>> -> memref<40x128xi32, #tpu.memory_space<hbm>>
      %dma_wait3A_75 = arith.constant 40 : i32
      %dma_wait3A_76 = arith.constant 0 : i32
      %dma_wait3A_77 = tpu.memref_slice %arg2[%add3A, %dma_wait3A_75, %dma_wait3A_76] : memref<32x80x128xi32, #tpu.memory_space<hbm>> -> memref<1x40x128xi32, #tpu.memory_space<hbm>>
      %dma_wait3A_78 = tpu.memref_squeeze %dma_wait3A_77 : memref<1x40x128xi32, #tpu.memory_space<hbm>> -> memref<40x128xi32, #tpu.memory_space<hbm>>
      tpu.wait_dma2 semaphore(%run_scoped3A : memref<!tpu.dma_semaphore, #tpu.memory_space<semaphore_mem>>) src(%dma_wait3A_78 : memref<40x128xi32, #tpu.memory_space<hbm>>) dst(%arg6 : memref<40x128xi32, #tpu.memory_space<vmem>>)
      tpu.yield
    }) : () -> ()
    "tpu.region"() ({
      %run_scoped3A = tpu.sem_alloc : memref<!tpu.dma_semaphore, #tpu.memory_space<semaphore_mem>>
      %dma_start3A_63 = arith.constant 40 : i32
      %dma_start3A_64 = arith.constant 0 : i32
      %dma_start3A_65 = tpu.memref_slice %arg3[%add3A, %dma_start3A_63, %dma_start3A_64] : memref<32x80x128xi32, #tpu.memory_space<hbm>> -> memref<1x40x128xi32, #tpu.memory_space<hbm>>
      %dma_start3A_66 = tpu.memref_squeeze %dma_start3A_65 : memref<1x40x128xi32, #tpu.memory_space<hbm>> -> memref<40x128xi32, #tpu.memory_space<hbm>>
      %dma_start3A_67 = arith.constant 40 : i32
      %dma_start3A_68 = arith.constant 0 : i32
      %dma_start3A_69 = tpu.memref_slice %arg3[%add3A, %dma_start3A_67, %dma_start3A_68] : memref<32x80x128xi32, #tpu.memory_space<hbm>> -> memref<1x40x128xi32, #tpu.memory_space<hbm>>
      %dma_start3A_70 = tpu.memref_squeeze %dma_start3A_69 : memref<1x40x128xi32, #tpu.memory_space<hbm>> -> memref<40x128xi32, #tpu.memory_space<hbm>>
      tpu.enqueue_dma source(%dma_start3A_70 : memref<40x128xi32, #tpu.memory_space<hbm>>) target(%arg7 : memref<40x128xi32, #tpu.memory_space<vmem>>) target_semaphore(%run_scoped3A : memref<!tpu.dma_semaphore, #tpu.memory_space<semaphore_mem>>)
      %dma_wait3A_71 = arith.constant 40 : i32
      %dma_wait3A_72 = arith.constant 0 : i32
      %dma_wait3A_73 = tpu.memref_slice %arg3[%add3A, %dma_wait3A_71, %dma_wait3A_72] : memref<32x80x128xi32, #tpu.memory_space<hbm>> -> memref<1x40x128xi32, #tpu.memory_space<hbm>>
      %dma_wait3A_74 = tpu.memref_squeeze %dma_wait3A_73 : memref<1x40x128xi32, #tpu.memory_space<hbm>> -> memref<40x128xi32, #tpu.memory_space<hbm>>
      %dma_wait3A_75 = arith.constant 40 : i32
      %dma_wait3A_76 = arith.constant 0 : i32
      %dma_wait3A_77 = tpu.memref_slice %arg3[%add3A, %dma_wait3A_75, %dma_wait3A_76] : memref<32x80x128xi32, #tpu.memory_space<hbm>> -> memref<1x40x128xi32, #tpu.memory_space<hbm>>
      %dma_wait3A_78 = tpu.memref_squeeze %dma_wait3A_77 : memref<1x40x128xi32, #tpu.memory_space<hbm>> -> memref<40x128xi32, #tpu.memory_space<hbm>>
      tpu.wait_dma2 semaphore(%run_scoped3A : memref<!tpu.dma_semaphore, #tpu.memory_space<semaphore_mem>>) src(%dma_wait3A_78 : memref<40x128xi32, #tpu.memory_space<hbm>>) dst(%arg7 : memref<40x128xi32, #tpu.memory_space<vmem>>)
      tpu.yield
    }) : () -> ()
    %dma_start3A_41 = arith.constant 0 : i32
    %dma_start3A_42 = arith.constant 0 : i32
    %dma_start3A_43 = tpu.memref_slice %arg6[%dma_start3A_41, %dma_start3A_42] : memref<40x128xi32, #tpu.memory_space<vmem>> -> memref<1x128xi32, #tpu.memory_space<vmem>>
    %dma_start3A_44 = tpu.memref_squeeze %dma_start3A_43 : memref<1x128xi32, #tpu.memory_space<vmem>> -> memref<128xi32, #tpu.memory_space<vmem>>
    %dma_start3A_45 = arith.constant 0 : i32
    %dma_start3A_46 = arith.constant 0 : i32
    %dma_start3A_47 = tpu.memref_slice %arg4[%dma_start3A_45, %dma_start3A_46] : memref<10240x64xi32, #tpu.memory_space<hbm>> -> memref<10240x64xi32, #tpu.memory_space<hbm>>
    tpu.enqueue_indirect_dma source(%dma_start3A_47 : memref<10240x64xi32, #tpu.memory_space<hbm>>) target(%arg8 : memref<128x64xi32, #tpu.memory_space<vmem>>) offsets(%dma_start3A_44 : memref<128xi32, #tpu.memory_space<vmem>>) semaphore(%arg12 : memref<!tpu.dma_semaphore, #tpu.memory_space<semaphore_mem>>)
    %scan3A_48 = arith.constant 0 : i32
    %scan3A_49 = arith.constant 0 : i32
    %scan3A_50 = arith.constant 20 : i32
    %scan3A_51 = arith.addi %scan3A_49, %scan3A_50 : i32
    %scan3A_52 = arith.constant 1 : i32
    %scan3A_53 = scf.for %scan3A_63 = %scan3A_49 to %scan3A_51 step %scan3A_52 iter_args(%scan3A_64 = %scan3A_48) -> (i32)  : i32 {
      %mul3A_65 = arith.constant 2 : i32
      %mul3A_66 = arith.muli %mul3A_65, %scan3A_63 : i32
      %add3A_67 = arith.constant 1 : i32
      %add3A_68 = arith.addi %mul3A_66, %add3A_67 : i32
      %dma_start3A_69 = arith.constant 0 : i32
      %dma_start3A_70 = tpu.memref_slice %arg6[%add3A_68, %dma_start3A_69] : memref<40x128xi32, #tpu.memory_space<vmem>> -> memref<1x128xi32, #tpu.memory_space<vmem>>
      %dma_start3A_71 = tpu.memref_squeeze %dma_start3A_70 : memref<1x128xi32, #tpu.memory_space<vmem>> -> memref<128xi32, #tpu.memory_space<vmem>>
      %dma_start3A_72 = arith.constant 0 : i32
      %dma_start3A_73 = arith.constant 0 : i32
      %dma_start3A_74 = tpu.memref_slice %arg4[%dma_start3A_72, %dma_start3A_73] : memref<10240x64xi32, #tpu.memory_space<hbm>> -> memref<10240x64xi32, #tpu.memory_space<hbm>>
      tpu.enqueue_indirect_dma source(%dma_start3A_74 : memref<10240x64xi32, #tpu.memory_space<hbm>>) target(%arg9 : memref<128x64xi32, #tpu.memory_space<vmem>>) offsets(%dma_start3A_71 : memref<128xi32, #tpu.memory_space<vmem>>) semaphore(%arg13 : memref<!tpu.dma_semaphore, #tpu.memory_space<semaphore_mem>>)
      %dma_wait3A_75 = arith.constant 0 : i32
      %dma_wait3A_76 = tpu.memref_slice %arg6[%mul3A_66, %dma_wait3A_75] : memref<40x128xi32, #tpu.memory_space<vmem>> -> memref<1x128xi32, #tpu.memory_space<vmem>>
      %dma_wait3A_77 = tpu.memref_squeeze %dma_wait3A_76 : memref<1x128xi32, #tpu.memory_space<vmem>> -> memref<128xi32, #tpu.memory_space<vmem>>
      %dma_wait3A_78 = arith.constant 0 : i32
      %dma_wait3A_79 = arith.constant 0 : i32
      %dma_wait3A_80 = tpu.memref_slice %arg4[%dma_wait3A_78, %dma_wait3A_79] : memref<10240x64xi32, #tpu.memory_space<hbm>> -> memref<10240x64xi32, #tpu.memory_space<hbm>>
      tpu.wait_indirect_dma semaphore(%arg12 : memref<!tpu.dma_semaphore, #tpu.memory_space<semaphore_mem>>) src(%dma_wait3A_80 : memref<10240x64xi32, #tpu.memory_space<hbm>>) dst(%arg8 : memref<128x64xi32, #tpu.memory_space<vmem>>)
      %gt3A = arith.constant 0 : i32
      %gt3A_81 = arith.cmpi sgt, %mul3A_66, %gt3A : i32
      %convert_element_type3A = arith.extui %gt3A_81 : i1 to i32
      %cond3A = arith.constant 0 : i32
      %cond3A_82 = arith.cmpi ne, %convert_element_type3A, %cond3A : i32
      scf.if %cond3A_82 {
        %sub3A = arith.constant 1 : i32
        %sub3A_128 = arith.subi %mul3A_66, %sub3A : i32
        %dma_wait3A_129 = arith.constant 0 : i32
        %dma_wait3A_130 = tpu.memref_slice %arg7[%sub3A_128, %dma_wait3A_129] : memref<40x128xi32, #tpu.memory_space<vmem>> -> memref<1x128xi32, #tpu.memory_space<vmem>>
        %dma_wait3A_131 = tpu.memref_squeeze %dma_wait3A_130 : memref<1x128xi32, #tpu.memory_space<vmem>> -> memref<128xi32, #tpu.memory_space<vmem>>
        %dma_wait3A_132 = arith.constant 0 : i32
        %dma_wait3A_133 = arith.constant 0 : i32
        %dma_wait3A_134 = tpu.memref_slice %arg11[%dma_wait3A_132, %dma_wait3A_133] : memref<10240x128xf32, #tpu.memory_space<vmem_shared>> -> memref<10240x128xf32, #tpu.memory_space<vmem_shared>>
        tpu.wait_indirect_dma semaphore(%arg14 : memref<!tpu.dma_semaphore, #tpu.memory_space<semaphore_mem>>) src(%arg10 : memref<128x128xf32, #tpu.memory_space<vmem>>) dst(%dma_wait3A_134 : memref<10240x128xf32, #tpu.memory_space<vmem_shared>>)
      } else {
      }
      %scan3A_83 = arith.constant 0 : i32
      %scan3A_84 = arith.constant 0 : i32
      %scan3A_85 = arith.constant 128 : i32
      %scan3A_86 = arith.addi %scan3A_84, %scan3A_85 : i32
      %scan3A_87 = arith.constant 1 : i32
      %scan3A_88 = scf.for %scan3A_128 = %scan3A_84 to %scan3A_86 step %scan3A_87 iter_args(%scan3A_129 = %scan3A_83) -> (i32)  : i32 {
        %get3A = arith.index_cast %scan3A_128 : i32 to index
        %get3A_130 = arith.constant 0 : index
        %get3A_131 = tpu.vector_load %arg8[%get3A, %get3A_130] {strides = array<i32>} : memref<128x64xi32, #tpu.memory_space<vmem>>, vector<16xi32>,
        %shift_left3A = arith.constant 16 : i32
        %shift_left3A_132 = vector.broadcast %shift_left3A : i32 to vector<16xi32>
        %shift_left3A_133 = arith.shli %get3A_131, %shift_left3A_132 : vector<16xi32>
        %bitcast3A = vector.bitcast %shift_left3A_133 : vector<16xi32> to vector<16xf32>
        %swap3A = arith.index_cast %scan3A_128 : i32 to index
        %swap3A_134 = arith.constant 0 : index
        %swap3A_135 = tpu.vector_load %arg10[%swap3A, %swap3A_134] {strides = array<i32>} : memref<128x128xf32, #tpu.memory_space<vmem>>, vector<16xf32>,
        tpu.vector_store %arg10[%swap3A, %swap3A_134], %bitcast3A {strides = array<i32>} : memref<128x128xf32, #tpu.memory_space<vmem>>, vector<16xf32>,
        %and3A = arith.andi %get3A_131, %broadcast_in_dim3A_21 : vector<16xi32>
        %bitcast3A_136 = vector.bitcast %and3A : vector<16xi32> to vector<16xf32>
        %swap3A_137 = arith.index_cast %scan3A_128 : i32 to index
        %swap3A_138 = arith.constant 16 : index
        %swap3A_139 = tpu.vector_load %arg10[%swap3A_137, %swap3A_138] {strides = array<i32>} : memref<128x128xf32, #tpu.memory_space<vmem>>, vector<16xf32>,
        tpu.vector_store %arg10[%swap3A_137, %swap3A_138], %bitcast3A_136 {strides = array<i32>} : memref<128x128xf32, #tpu.memory_space<vmem>>, vector<16xf32>,
        %get3A_140 = arith.index_cast %scan3A_128 : i32 to index
        %get3A_141 = arith.constant 16 : index
        %get3A_142 = tpu.vector_load %arg8[%get3A_140, %get3A_141] {strides = array<i32>} : memref<128x64xi32, #tpu.memory_space<vmem>>, vector<16xi32>,
        %shift_left3A_143 = arith.constant 16 : i32
        %shift_left3A_144 = vector.broadcast %shift_left3A_143 : i32 to vector<16xi32>
        %shift_left3A_145 = arith.shli %get3A_142, %shift_left3A_144 : vector<16xi32>
        %bitcast3A_146 = vector.bitcast %shift_left3A_145 : vector<16xi32> to vector<16xf32>
        %swap3A_147 = arith.index_cast %scan3A_128 : i32 to index
        %swap3A_148 = arith.constant 32 : index
        %swap3A_149 = tpu.vector_load %arg10[%swap3A_147, %swap3A_148] {strides = array<i32>} : memref<128x128xf32, #tpu.memory_space<vmem>>, vector<16xf32>,
        tpu.vector_store %arg10[%swap3A_147, %swap3A_148], %bitcast3A_146 {strides = array<i32>} : memref<128x128xf32, #tpu.memory_space<vmem>>, vector<16xf32>,
        %and3A_150 = arith.andi %get3A_142, %broadcast_in_dim3A_21 : vector<16xi32>
        %bitcast3A_151 = vector.bitcast %and3A_150 : vector<16xi32> to vector<16xf32>
        %swap3A_152 = arith.index_cast %scan3A_128 : i32 to index
        %swap3A_153 = arith.constant 48 : index
        %swap3A_154 = tpu.vector_load %arg10[%swap3A_152, %swap3A_153] {strides = array<i32>} : memref<128x128xf32, #tpu.memory_space<vmem>>, vector<16xf32>,
        tpu.vector_store %arg10[%swap3A_152, %swap3A_153], %bitcast3A_151 {strides = array<i32>} : memref<128x128xf32, #tpu.memory_space<vmem>>, vector<16xf32>,
        %get3A_155 = arith.index_cast %scan3A_128 : i32 to index
        %get3A_156 = arith.constant 32 : index
        %get3A_157 = tpu.vector_load %arg8[%get3A_155, %get3A_156] {strides = array<i32>} : memref<128x64xi32, #tpu.memory_space<vmem>>, vector<16xi32>,
        %shift_left3A_158 = arith.constant 16 : i32
        %shift_left3A_159 = vector.broadcast %shift_left3A_158 : i32 to vector<16xi32>
        %shift_left3A_160 = arith.shli %get3A_157, %shift_left3A_159 : vector<16xi32>
        %bitcast3A_161 = vector.bitcast %shift_left3A_160 : vector<16xi32> to vector<16xf32>
        %swap3A_162 = arith.index_cast %scan3A_128 : i32 to index
        %swap3A_163 = arith.constant 64 : index
        %swap3A_164 = tpu.vector_load %arg10[%swap3A_162, %swap3A_163] {strides = array<i32>} : memref<128x128xf32, #tpu.memory_space<vmem>>, vector<16xf32>,
        tpu.vector_store %arg10[%swap3A_162, %swap3A_163], %bitcast3A_161 {strides = array<i32>} : memref<128x128xf32, #tpu.memory_space<vmem>>, vector<16xf32>,
        %and3A_165 = arith.andi %get3A_157, %broadcast_in_dim3A_21 : vector<16xi32>
        %bitcast3A_166 = vector.bitcast %and3A_165 : vector<16xi32> to vector<16xf32>
        %swap3A_167 = arith.index_cast %scan3A_128 : i32 to index
        %swap3A_168 = arith.constant 80 : index
        %swap3A_169 = tpu.vector_load %arg10[%swap3A_167, %swap3A_168] {strides = array<i32>} : memref<128x128xf32, #tpu.memory_space<vmem>>, vector<16xf32>,
        tpu.vector_store %arg10[%swap3A_167, %swap3A_168], %bitcast3A_166 {strides = array<i32>} : memref<128x128xf32, #tpu.memory_space<vmem>>, vector<16xf32>,
        %get3A_170 = arith.index_cast %scan3A_128 : i32 to index
        %get3A_171 = arith.constant 48 : index
        %get3A_172 = tpu.vector_load %arg8[%get3A_170, %get3A_171] {strides = array<i32>} : memref<128x64xi32, #tpu.memory_space<vmem>>, vector<16xi32>,
        %shift_left3A_173 = arith.constant 16 : i32
        %shift_left3A_174 = vector.broadcast %shift_left3A_173 : i32 to vector<16xi32>
        %shift_left3A_175 = arith.shli %get3A_172, %shift_left3A_174 : vector<16xi32>
        %bitcast3A_176 = vector.bitcast %shift_left3A_175 : vector<16xi32> to vector<16xf32>
        %swap3A_177 = arith.index_cast %scan3A_128 : i32 to index
        %swap3A_178 = arith.constant 96 : index
        %swap3A_179 = tpu.vector_load %arg10[%swap3A_177, %swap3A_178] {strides = array<i32>} : memref<128x128xf32, #tpu.memory_space<vmem>>, vector<16xf32>,
        tpu.vector_store %arg10[%swap3A_177, %swap3A_178], %bitcast3A_176 {strides = array<i32>} : memref<128x128xf32, #tpu.memory_space<vmem>>, vector<16xf32>,
        %and3A_180 = arith.andi %get3A_172, %broadcast_in_dim3A_21 : vector<16xi32>
        %bitcast3A_181 = vector.bitcast %and3A_180 : vector<16xi32> to vector<16xf32>
        %swap3A_182 = arith.index_cast %scan3A_128 : i32 to index
        %swap3A_183 = arith.constant 112 : index
        %swap3A_184 = tpu.vector_load %arg10[%swap3A_182, %swap3A_183] {strides = array<i32>} : memref<128x128xf32, #tpu.memory_space<vmem>>, vector<16xf32>,
        tpu.vector_store %arg10[%swap3A_182, %swap3A_183], %bitcast3A_181 {strides = array<i32>} : memref<128x128xf32, #tpu.memory_space<vmem>>, vector<16xf32>,
        %scan3A_185 = arith.constant 0 : i32
        scf.yield %scan3A_185 : i32
      }
      %scan3A_89 = arith.constant 128 : i32
      %dma_start3A_90 = arith.constant 0 : i32
      %dma_start3A_91 = tpu.memref_slice %arg7[%mul3A_66, %dma_start3A_90] : memref<40x128xi32, #tpu.memory_space<vmem>> -> memref<1x128xi32, #tpu.memory_space<vmem>>
      %dma_start3A_92 = tpu.memref_squeeze %dma_start3A_91 : memref<1x128xi32, #tpu.memory_space<vmem>> -> memref<128xi32, #tpu.memory_space<vmem>>
      %dma_start3A_93 = arith.constant 0 : i32
      %dma_start3A_94 = arith.constant 0 : i32
      %dma_start3A_95 = tpu.memref_slice %arg11[%dma_start3A_93, %dma_start3A_94] : memref<10240x128xf32, #tpu.memory_space<vmem_shared>> -> memref<10240x128xf32, #tpu.memory_space<vmem_shared>>
      tpu.enqueue_indirect_dma source(%arg10 : memref<128x128xf32, #tpu.memory_space<vmem>>) target(%dma_start3A_95 : memref<10240x128xf32, #tpu.memory_space<vmem_shared>>) offsets(%dma_start3A_92 : memref<128xi32, #tpu.memory_space<vmem>>) semaphore(%arg14 : memref<!tpu.dma_semaphore, #tpu.memory_space<semaphore_mem>>) {add = true}
      %add3A_96 = arith.constant 2 : i32
      %add3A_97 = arith.addi %mul3A_66, %add3A_96 : i32
      %lt3A = arith.constant 40 : i32
      %lt3A_98 = arith.cmpi slt, %add3A_97, %lt3A : i32
      %convert_element_type3A_99 = arith.extui %lt3A_98 : i1 to i32
      %cond3A_100 = arith.constant 0 : i32
      %cond3A_101 = arith.cmpi ne, %convert_element_type3A_99, %cond3A_100 : i32
      scf.if %cond3A_101 {
        %add3A_128 = arith.constant 2 : i32
        %add3A_129 = arith.addi %mul3A_66, %add3A_128 : i32
        %dma_start3A_130 = arith.constant 0 : i32
        %dma_start3A_131 = tpu.memref_slice %arg6[%add3A_129, %dma_start3A_130] : memref<40x128xi32, #tpu.memory_space<vmem>> -> memref<1x128xi32, #tpu.memory_space<vmem>>
        %dma_start3A_132 = tpu.memref_squeeze %dma_start3A_131 : memref<1x128xi32, #tpu.memory_space<vmem>> -> memref<128xi32, #tpu.memory_space<vmem>>
        %dma_start3A_133 = arith.constant 0 : i32
        %dma_start3A_134 = arith.constant 0 : i32
        %dma_start3A_135 = tpu.memref_slice %arg4[%dma_start3A_133, %dma_start3A_134] : memref<10240x64xi32, #tpu.memory_space<hbm>> -> memref<10240x64xi32, #tpu.memory_space<hbm>>
        tpu.enqueue_indirect_dma source(%dma_start3A_135 : memref<10240x64xi32, #tpu.memory_space<hbm>>) target(%arg8 : memref<128x64xi32, #tpu.memory_space<vmem>>) offsets(%dma_start3A_132 : memref<128xi32, #tpu.memory_space<vmem>>) semaphore(%arg12 : memref<!tpu.dma_semaphore, #tpu.memory_space<semaphore_mem>>)
      } else {
      }
      %dma_wait3A_102 = arith.constant 0 : i32
      %dma_wait3A_103 = tpu.memref_slice %arg6[%add3A_68, %dma_wait3A_102] : memref<40x128xi32, #tpu.memory_space<vmem>> -> memref<1x128xi32, #tpu.memory_space<vmem>>
      %dma_wait3A_104 = tpu.memref_squeeze %dma_wait3A_103 : memref<1x128xi32, #tpu.memory_space<vmem>> -> memref<128xi32, #tpu.memory_space<vmem>>
      %dma_wait3A_105 = arith.constant 0 : i32
      %dma_wait3A_106 = arith.constant 0 : i32
      %dma_wait3A_107 = tpu.memref_slice %arg4[%dma_wait3A_105, %dma_wait3A_106] : memref<10240x64xi32, #tpu.memory_space<hbm>> -> memref<10240x64xi32, #tpu.memory_space<hbm>>
      tpu.wait_indirect_dma semaphore(%arg13 : memref<!tpu.dma_semaphore, #tpu.memory_space<semaphore_mem>>) src(%dma_wait3A_107 : memref<10240x64xi32, #tpu.memory_space<hbm>>) dst(%arg9 : memref<128x64xi32, #tpu.memory_space<vmem>>)
      %dma_wait3A_108 = arith.constant 0 : i32
      %dma_wait3A_109 = tpu.memref_slice %arg7[%mul3A_66, %dma_wait3A_108] : memref<40x128xi32, #tpu.memory_space<vmem>> -> memref<1x128xi32, #tpu.memory_space<vmem>>
      %dma_wait3A_110 = tpu.memref_squeeze %dma_wait3A_109 : memref<1x128xi32, #tpu.memory_space<vmem>> -> memref<128xi32, #tpu.memory_space<vmem>>
      %dma_wait3A_111 = arith.constant 0 : i32
      %dma_wait3A_112 = arith.constant 0 : i32
      %dma_wait3A_113 = tpu.memref_slice %arg11[%dma_wait3A_111, %dma_wait3A_112] : memref<10240x128xf32, #tpu.memory_space<vmem_shared>> -> memref<10240x128xf32, #tpu.memory_space<vmem_shared>>
      tpu.wait_indirect_dma semaphore(%arg14 : memref<!tpu.dma_semaphore, #tpu.memory_space<semaphore_mem>>) src(%arg10 : memref<128x128xf32, #tpu.memory_space<vmem>>) dst(%dma_wait3A_113 : memref<10240x128xf32, #tpu.memory_space<vmem_shared>>)
      %scan3A_114 = arith.constant 0 : i32
      %scan3A_115 = arith.constant 0 : i32
      %scan3A_116 = arith.constant 128 : i32
      %scan3A_117 = arith.addi %scan3A_115, %scan3A_116 : i32
      %scan3A_118 = arith.constant 1 : i32
      %scan3A_119 = scf.for %scan3A_128 = %scan3A_115 to %scan3A_117 step %scan3A_118 iter_args(%scan3A_129 = %scan3A_114) -> (i32)  : i32 {
        %get3A = arith.index_cast %scan3A_128 : i32 to index
        %get3A_130 = arith.constant 0 : index
        %get3A_131 = tpu.vector_load %arg9[%get3A, %get3A_130] {strides = array<i32>} : memref<128x64xi32, #tpu.memory_space<vmem>>, vector<16xi32>,
        %shift_left3A = arith.constant 16 : i32
        %shift_left3A_132 = vector.broadcast %shift_left3A : i32 to vector<16xi32>
        %shift_left3A_133 = arith.shli %get3A_131, %shift_left3A_132 : vector<16xi32>
        %bitcast3A = vector.bitcast %shift_left3A_133 : vector<16xi32> to vector<16xf32>
        %swap3A = arith.index_cast %scan3A_128 : i32 to index
        %swap3A_134 = arith.constant 0 : index
        %swap3A_135 = tpu.vector_load %arg10[%swap3A, %swap3A_134] {strides = array<i32>} : memref<128x128xf32, #tpu.memory_space<vmem>>, vector<16xf32>,
        tpu.vector_store %arg10[%swap3A, %swap3A_134], %bitcast3A {strides = array<i32>} : memref<128x128xf32, #tpu.memory_space<vmem>>, vector<16xf32>,
        %and3A = arith.andi %get3A_131, %broadcast_in_dim3A_21 : vector<16xi32>
        %bitcast3A_136 = vector.bitcast %and3A : vector<16xi32> to vector<16xf32>
        %swap3A_137 = arith.index_cast %scan3A_128 : i32 to index
        %swap3A_138 = arith.constant 16 : index
        %swap3A_139 = tpu.vector_load %arg10[%swap3A_137, %swap3A_138] {strides = array<i32>} : memref<128x128xf32, #tpu.memory_space<vmem>>, vector<16xf32>,
        tpu.vector_store %arg10[%swap3A_137, %swap3A_138], %bitcast3A_136 {strides = array<i32>} : memref<128x128xf32, #tpu.memory_space<vmem>>, vector<16xf32>,
        %get3A_140 = arith.index_cast %scan3A_128 : i32 to index
        %get3A_141 = arith.constant 16 : index
        %get3A_142 = tpu.vector_load %arg9[%get3A_140, %get3A_141] {strides = array<i32>} : memref<128x64xi32, #tpu.memory_space<vmem>>, vector<16xi32>,
        %shift_left3A_143 = arith.constant 16 : i32
        %shift_left3A_144 = vector.broadcast %shift_left3A_143 : i32 to vector<16xi32>
        %shift_left3A_145 = arith.shli %get3A_142, %shift_left3A_144 : vector<16xi32>
        %bitcast3A_146 = vector.bitcast %shift_left3A_145 : vector<16xi32> to vector<16xf32>
        %swap3A_147 = arith.index_cast %scan3A_128 : i32 to index
        %swap3A_148 = arith.constant 32 : index
        %swap3A_149 = tpu.vector_load %arg10[%swap3A_147, %swap3A_148] {strides = array<i32>} : memref<128x128xf32, #tpu.memory_space<vmem>>, vector<16xf32>,
        tpu.vector_store %arg10[%swap3A_147, %swap3A_148], %bitcast3A_146 {strides = array<i32>} : memref<128x128xf32, #tpu.memory_space<vmem>>, vector<16xf32>,
        %and3A_150 = arith.andi %get3A_142, %broadcast_in_dim3A_21 : vector<16xi32>
        %bitcast3A_151 = vector.bitcast %and3A_150 : vector<16xi32> to vector<16xf32>
        %swap3A_152 = arith.index_cast %scan3A_128 : i32 to index
        %swap3A_153 = arith.constant 48 : index
        %swap3A_154 = tpu.vector_load %arg10[%swap3A_152, %swap3A_153] {strides = array<i32>} : memref<128x128xf32, #tpu.memory_space<vmem>>, vector<16xf32>,
        tpu.vector_store %arg10[%swap3A_152, %swap3A_153], %bitcast3A_151 {strides = array<i32>} : memref<128x128xf32, #tpu.memory_space<vmem>>, vector<16xf32>,
        %get3A_155 = arith.index_cast %scan3A_128 : i32 to index
        %get3A_156 = arith.constant 32 : index
        %get3A_157 = tpu.vector_load %arg9[%get3A_155, %get3A_156] {strides = array<i32>} : memref<128x64xi32, #tpu.memory_space<vmem>>, vector<16xi32>,
        %shift_left3A_158 = arith.constant 16 : i32
        %shift_left3A_159 = vector.broadcast %shift_left3A_158 : i32 to vector<16xi32>
        %shift_left3A_160 = arith.shli %get3A_157, %shift_left3A_159 : vector<16xi32>
        %bitcast3A_161 = vector.bitcast %shift_left3A_160 : vector<16xi32> to vector<16xf32>
        %swap3A_162 = arith.index_cast %scan3A_128 : i32 to index
        %swap3A_163 = arith.constant 64 : index
        %swap3A_164 = tpu.vector_load %arg10[%swap3A_162, %swap3A_163] {strides = array<i32>} : memref<128x128xf32, #tpu.memory_space<vmem>>, vector<16xf32>,
        tpu.vector_store %arg10[%swap3A_162, %swap3A_163], %bitcast3A_161 {strides = array<i32>} : memref<128x128xf32, #tpu.memory_space<vmem>>, vector<16xf32>,
        %and3A_165 = arith.andi %get3A_157, %broadcast_in_dim3A_21 : vector<16xi32>
        %bitcast3A_166 = vector.bitcast %and3A_165 : vector<16xi32> to vector<16xf32>
        %swap3A_167 = arith.index_cast %scan3A_128 : i32 to index
        %swap3A_168 = arith.constant 80 : index
        %swap3A_169 = tpu.vector_load %arg10[%swap3A_167, %swap3A_168] {strides = array<i32>} : memref<128x128xf32, #tpu.memory_space<vmem>>, vector<16xf32>,
        tpu.vector_store %arg10[%swap3A_167, %swap3A_168], %bitcast3A_166 {strides = array<i32>} : memref<128x128xf32, #tpu.memory_space<vmem>>, vector<16xf32>,
        %get3A_170 = arith.index_cast %scan3A_128 : i32 to index
        %get3A_171 = arith.constant 48 : index
        %get3A_172 = tpu.vector_load %arg9[%get3A_170, %get3A_171] {strides = array<i32>} : memref<128x64xi32, #tpu.memory_space<vmem>>, vector<16xi32>,
        %shift_left3A_173 = arith.constant 16 : i32
        %shift_left3A_174 = vector.broadcast %shift_left3A_173 : i32 to vector<16xi32>
        %shift_left3A_175 = arith.shli %get3A_172, %shift_left3A_174 : vector<16xi32>
        %bitcast3A_176 = vector.bitcast %shift_left3A_175 : vector<16xi32> to vector<16xf32>
        %swap3A_177 = arith.index_cast %scan3A_128 : i32 to index
        %swap3A_178 = arith.constant 96 : index
        %swap3A_179 = tpu.vector_load %arg10[%swap3A_177, %swap3A_178] {strides = array<i32>} : memref<128x128xf32, #tpu.memory_space<vmem>>, vector<16xf32>,
        tpu.vector_store %arg10[%swap3A_177, %swap3A_178], %bitcast3A_176 {strides = array<i32>} : memref<128x128xf32, #tpu.memory_space<vmem>>, vector<16xf32>,
        %and3A_180 = arith.andi %get3A_172, %broadcast_in_dim3A_21 : vector<16xi32>
        %bitcast3A_181 = vector.bitcast %and3A_180 : vector<16xi32> to vector<16xf32>
        %swap3A_182 = arith.index_cast %scan3A_128 : i32 to index
        %swap3A_183 = arith.constant 112 : index
        %swap3A_184 = tpu.vector_load %arg10[%swap3A_182, %swap3A_183] {strides = array<i32>} : memref<128x128xf32, #tpu.memory_space<vmem>>, vector<16xf32>,
        tpu.vector_store %arg10[%swap3A_182, %swap3A_183], %bitcast3A_181 {strides = array<i32>} : memref<128x128xf32, #tpu.memory_space<vmem>>, vector<16xf32>,
        %scan3A_185 = arith.constant 0 : i32
        scf.yield %scan3A_185 : i32
      }
      %scan3A_120 = arith.constant 128 : i32
      %dma_start3A_121 = arith.constant 0 : i32
      %dma_start3A_122 = tpu.memref_slice %arg7[%add3A_68, %dma_start3A_121] : memref<40x128xi32, #tpu.memory_space<vmem>> -> memref<1x128xi32, #tpu.memory_space<vmem>>
      %dma_start3A_123 = tpu.memref_squeeze %dma_start3A_122 : memref<1x128xi32, #tpu.memory_space<vmem>> -> memref<128xi32, #tpu.memory_space<vmem>>
      %dma_start3A_124 = arith.constant 0 : i32
      %dma_start3A_125 = arith.constant 0 : i32
      %dma_start3A_126 = tpu.memref_slice %arg11[%dma_start3A_124, %dma_start3A_125] : memref<10240x128xf32, #tpu.memory_space<vmem_shared>> -> memref<10240x128xf32, #tpu.memory_space<vmem_shared>>
      tpu.enqueue_indirect_dma source(%arg10 : memref<128x128xf32, #tpu.memory_space<vmem>>) target(%dma_start3A_126 : memref<10240x128xf32, #tpu.memory_space<vmem_shared>>) offsets(%dma_start3A_123 : memref<128xi32, #tpu.memory_space<vmem>>) semaphore(%arg14 : memref<!tpu.dma_semaphore, #tpu.memory_space<semaphore_mem>>) {add = true}
      %scan3A_127 = arith.constant 0 : i32
      scf.yield %scan3A_127 : i32
    }
    %scan3A_54 = arith.constant 20 : i32
    %dma_wait3A_55 = arith.constant 39 : i32
    %dma_wait3A_56 = arith.constant 0 : i32
    %dma_wait3A_57 = tpu.memref_slice %arg7[%dma_wait3A_55, %dma_wait3A_56] : memref<40x128xi32, #tpu.memory_space<vmem>> -> memref<1x128xi32, #tpu.memory_space<vmem>>
    %dma_wait3A_58 = tpu.memref_squeeze %dma_wait3A_57 : memref<1x128xi32, #tpu.memory_space<vmem>> -> memref<128xi32, #tpu.memory_space<vmem>>
    %dma_wait3A_59 = arith.constant 0 : i32
    %dma_wait3A_60 = arith.constant 0 : i32
    %dma_wait3A_61 = tpu.memref_slice %arg11[%dma_wait3A_59, %dma_wait3A_60] : memref<10240x128xf32, #tpu.memory_space<vmem_shared>> -> memref<10240x128xf32, #tpu.memory_space<vmem_shared>>
    tpu.wait_indirect_dma semaphore(%arg14 : memref<!tpu.dma_semaphore, #tpu.memory_space<semaphore_mem>>) src(%arg10 : memref<128x128xf32, #tpu.memory_space<vmem>>) dst(%dma_wait3A_61 : memref<10240x128xf32, #tpu.memory_space<vmem_shared>>)
    %barrier3A_62 = arith.constant 0 : index
    tpu.barrier barrier_id(%barrier3A_62)
    "tpu.region"() ({
      %run_scoped3A = tpu.sem_alloc : memref<!tpu.dma_semaphore, #tpu.memory_space<semaphore_mem>>
      %dma_start3A_63 = arith.constant 0 : i32
      %dma_start3A_64 = tpu.memref_slice %arg5[%arg0, %mul3A_2, %dma_start3A_63] : memref<2x10240x128xf32, #tpu.memory_space<hbm>> -> memref<1x640x128xf32, #tpu.memory_space<hbm>>
      %dma_start3A_65 = tpu.memref_squeeze %dma_start3A_64 : memref<1x640x128xf32, #tpu.memory_space<hbm>> -> memref<640x128xf32, #tpu.memory_space<hbm>>
      %dma_start3A_66 = arith.constant 0 : i32
      %dma_start3A_67 = tpu.memref_slice %arg11[%mul3A_2, %dma_start3A_66] : memref<10240x128xf32, #tpu.memory_space<vmem_shared>> -> memref<640x128xf32, #tpu.memory_space<vmem_shared>>
      tpu.enqueue_dma source(%dma_start3A_67 : memref<640x128xf32, #tpu.memory_space<vmem_shared>>) target(%dma_start3A_65 : memref<640x128xf32, #tpu.memory_space<hbm>>) target_semaphore(%run_scoped3A : memref<!tpu.dma_semaphore, #tpu.memory_space<semaphore_mem>>)
      %dma_wait3A_68 = arith.constant 0 : i32
      %dma_wait3A_69 = tpu.memref_slice %arg5[%arg0, %mul3A_2, %dma_wait3A_68] : memref<2x10240x128xf32, #tpu.memory_space<hbm>> -> memref<1x640x128xf32, #tpu.memory_space<hbm>>
      %dma_wait3A_70 = tpu.memref_squeeze %dma_wait3A_69 : memref<1x640x128xf32, #tpu.memory_space<hbm>> -> memref<640x128xf32, #tpu.memory_space<hbm>>
      %dma_wait3A_71 = arith.constant 0 : i32
      %dma_wait3A_72 = tpu.memref_slice %arg11[%mul3A_2, %dma_wait3A_71] : memref<10240x128xf32, #tpu.memory_space<vmem_shared>> -> memref<640x128xf32, #tpu.memory_space<vmem_shared>>
      tpu.wait_dma2 semaphore(%run_scoped3A : memref<!tpu.dma_semaphore, #tpu.memory_space<semaphore_mem>>) src(%dma_wait3A_72 : memref<640x128xf32, #tpu.memory_space<vmem_shared>>) dst(%dma_wait3A_70 : memref<640x128xf32, #tpu.memory_space<hbm>>)
      tpu.yield
    }) : () -> ()
    return
  }
}

#map = affine_map<(d0, d1) -> (0, 0, 0)>
#map1 = affine_map<(d0, d1) -> (0, 0)>
module attributes {stable_mosaic.version = 14 : i64} {
  func.func @edge_kernel(%arg0: i32, %arg1: i32, %arg2: memref<32x80x128xi32, #tpu.memory_space<hbm>>, %arg3: memref<32x80x128xi32, #tpu.memory_space<hbm>>, %arg4: memref<10240x64xi32, #tpu.memory_space<hbm>>, %arg5: memref<2x10240x128xf32, #tpu.memory_space<hbm>>, %arg6: memref<40x128xi32, #tpu.memory_space<vmem>>, %arg7: memref<40x128xi32, #tpu.memory_space<vmem>>, %arg8: memref<128x64xi32, #tpu.memory_space<vmem>>, %arg9: memref<128x64xi32, #tpu.memory_space<vmem>>, %arg10: memref<128x128xf32, #tpu.memory_space<vmem>>, %arg11: memref<10240x128xf32, #tpu.memory_space<vmem_shared>>, %arg12: memref<!tpu.dma_semaphore, #tpu.memory_space<semaphore_mem>>, %arg13: memref<!tpu.dma_semaphore, #tpu.memory_space<semaphore_mem>>, %arg14: memref<!tpu.dma_semaphore, #tpu.memory_space<semaphore_mem>>) attributes {dimension_semantics = [#tpu.dimension_semantics<core_parallel>, #tpu.dimension_semantics<subcore_parallel>], iteration_bounds = array<i64: 2, 16>, scalar_prefetch = 0 : i64, scratch_operands = 9 : i64, tpu.core_type = #tpu.core_type<sc_vector_subcore>, window_params = [{transform_indices = #map}, {transform_indices = #map}, {transform_indices = #map1}, {transform_indices = #map}]} {
    %mul3A = arith.constant 2 : i32
    %mul3A_0 = arith.muli %arg1, %mul3A : i32
    %add3A = arith.addi %mul3A_0, %arg0 : i32
    %mul3A_1 = arith.constant 640 : i32
    %mul3A_2 = arith.muli %arg1, %mul3A_1 : i32
    %broadcast_in_dim3A = arith.constant 0.000000e+00 : f32
    %broadcast_in_dim3A_3 = vector.broadcast %broadcast_in_dim3A : f32 to vector<16xf32>
    %scan3A = arith.constant 0 : i32
    %scan3A_4 = arith.constant 0 : i32
    %scan3A_5 = arith.constant 1024 : i32
    %scan3A_6 = arith.addi %scan3A_4, %scan3A_5 : i32
    %scan3A_7 = arith.constant 1 : i32
    %scan3A_8 = scf.for %scan3A_63 = %scan3A_4 to %scan3A_6 step %scan3A_7 iter_args(%scan3A_64 = %scan3A) -> (i32)  : i32 {
      %jit3A = arith.constant 8 : i32
      %div3A = arith.divsi %scan3A_63, %jit3A : i32
      %sign3A = arith.constant 0 : i32
      %sign3A_65 = arith.cmpi sgt, %scan3A_63, %sign3A : i32
      %sign3A_66 = arith.extui %sign3A_65 : i1 to i32
      %sign3A_67 = arith.constant 0 : i32
      %sign3A_68 = arith.cmpi slt, %scan3A_63, %sign3A_67 : i32
      %sign3A_69 = arith.extui %sign3A_68 : i1 to i32
      %sign3A_70 = arith.subi %sign3A_66, %sign3A_69 : i32
      %sign3A_71 = arith.constant 0 : i32
      %sign3A_72 = arith.cmpi sgt, %jit3A, %sign3A_71 : i32
      %sign3A_73 = arith.extui %sign3A_72 : i1 to i32
      %sign3A_74 = arith.constant 0 : i32
      %sign3A_75 = arith.cmpi slt, %jit3A, %sign3A_74 : i32
      %sign3A_76 = arith.extui %sign3A_75 : i1 to i32
      %sign3A_77 = arith.subi %sign3A_73, %sign3A_76 : i32
      %ne3A = arith.cmpi ne, %sign3A_70, %sign3A_77 : i32
      %rem3A = arith.remsi %scan3A_63, %jit3A : i32
      %ne3A_78 = arith.constant 0 : i32
      %ne3A_79 = arith.cmpi ne, %rem3A, %ne3A_78 : i32
      %and3A = arith.andi %ne3A, %ne3A_79 : i1
      %sub3A = arith.constant 1 : i32
      %sub3A_80 = arith.subi %div3A, %sub3A : i32
      %select_n3A = arith.select %and3A, %sub3A_80, %div3A : i32
      %jit3A_81 = arith.constant 8 : i32
      %eq3A = arith.constant 0 : i32
      %eq3A_82 = arith.cmpi eq, %jit3A_81, %eq3A : i32
      %jit3A_83 = arith.constant 1 : i32
      %select_n3A_84 = arith.select %eq3A_82, %jit3A_83, %jit3A_81 : i32
      %rem3A_85 = arith.remsi %scan3A_63, %select_n3A_84 : i32
      %ne3A_86 = arith.constant 0 : i32
      %ne3A_87 = arith.cmpi ne, %rem3A_85, %ne3A_86 : i32
      %lt3A = arith.constant 0 : i32
      %lt3A_88 = arith.cmpi slt, %rem3A_85, %lt3A : i32
      %lt3A_89 = arith.constant 0 : i32
      %lt3A_90 = arith.cmpi slt, %select_n3A_84, %lt3A_89 : i32
      %ne3A_91 = arith.xori %lt3A_88, %lt3A_90 : i1
      %and3A_92 = arith.andi %ne3A_91, %ne3A_87 : i1
      %add3A_93 = arith.addi %rem3A_85, %select_n3A_84 : i32
      %select_n3A_94 = arith.select %and3A_92, %add3A_93, %rem3A_85 : i32
      %mul3A_95 = arith.constant 16 : i32
      %mul3A_96 = arith.muli %select_n3A_94, %mul3A_95 : i32
      %swap3A = arith.index_cast %select_n3A : i32 to index
      %swap3A_97 = arith.index_cast %mul3A_96 : i32 to index
      %swap3A_98 = tpu.vector_load %arg10[%swap3A, %swap3A_97] {strides = array<i32>} : memref<128x128xf32, #tpu.memory_space<vmem>>, vector<16xf32>,
      tpu.vector_store %arg10[%swap3A, %swap3A_97], %broadcast_in_dim3A_3 {strides = array<i32>} : memref<128x128xf32, #tpu.memory_space<vmem>>, vector<16xf32>,
      %scan3A_99 = arith.constant 0 : i32
      scf.yield %scan3A_99 : i32
    }
    %scan3A_9 = arith.constant 1024 : i32
    %add3A_10 = arith.constant 0 : i32
    %add3A_11 = arith.addi %mul3A_2, %add3A_10 : i32
    "tpu.region"() ({
      %run_scoped3A = tpu.sem_alloc : memref<!tpu.dma_semaphore, #tpu.memory_space<semaphore_mem>>
      %dma_start3A_63 = arith.constant 0 : i32
      %dma_start3A_64 = tpu.memref_slice %arg11[%add3A_11, %dma_start3A_63] : memref<10240x128xf32, #tpu.memory_space<vmem_shared>> -> memref<128x128xf32, #tpu.memory_space<vmem_shared>>
      %dma_start3A_65 = arith.constant 0 : i32
      %dma_start3A_66 = tpu.memref_slice %arg11[%add3A_11, %dma_start3A_65] : memref<10240x128xf32, #tpu.memory_space<vmem_shared>> -> memref<128x128xf32, #tpu.memory_space<vmem_shared>>
      tpu.enqueue_dma source(%arg10 : memref<128x128xf32, #tpu.memory_space<vmem>>) target(%dma_start3A_66 : memref<128x128xf32, #tpu.memory_space<vmem_shared>>) target_semaphore(%run_scoped3A : memref<!tpu.dma_semaphore, #tpu.memory_space<semaphore_mem>>)
      %dma_wait3A_67 = arith.constant 0 : i32
      %dma_wait3A_68 = tpu.memref_slice %arg11[%add3A_11, %dma_wait3A_67] : memref<10240x128xf32, #tpu.memory_space<vmem_shared>> -> memref<128x128xf32, #tpu.memory_space<vmem_shared>>
      %dma_wait3A_69 = arith.constant 0 : i32
      %dma_wait3A_70 = tpu.memref_slice %arg11[%add3A_11, %dma_wait3A_69] : memref<10240x128xf32, #tpu.memory_space<vmem_shared>> -> memref<128x128xf32, #tpu.memory_space<vmem_shared>>
      tpu.wait_dma2 semaphore(%run_scoped3A : memref<!tpu.dma_semaphore, #tpu.memory_space<semaphore_mem>>) src(%arg10 : memref<128x128xf32, #tpu.memory_space<vmem>>) dst(%dma_wait3A_70 : memref<128x128xf32, #tpu.memory_space<vmem_shared>>)
      tpu.yield
    }) : () -> ()
    %add3A_12 = arith.constant 128 : i32
    %add3A_13 = arith.addi %mul3A_2, %add3A_12 : i32
    "tpu.region"() ({
      %run_scoped3A = tpu.sem_alloc : memref<!tpu.dma_semaphore, #tpu.memory_space<semaphore_mem>>
      %dma_start3A_63 = arith.constant 0 : i32
      %dma_start3A_64 = tpu.memref_slice %arg11[%add3A_13, %dma_start3A_63] : memref<10240x128xf32, #tpu.memory_space<vmem_shared>> -> memref<128x128xf32, #tpu.memory_space<vmem_shared>>
      %dma_start3A_65 = arith.constant 0 : i32
      %dma_start3A_66 = tpu.memref_slice %arg11[%add3A_13, %dma_start3A_65] : memref<10240x128xf32, #tpu.memory_space<vmem_shared>> -> memref<128x128xf32, #tpu.memory_space<vmem_shared>>
      tpu.enqueue_dma source(%arg10 : memref<128x128xf32, #tpu.memory_space<vmem>>) target(%dma_start3A_66 : memref<128x128xf32, #tpu.memory_space<vmem_shared>>) target_semaphore(%run_scoped3A : memref<!tpu.dma_semaphore, #tpu.memory_space<semaphore_mem>>)
      %dma_wait3A_67 = arith.constant 0 : i32
      %dma_wait3A_68 = tpu.memref_slice %arg11[%add3A_13, %dma_wait3A_67] : memref<10240x128xf32, #tpu.memory_space<vmem_shared>> -> memref<128x128xf32, #tpu.memory_space<vmem_shared>>
      %dma_wait3A_69 = arith.constant 0 : i32
      %dma_wait3A_70 = tpu.memref_slice %arg11[%add3A_13, %dma_wait3A_69] : memref<10240x128xf32, #tpu.memory_space<vmem_shared>> -> memref<128x128xf32, #tpu.memory_space<vmem_shared>>
      tpu.wait_dma2 semaphore(%run_scoped3A : memref<!tpu.dma_semaphore, #tpu.memory_space<semaphore_mem>>) src(%arg10 : memref<128x128xf32, #tpu.memory_space<vmem>>) dst(%dma_wait3A_70 : memref<128x128xf32, #tpu.memory_space<vmem_shared>>)
      tpu.yield
    }) : () -> ()
    %add3A_14 = arith.constant 256 : i32
    %add3A_15 = arith.addi %mul3A_2, %add3A_14 : i32
    "tpu.region"() ({
      %run_scoped3A = tpu.sem_alloc : memref<!tpu.dma_semaphore, #tpu.memory_space<semaphore_mem>>
      %dma_start3A_63 = arith.constant 0 : i32
      %dma_start3A_64 = tpu.memref_slice %arg11[%add3A_15, %dma_start3A_63] : memref<10240x128xf32, #tpu.memory_space<vmem_shared>> -> memref<128x128xf32, #tpu.memory_space<vmem_shared>>
      %dma_start3A_65 = arith.constant 0 : i32
      %dma_start3A_66 = tpu.memref_slice %arg11[%add3A_15, %dma_start3A_65] : memref<10240x128xf32, #tpu.memory_space<vmem_shared>> -> memref<128x128xf32, #tpu.memory_space<vmem_shared>>
      tpu.enqueue_dma source(%arg10 : memref<128x128xf32, #tpu.memory_space<vmem>>) target(%dma_start3A_66 : memref<128x128xf32, #tpu.memory_space<vmem_shared>>) target_semaphore(%run_scoped3A : memref<!tpu.dma_semaphore, #tpu.memory_space<semaphore_mem>>)
      %dma_wait3A_67 = arith.constant 0 : i32
      %dma_wait3A_68 = tpu.memref_slice %arg11[%add3A_15, %dma_wait3A_67] : memref<10240x128xf32, #tpu.memory_space<vmem_shared>> -> memref<128x128xf32, #tpu.memory_space<vmem_shared>>
      %dma_wait3A_69 = arith.constant 0 : i32
      %dma_wait3A_70 = tpu.memref_slice %arg11[%add3A_15, %dma_wait3A_69] : memref<10240x128xf32, #tpu.memory_space<vmem_shared>> -> memref<128x128xf32, #tpu.memory_space<vmem_shared>>
      tpu.wait_dma2 semaphore(%run_scoped3A : memref<!tpu.dma_semaphore, #tpu.memory_space<semaphore_mem>>) src(%arg10 : memref<128x128xf32, #tpu.memory_space<vmem>>) dst(%dma_wait3A_70 : memref<128x128xf32, #tpu.memory_space<vmem_shared>>)
      tpu.yield
    }) : () -> ()
    %add3A_16 = arith.constant 384 : i32
    %add3A_17 = arith.addi %mul3A_2, %add3A_16 : i32
    "tpu.region"() ({
      %run_scoped3A = tpu.sem_alloc : memref<!tpu.dma_semaphore, #tpu.memory_space<semaphore_mem>>
      %dma_start3A_63 = arith.constant 0 : i32
      %dma_start3A_64 = tpu.memref_slice %arg11[%add3A_17, %dma_start3A_63] : memref<10240x128xf32, #tpu.memory_space<vmem_shared>> -> memref<128x128xf32, #tpu.memory_space<vmem_shared>>
      %dma_start3A_65 = arith.constant 0 : i32
      %dma_start3A_66 = tpu.memref_slice %arg11[%add3A_17, %dma_start3A_65] : memref<10240x128xf32, #tpu.memory_space<vmem_shared>> -> memref<128x128xf32, #tpu.memory_space<vmem_shared>>
      tpu.enqueue_dma source(%arg10 : memref<128x128xf32, #tpu.memory_space<vmem>>) target(%dma_start3A_66 : memref<128x128xf32, #tpu.memory_space<vmem_shared>>) target_semaphore(%run_scoped3A : memref<!tpu.dma_semaphore, #tpu.memory_space<semaphore_mem>>)
      %dma_wait3A_67 = arith.constant 0 : i32
      %dma_wait3A_68 = tpu.memref_slice %arg11[%add3A_17, %dma_wait3A_67] : memref<10240x128xf32, #tpu.memory_space<vmem_shared>> -> memref<128x128xf32, #tpu.memory_space<vmem_shared>>
      %dma_wait3A_69 = arith.constant 0 : i32
      %dma_wait3A_70 = tpu.memref_slice %arg11[%add3A_17, %dma_wait3A_69] : memref<10240x128xf32, #tpu.memory_space<vmem_shared>> -> memref<128x128xf32, #tpu.memory_space<vmem_shared>>
      tpu.wait_dma2 semaphore(%run_scoped3A : memref<!tpu.dma_semaphore, #tpu.memory_space<semaphore_mem>>) src(%arg10 : memref<128x128xf32, #tpu.memory_space<vmem>>) dst(%dma_wait3A_70 : memref<128x128xf32, #tpu.memory_space<vmem_shared>>)
      tpu.yield
    }) : () -> ()
    %add3A_18 = arith.constant 512 : i32
    %add3A_19 = arith.addi %mul3A_2, %add3A_18 : i32
    "tpu.region"() ({
      %run_scoped3A = tpu.sem_alloc : memref<!tpu.dma_semaphore, #tpu.memory_space<semaphore_mem>>
      %dma_start3A_63 = arith.constant 0 : i32
      %dma_start3A_64 = tpu.memref_slice %arg11[%add3A_19, %dma_start3A_63] : memref<10240x128xf32, #tpu.memory_space<vmem_shared>> -> memref<128x128xf32, #tpu.memory_space<vmem_shared>>
      %dma_start3A_65 = arith.constant 0 : i32
      %dma_start3A_66 = tpu.memref_slice %arg11[%add3A_19, %dma_start3A_65] : memref<10240x128xf32, #tpu.memory_space<vmem_shared>> -> memref<128x128xf32, #tpu.memory_space<vmem_shared>>
      tpu.enqueue_dma source(%arg10 : memref<128x128xf32, #tpu.memory_space<vmem>>) target(%dma_start3A_66 : memref<128x128xf32, #tpu.memory_space<vmem_shared>>) target_semaphore(%run_scoped3A : memref<!tpu.dma_semaphore, #tpu.memory_space<semaphore_mem>>)
      %dma_wait3A_67 = arith.constant 0 : i32
      %dma_wait3A_68 = tpu.memref_slice %arg11[%add3A_19, %dma_wait3A_67] : memref<10240x128xf32, #tpu.memory_space<vmem_shared>> -> memref<128x128xf32, #tpu.memory_space<vmem_shared>>
      %dma_wait3A_69 = arith.constant 0 : i32
      %dma_wait3A_70 = tpu.memref_slice %arg11[%add3A_19, %dma_wait3A_69] : memref<10240x128xf32, #tpu.memory_space<vmem_shared>> -> memref<128x128xf32, #tpu.memory_space<vmem_shared>>
      tpu.wait_dma2 semaphore(%run_scoped3A : memref<!tpu.dma_semaphore, #tpu.memory_space<semaphore_mem>>) src(%arg10 : memref<128x128xf32, #tpu.memory_space<vmem>>) dst(%dma_wait3A_70 : memref<128x128xf32, #tpu.memory_space<vmem_shared>>)
      tpu.yield
    }) : () -> ()
    %barrier3A = arith.constant 0 : index
    tpu.barrier barrier_id(%barrier3A)
    %broadcast_in_dim3A_20 = arith.constant -65536 : i32
    %broadcast_in_dim3A_21 = vector.broadcast %broadcast_in_dim3A_20 : i32 to vector<16xi32>
    "tpu.region"() ({
      %run_scoped3A = tpu.sem_alloc : memref<!tpu.dma_semaphore, #tpu.memory_space<semaphore_mem>>
      %dma_start3A_63 = arith.constant 0 : i32
      %dma_start3A_64 = arith.constant 0 : i32
      %dma_start3A_65 = tpu.memref_slice %arg2[%add3A, %dma_start3A_63, %dma_start3A_64] : memref<32x80x128xi32, #tpu.memory_space<hbm>> -> memref<1x40x128xi32, #tpu.memory_space<hbm>>
      %dma_start3A_66 = tpu.memref_squeeze %dma_start3A_65 : memref<1x40x128xi32, #tpu.memory_space<hbm>> -> memref<40x128xi32, #tpu.memory_space<hbm>>
      %dma_start3A_67 = arith.constant 0 : i32
      %dma_start3A_68 = arith.constant 0 : i32
      %dma_start3A_69 = tpu.memref_slice %arg2[%add3A, %dma_start3A_67, %dma_start3A_68] : memref<32x80x128xi32, #tpu.memory_space<hbm>> -> memref<1x40x128xi32, #tpu.memory_space<hbm>>
      %dma_start3A_70 = tpu.memref_squeeze %dma_start3A_69 : memref<1x40x128xi32, #tpu.memory_space<hbm>> -> memref<40x128xi32, #tpu.memory_space<hbm>>
      tpu.enqueue_dma source(%dma_start3A_70 : memref<40x128xi32, #tpu.memory_space<hbm>>) target(%arg6 : memref<40x128xi32, #tpu.memory_space<vmem>>) target_semaphore(%run_scoped3A : memref<!tpu.dma_semaphore, #tpu.memory_space<semaphore_mem>>)
      %dma_wait3A_71 = arith.constant 0 : i32
      %dma_wait3A_72 = arith.constant 0 : i32
      %dma_wait3A_73 = tpu.memref_slice %arg2[%add3A, %dma_wait3A_71, %dma_wait3A_72] : memref<32x80x128xi32, #tpu.memory_space<hbm>> -> memref<1x40x128xi32, #tpu.memory_space<hbm>>
      %dma_wait3A_74 = tpu.memref_squeeze %dma_wait3A_73 : memref<1x40x128xi32, #tpu.memory_space<hbm>> -> memref<40x128xi32, #tpu.memory_space<hbm>>
      %dma_wait3A_75 = arith.constant 0 : i32
      %dma_wait3A_76 = arith.constant 0 : i32
      %dma_wait3A_77 = tpu.memref_slice %arg2[%add3A, %dma_wait3A_75, %dma_wait3A_76] : memref<32x80x128xi32, #tpu.memory_space<hbm>> -> memref<1x40x128xi32, #tpu.memory_space<hbm>>
      %dma_wait3A_78 = tpu.memref_squeeze %dma_wait3A_77 : memref<1x40x128xi32, #tpu.memory_space<hbm>> -> memref<40x128xi32, #tpu.memory_space<hbm>>
      tpu.wait_dma2 semaphore(%run_scoped3A : memref<!tpu.dma_semaphore, #tpu.memory_space<semaphore_mem>>) src(%dma_wait3A_78 : memref<40x128xi32, #tpu.memory_space<hbm>>) dst(%arg6 : memref<40x128xi32, #tpu.memory_space<vmem>>)
      tpu.yield
    }) : () -> ()
    "tpu.region"() ({
      %run_scoped3A = tpu.sem_alloc : memref<!tpu.dma_semaphore, #tpu.memory_space<semaphore_mem>>
      %dma_start3A_63 = arith.constant 0 : i32
      %dma_start3A_64 = arith.constant 0 : i32
      %dma_start3A_65 = tpu.memref_slice %arg3[%add3A, %dma_start3A_63, %dma_start3A_64] : memref<32x80x128xi32, #tpu.memory_space<hbm>> -> memref<1x40x128xi32, #tpu.memory_space<hbm>>
      %dma_start3A_66 = tpu.memref_squeeze %dma_start3A_65 : memref<1x40x128xi32, #tpu.memory_space<hbm>> -> memref<40x128xi32, #tpu.memory_space<hbm>>
      %dma_start3A_67 = arith.constant 0 : i32
      %dma_start3A_68 = arith.constant 0 : i32
      %dma_start3A_69 = tpu.memref_slice %arg3[%add3A, %dma_start3A_67, %dma_start3A_68] : memref<32x80x128xi32, #tpu.memory_space<hbm>> -> memref<1x40x128xi32, #tpu.memory_space<hbm>>
      %dma_start3A_70 = tpu.memref_squeeze %dma_start3A_69 : memref<1x40x128xi32, #tpu.memory_space<hbm>> -> memref<40x128xi32, #tpu.memory_space<hbm>>
      tpu.enqueue_dma source(%dma_start3A_70 : memref<40x128xi32, #tpu.memory_space<hbm>>) target(%arg7 : memref<40x128xi32, #tpu.memory_space<vmem>>) target_semaphore(%run_scoped3A : memref<!tpu.dma_semaphore, #tpu.memory_space<semaphore_mem>>)
      %dma_wait3A_71 = arith.constant 0 : i32
      %dma_wait3A_72 = arith.constant 0 : i32
      %dma_wait3A_73 = tpu.memref_slice %arg3[%add3A, %dma_wait3A_71, %dma_wait3A_72] : memref<32x80x128xi32, #tpu.memory_space<hbm>> -> memref<1x40x128xi32, #tpu.memory_space<hbm>>
      %dma_wait3A_74 = tpu.memref_squeeze %dma_wait3A_73 : memref<1x40x128xi32, #tpu.memory_space<hbm>> -> memref<40x128xi32, #tpu.memory_space<hbm>>
      %dma_wait3A_75 = arith.constant 0 : i32
      %dma_wait3A_76 = arith.constant 0 : i32
      %dma_wait3A_77 = tpu.memref_slice %arg3[%add3A, %dma_wait3A_75, %dma_wait3A_76] : memref<32x80x128xi32, #tpu.memory_space<hbm>> -> memref<1x40x128xi32, #tpu.memory_space<hbm>>
      %dma_wait3A_78 = tpu.memref_squeeze %dma_wait3A_77 : memref<1x40x128xi32, #tpu.memory_space<hbm>> -> memref<40x128xi32, #tpu.memory_space<hbm>>
      tpu.wait_dma2 semaphore(%run_scoped3A : memref<!tpu.dma_semaphore, #tpu.memory_space<semaphore_mem>>) src(%dma_wait3A_78 : memref<40x128xi32, #tpu.memory_space<hbm>>) dst(%arg7 : memref<40x128xi32, #tpu.memory_space<vmem>>)
      tpu.yield
    }) : () -> ()
    %dma_start3A = arith.constant 0 : i32
    %dma_start3A_22 = arith.constant 0 : i32
    %dma_start3A_23 = tpu.memref_slice %arg6[%dma_start3A, %dma_start3A_22] : memref<40x128xi32, #tpu.memory_space<vmem>> -> memref<1x128xi32, #tpu.memory_space<vmem>>
    %dma_start3A_24 = tpu.memref_squeeze %dma_start3A_23 : memref<1x128xi32, #tpu.memory_space<vmem>> -> memref<128xi32, #tpu.memory_space<vmem>>
    %dma_start3A_25 = arith.constant 0 : i32
    %dma_start3A_26 = arith.constant 0 : i32
    %dma_start3A_27 = tpu.memref_slice %arg4[%dma_start3A_25, %dma_start3A_26] : memref<10240x64xi32, #tpu.memory_space<hbm>> -> memref<10240x64xi32, #tpu.memory_space<hbm>>
    tpu.enqueue_indirect_dma source(%dma_start3A_27 : memref<10240x64xi32, #tpu.memory_space<hbm>>) target(%arg8 : memref<128x64xi32, #tpu.memory_space<vmem>>) offsets(%dma_start3A_24 : memref<128xi32, #tpu.memory_space<vmem>>) semaphore(%arg12 : memref<!tpu.dma_semaphore, #tpu.memory_space<semaphore_mem>>)
    %scan3A_28 = arith.constant 0 : i32
    %scan3A_29 = arith.constant 0 : i32
    %scan3A_30 = arith.constant 20 : i32
    %scan3A_31 = arith.addi %scan3A_29, %scan3A_30 : i32
    %scan3A_32 = arith.constant 1 : i32
    %scan3A_33 = scf.for %scan3A_63 = %scan3A_29 to %scan3A_31 step %scan3A_32 iter_args(%scan3A_64 = %scan3A_28) -> (i32)  : i32 {
      %mul3A_65 = arith.constant 2 : i32
      %mul3A_66 = arith.muli %mul3A_65, %scan3A_63 : i32
      %add3A_67 = arith.constant 1 : i32
      %add3A_68 = arith.addi %mul3A_66, %add3A_67 : i32
      %dma_start3A_69 = arith.constant 0 : i32
      %dma_start3A_70 = tpu.memref_slice %arg6[%add3A_68, %dma_start3A_69] : memref<40x128xi32, #tpu.memory_space<vmem>> -> memref<1x128xi32, #tpu.memory_space<vmem>>
      %dma_start3A_71 = tpu.memref_squeeze %dma_start3A_70 : memref<1x128xi32, #tpu.memory_space<vmem>> -> memref<128xi32, #tpu.memory_space<vmem>>
      %dma_start3A_72 = arith.constant 0 : i32
      %dma_start3A_73 = arith.constant 0 : i32
      %dma_start3A_74 = tpu.memref_slice %arg4[%dma_start3A_72, %dma_start3A_73] : memref<10240x64xi32, #tpu.memory_space<hbm>> -> memref<10240x64xi32, #tpu.memory_space<hbm>>
      tpu.enqueue_indirect_dma source(%dma_start3A_74 : memref<10240x64xi32, #tpu.memory_space<hbm>>) target(%arg9 : memref<128x64xi32, #tpu.memory_space<vmem>>) offsets(%dma_start3A_71 : memref<128xi32, #tpu.memory_space<vmem>>) semaphore(%arg13 : memref<!tpu.dma_semaphore, #tpu.memory_space<semaphore_mem>>)
      %dma_wait3A_75 = arith.constant 0 : i32
      %dma_wait3A_76 = tpu.memref_slice %arg6[%mul3A_66, %dma_wait3A_75] : memref<40x128xi32, #tpu.memory_space<vmem>> -> memref<1x128xi32, #tpu.memory_space<vmem>>
      %dma_wait3A_77 = tpu.memref_squeeze %dma_wait3A_76 : memref<1x128xi32, #tpu.memory_space<vmem>> -> memref<128xi32, #tpu.memory_space<vmem>>
      %dma_wait3A_78 = arith.constant 0 : i32
      %dma_wait3A_79 = arith.constant 0 : i32
      %dma_wait3A_80 = tpu.memref_slice %arg4[%dma_wait3A_78, %dma_wait3A_79] : memref<10240x64xi32, #tpu.memory_space<hbm>> -> memref<10240x64xi32, #tpu.memory_space<hbm>>
      tpu.wait_indirect_dma semaphore(%arg12 : memref<!tpu.dma_semaphore, #tpu.memory_space<semaphore_mem>>) src(%dma_wait3A_80 : memref<10240x64xi32, #tpu.memory_space<hbm>>) dst(%arg8 : memref<128x64xi32, #tpu.memory_space<vmem>>)
      %gt3A = arith.constant 0 : i32
      %gt3A_81 = arith.cmpi sgt, %mul3A_66, %gt3A : i32
      %convert_element_type3A = arith.extui %gt3A_81 : i1 to i32
      %cond3A = arith.constant 0 : i32
      %cond3A_82 = arith.cmpi ne, %convert_element_type3A, %cond3A : i32
      scf.if %cond3A_82 {
        %sub3A = arith.constant 1 : i32
        %sub3A_128 = arith.subi %mul3A_66, %sub3A : i32
        %dma_wait3A_129 = arith.constant 0 : i32
        %dma_wait3A_130 = tpu.memref_slice %arg7[%sub3A_128, %dma_wait3A_129] : memref<40x128xi32, #tpu.memory_space<vmem>> -> memref<1x128xi32, #tpu.memory_space<vmem>>
        %dma_wait3A_131 = tpu.memref_squeeze %dma_wait3A_130 : memref<1x128xi32, #tpu.memory_space<vmem>> -> memref<128xi32, #tpu.memory_space<vmem>>
        %dma_wait3A_132 = arith.constant 0 : i32
        %dma_wait3A_133 = arith.constant 0 : i32
        %dma_wait3A_134 = tpu.memref_slice %arg11[%dma_wait3A_132, %dma_wait3A_133] : memref<10240x128xf32, #tpu.memory_space<vmem_shared>> -> memref<10240x128xf32, #tpu.memory_space<vmem_shared>>
        tpu.wait_indirect_dma semaphore(%arg14 : memref<!tpu.dma_semaphore, #tpu.memory_space<semaphore_mem>>) src(%arg10 : memref<128x128xf32, #tpu.memory_space<vmem>>) dst(%dma_wait3A_134 : memref<10240x128xf32, #tpu.memory_space<vmem_shared>>)
      } else {
      }
      %scan3A_83 = arith.constant 0 : i32
      %scan3A_84 = arith.constant 0 : i32
      %scan3A_85 = arith.constant 128 : i32
      %scan3A_86 = arith.addi %scan3A_84, %scan3A_85 : i32
      %scan3A_87 = arith.constant 1 : i32
      %scan3A_88 = scf.for %scan3A_128 = %scan3A_84 to %scan3A_86 step %scan3A_87 iter_args(%scan3A_129 = %scan3A_83) -> (i32)  : i32 {
        %get3A = arith.index_cast %scan3A_128 : i32 to index
        %get3A_130 = arith.constant 0 : index
        %get3A_131 = tpu.vector_load %arg8[%get3A, %get3A_130] {strides = array<i32>} : memref<128x64xi32, #tpu.memory_space<vmem>>, vector<16xi32>,
        %shift_left3A = arith.constant 16 : i32
        %shift_left3A_132 = vector.broadcast %shift_left3A : i32 to vector<16xi32>
        %shift_left3A_133 = arith.shli %get3A_131, %shift_left3A_132 : vector<16xi32>
        %bitcast3A = vector.bitcast %shift_left3A_133 : vector<16xi32> to vector<16xf32>
        %swap3A = arith.index_cast %scan3A_128 : i32 to index
        %swap3A_134 = arith.constant 0 : index
        %swap3A_135 = tpu.vector_load %arg10[%swap3A, %swap3A_134] {strides = array<i32>} : memref<128x128xf32, #tpu.memory_space<vmem>>, vector<16xf32>,
        tpu.vector_store %arg10[%swap3A, %swap3A_134], %bitcast3A {strides = array<i32>} : memref<128x128xf32, #tpu.memory_space<vmem>>, vector<16xf32>,
        %and3A = arith.andi %get3A_131, %broadcast_in_dim3A_21 : vector<16xi32>
        %bitcast3A_136 = vector.bitcast %and3A : vector<16xi32> to vector<16xf32>
        %swap3A_137 = arith.index_cast %scan3A_128 : i32 to index
        %swap3A_138 = arith.constant 16 : index
        %swap3A_139 = tpu.vector_load %arg10[%swap3A_137, %swap3A_138] {strides = array<i32>} : memref<128x128xf32, #tpu.memory_space<vmem>>, vector<16xf32>,
        tpu.vector_store %arg10[%swap3A_137, %swap3A_138], %bitcast3A_136 {strides = array<i32>} : memref<128x128xf32, #tpu.memory_space<vmem>>, vector<16xf32>,
        %get3A_140 = arith.index_cast %scan3A_128 : i32 to index
        %get3A_141 = arith.constant 16 : index
        %get3A_142 = tpu.vector_load %arg8[%get3A_140, %get3A_141] {strides = array<i32>} : memref<128x64xi32, #tpu.memory_space<vmem>>, vector<16xi32>,
        %shift_left3A_143 = arith.constant 16 : i32
        %shift_left3A_144 = vector.broadcast %shift_left3A_143 : i32 to vector<16xi32>
        %shift_left3A_145 = arith.shli %get3A_142, %shift_left3A_144 : vector<16xi32>
        %bitcast3A_146 = vector.bitcast %shift_left3A_145 : vector<16xi32> to vector<16xf32>
        %swap3A_147 = arith.index_cast %scan3A_128 : i32 to index
        %swap3A_148 = arith.constant 32 : index
        %swap3A_149 = tpu.vector_load %arg10[%swap3A_147, %swap3A_148] {strides = array<i32>} : memref<128x128xf32, #tpu.memory_space<vmem>>, vector<16xf32>,
        tpu.vector_store %arg10[%swap3A_147, %swap3A_148], %bitcast3A_146 {strides = array<i32>} : memref<128x128xf32, #tpu.memory_space<vmem>>, vector<16xf32>,
        %and3A_150 = arith.andi %get3A_142, %broadcast_in_dim3A_21 : vector<16xi32>
        %bitcast3A_151 = vector.bitcast %and3A_150 : vector<16xi32> to vector<16xf32>
        %swap3A_152 = arith.index_cast %scan3A_128 : i32 to index
        %swap3A_153 = arith.constant 48 : index
        %swap3A_154 = tpu.vector_load %arg10[%swap3A_152, %swap3A_153] {strides = array<i32>} : memref<128x128xf32, #tpu.memory_space<vmem>>, vector<16xf32>,
        tpu.vector_store %arg10[%swap3A_152, %swap3A_153], %bitcast3A_151 {strides = array<i32>} : memref<128x128xf32, #tpu.memory_space<vmem>>, vector<16xf32>,
        %get3A_155 = arith.index_cast %scan3A_128 : i32 to index
        %get3A_156 = arith.constant 32 : index
        %get3A_157 = tpu.vector_load %arg8[%get3A_155, %get3A_156] {strides = array<i32>} : memref<128x64xi32, #tpu.memory_space<vmem>>, vector<16xi32>,
        %shift_left3A_158 = arith.constant 16 : i32
        %shift_left3A_159 = vector.broadcast %shift_left3A_158 : i32 to vector<16xi32>
        %shift_left3A_160 = arith.shli %get3A_157, %shift_left3A_159 : vector<16xi32>
        %bitcast3A_161 = vector.bitcast %shift_left3A_160 : vector<16xi32> to vector<16xf32>
        %swap3A_162 = arith.index_cast %scan3A_128 : i32 to index
        %swap3A_163 = arith.constant 64 : index
        %swap3A_164 = tpu.vector_load %arg10[%swap3A_162, %swap3A_163] {strides = array<i32>} : memref<128x128xf32, #tpu.memory_space<vmem>>, vector<16xf32>,
        tpu.vector_store %arg10[%swap3A_162, %swap3A_163], %bitcast3A_161 {strides = array<i32>} : memref<128x128xf32, #tpu.memory_space<vmem>>, vector<16xf32>,
        %and3A_165 = arith.andi %get3A_157, %broadcast_in_dim3A_21 : vector<16xi32>
        %bitcast3A_166 = vector.bitcast %and3A_165 : vector<16xi32> to vector<16xf32>
        %swap3A_167 = arith.index_cast %scan3A_128 : i32 to index
        %swap3A_168 = arith.constant 80 : index
        %swap3A_169 = tpu.vector_load %arg10[%swap3A_167, %swap3A_168] {strides = array<i32>} : memref<128x128xf32, #tpu.memory_space<vmem>>, vector<16xf32>,
        tpu.vector_store %arg10[%swap3A_167, %swap3A_168], %bitcast3A_166 {strides = array<i32>} : memref<128x128xf32, #tpu.memory_space<vmem>>, vector<16xf32>,
        %get3A_170 = arith.index_cast %scan3A_128 : i32 to index
        %get3A_171 = arith.constant 48 : index
        %get3A_172 = tpu.vector_load %arg8[%get3A_170, %get3A_171] {strides = array<i32>} : memref<128x64xi32, #tpu.memory_space<vmem>>, vector<16xi32>,
        %shift_left3A_173 = arith.constant 16 : i32
        %shift_left3A_174 = vector.broadcast %shift_left3A_173 : i32 to vector<16xi32>
        %shift_left3A_175 = arith.shli %get3A_172, %shift_left3A_174 : vector<16xi32>
        %bitcast3A_176 = vector.bitcast %shift_left3A_175 : vector<16xi32> to vector<16xf32>
        %swap3A_177 = arith.index_cast %scan3A_128 : i32 to index
        %swap3A_178 = arith.constant 96 : index
        %swap3A_179 = tpu.vector_load %arg10[%swap3A_177, %swap3A_178] {strides = array<i32>} : memref<128x128xf32, #tpu.memory_space<vmem>>, vector<16xf32>,
        tpu.vector_store %arg10[%swap3A_177, %swap3A_178], %bitcast3A_176 {strides = array<i32>} : memref<128x128xf32, #tpu.memory_space<vmem>>, vector<16xf32>,
        %and3A_180 = arith.andi %get3A_172, %broadcast_in_dim3A_21 : vector<16xi32>
        %bitcast3A_181 = vector.bitcast %and3A_180 : vector<16xi32> to vector<16xf32>
        %swap3A_182 = arith.index_cast %scan3A_128 : i32 to index
        %swap3A_183 = arith.constant 112 : index
        %swap3A_184 = tpu.vector_load %arg10[%swap3A_182, %swap3A_183] {strides = array<i32>} : memref<128x128xf32, #tpu.memory_space<vmem>>, vector<16xf32>,
        tpu.vector_store %arg10[%swap3A_182, %swap3A_183], %bitcast3A_181 {strides = array<i32>} : memref<128x128xf32, #tpu.memory_space<vmem>>, vector<16xf32>,
        %scan3A_185 = arith.constant 0 : i32
        scf.yield %scan3A_185 : i32
      }
      %scan3A_89 = arith.constant 128 : i32
      %dma_start3A_90 = arith.constant 0 : i32
      %dma_start3A_91 = tpu.memref_slice %arg7[%mul3A_66, %dma_start3A_90] : memref<40x128xi32, #tpu.memory_space<vmem>> -> memref<1x128xi32, #tpu.memory_space<vmem>>
      %dma_start3A_92 = tpu.memref_squeeze %dma_start3A_91 : memref<1x128xi32, #tpu.memory_space<vmem>> -> memref<128xi32, #tpu.memory_space<vmem>>
      %dma_start3A_93 = arith.constant 0 : i32
      %dma_start3A_94 = arith.constant 0 : i32
      %dma_start3A_95 = tpu.memref_slice %arg11[%dma_start3A_93, %dma_start3A_94] : memref<10240x128xf32, #tpu.memory_space<vmem_shared>> -> memref<10240x128xf32, #tpu.memory_space<vmem_shared>>
      tpu.enqueue_indirect_dma source(%arg10 : memref<128x128xf32, #tpu.memory_space<vmem>>) target(%dma_start3A_95 : memref<10240x128xf32, #tpu.memory_space<vmem_shared>>) offsets(%dma_start3A_92 : memref<128xi32, #tpu.memory_space<vmem>>) semaphore(%arg14 : memref<!tpu.dma_semaphore, #tpu.memory_space<semaphore_mem>>) {add = true}
      %add3A_96 = arith.constant 2 : i32
      %add3A_97 = arith.addi %mul3A_66, %add3A_96 : i32
      %lt3A = arith.constant 40 : i32
      %lt3A_98 = arith.cmpi slt, %add3A_97, %lt3A : i32
      %convert_element_type3A_99 = arith.extui %lt3A_98 : i1 to i32
      %cond3A_100 = arith.constant 0 : i32
      %cond3A_101 = arith.cmpi ne, %convert_element_type3A_99, %cond3A_100 : i32
      scf.if %cond3A_101 {
        %add3A_128 = arith.constant 2 : i32
        %add3A_129 = arith.addi %mul3A_66, %add3A_128 : i32
        %dma_start3A_130 = arith.constant 0 : i32
        %dma_start3A_131 = tpu.memref_slice %arg6[%add3A_129, %dma_start3A_130] : memref<40x128xi32, #tpu.memory_space<vmem>> -> memref<1x128xi32, #tpu.memory_space<vmem>>
        %dma_start3A_132 = tpu.memref_squeeze %dma_start3A_131 : memref<1x128xi32, #tpu.memory_space<vmem>> -> memref<128xi32, #tpu.memory_space<vmem>>
        %dma_start3A_133 = arith.constant 0 : i32
        %dma_start3A_134 = arith.constant 0 : i32
        %dma_start3A_135 = tpu.memref_slice %arg4[%dma_start3A_133, %dma_start3A_134] : memref<10240x64xi32, #tpu.memory_space<hbm>> -> memref<10240x64xi32, #tpu.memory_space<hbm>>
        tpu.enqueue_indirect_dma source(%dma_start3A_135 : memref<10240x64xi32, #tpu.memory_space<hbm>>) target(%arg8 : memref<128x64xi32, #tpu.memory_space<vmem>>) offsets(%dma_start3A_132 : memref<128xi32, #tpu.memory_space<vmem>>) semaphore(%arg12 : memref<!tpu.dma_semaphore, #tpu.memory_space<semaphore_mem>>)
      } else {
      }
      %dma_wait3A_102 = arith.constant 0 : i32
      %dma_wait3A_103 = tpu.memref_slice %arg6[%add3A_68, %dma_wait3A_102] : memref<40x128xi32, #tpu.memory_space<vmem>> -> memref<1x128xi32, #tpu.memory_space<vmem>>
      %dma_wait3A_104 = tpu.memref_squeeze %dma_wait3A_103 : memref<1x128xi32, #tpu.memory_space<vmem>> -> memref<128xi32, #tpu.memory_space<vmem>>
      %dma_wait3A_105 = arith.constant 0 : i32
      %dma_wait3A_106 = arith.constant 0 : i32
      %dma_wait3A_107 = tpu.memref_slice %arg4[%dma_wait3A_105, %dma_wait3A_106] : memref<10240x64xi32, #tpu.memory_space<hbm>> -> memref<10240x64xi32, #tpu.memory_space<hbm>>
      tpu.wait_indirect_dma semaphore(%arg13 : memref<!tpu.dma_semaphore, #tpu.memory_space<semaphore_mem>>) src(%dma_wait3A_107 : memref<10240x64xi32, #tpu.memory_space<hbm>>) dst(%arg9 : memref<128x64xi32, #tpu.memory_space<vmem>>)
      %dma_wait3A_108 = arith.constant 0 : i32
      %dma_wait3A_109 = tpu.memref_slice %arg7[%mul3A_66, %dma_wait3A_108] : memref<40x128xi32, #tpu.memory_space<vmem>> -> memref<1x128xi32, #tpu.memory_space<vmem>>
      %dma_wait3A_110 = tpu.memref_squeeze %dma_wait3A_109 : memref<1x128xi32, #tpu.memory_space<vmem>> -> memref<128xi32, #tpu.memory_space<vmem>>
      %dma_wait3A_111 = arith.constant 0 : i32
      %dma_wait3A_112 = arith.constant 0 : i32
      %dma_wait3A_113 = tpu.memref_slice %arg11[%dma_wait3A_111, %dma_wait3A_112] : memref<10240x128xf32, #tpu.memory_space<vmem_shared>> -> memref<10240x128xf32, #tpu.memory_space<vmem_shared>>
      tpu.wait_indirect_dma semaphore(%arg14 : memref<!tpu.dma_semaphore, #tpu.memory_space<semaphore_mem>>) src(%arg10 : memref<128x128xf32, #tpu.memory_space<vmem>>) dst(%dma_wait3A_113 : memref<10240x128xf32, #tpu.memory_space<vmem_shared>>)
      %scan3A_114 = arith.constant 0 : i32
      %scan3A_115 = arith.constant 0 : i32
      %scan3A_116 = arith.constant 128 : i32
      %scan3A_117 = arith.addi %scan3A_115, %scan3A_116 : i32
      %scan3A_118 = arith.constant 1 : i32
      %scan3A_119 = scf.for %scan3A_128 = %scan3A_115 to %scan3A_117 step %scan3A_118 iter_args(%scan3A_129 = %scan3A_114) -> (i32)  : i32 {
        %get3A = arith.index_cast %scan3A_128 : i32 to index
        %get3A_130 = arith.constant 0 : index
        %get3A_131 = tpu.vector_load %arg9[%get3A, %get3A_130] {strides = array<i32>} : memref<128x64xi32, #tpu.memory_space<vmem>>, vector<16xi32>,
        %shift_left3A = arith.constant 16 : i32
        %shift_left3A_132 = vector.broadcast %shift_left3A : i32 to vector<16xi32>
        %shift_left3A_133 = arith.shli %get3A_131, %shift_left3A_132 : vector<16xi32>
        %bitcast3A = vector.bitcast %shift_left3A_133 : vector<16xi32> to vector<16xf32>
        %swap3A = arith.index_cast %scan3A_128 : i32 to index
        %swap3A_134 = arith.constant 0 : index
        %swap3A_135 = tpu.vector_load %arg10[%swap3A, %swap3A_134] {strides = array<i32>} : memref<128x128xf32, #tpu.memory_space<vmem>>, vector<16xf32>,
        tpu.vector_store %arg10[%swap3A, %swap3A_134], %bitcast3A {strides = array<i32>} : memref<128x128xf32, #tpu.memory_space<vmem>>, vector<16xf32>,
        %and3A = arith.andi %get3A_131, %broadcast_in_dim3A_21 : vector<16xi32>
        %bitcast3A_136 = vector.bitcast %and3A : vector<16xi32> to vector<16xf32>
        %swap3A_137 = arith.index_cast %scan3A_128 : i32 to index
        %swap3A_138 = arith.constant 16 : index
        %swap3A_139 = tpu.vector_load %arg10[%swap3A_137, %swap3A_138] {strides = array<i32>} : memref<128x128xf32, #tpu.memory_space<vmem>>, vector<16xf32>,
        tpu.vector_store %arg10[%swap3A_137, %swap3A_138], %bitcast3A_136 {strides = array<i32>} : memref<128x128xf32, #tpu.memory_space<vmem>>, vector<16xf32>,
        %get3A_140 = arith.index_cast %scan3A_128 : i32 to index
        %get3A_141 = arith.constant 16 : index
        %get3A_142 = tpu.vector_load %arg9[%get3A_140, %get3A_141] {strides = array<i32>} : memref<128x64xi32, #tpu.memory_space<vmem>>, vector<16xi32>,
        %shift_left3A_143 = arith.constant 16 : i32
        %shift_left3A_144 = vector.broadcast %shift_left3A_143 : i32 to vector<16xi32>
        %shift_left3A_145 = arith.shli %get3A_142, %shift_left3A_144 : vector<16xi32>
        %bitcast3A_146 = vector.bitcast %shift_left3A_145 : vector<16xi32> to vector<16xf32>
        %swap3A_147 = arith.index_cast %scan3A_128 : i32 to index
        %swap3A_148 = arith.constant 32 : index
        %swap3A_149 = tpu.vector_load %arg10[%swap3A_147, %swap3A_148] {strides = array<i32>} : memref<128x128xf32, #tpu.memory_space<vmem>>, vector<16xf32>,
        tpu.vector_store %arg10[%swap3A_147, %swap3A_148], %bitcast3A_146 {strides = array<i32>} : memref<128x128xf32, #tpu.memory_space<vmem>>, vector<16xf32>,
        %and3A_150 = arith.andi %get3A_142, %broadcast_in_dim3A_21 : vector<16xi32>
        %bitcast3A_151 = vector.bitcast %and3A_150 : vector<16xi32> to vector<16xf32>
        %swap3A_152 = arith.index_cast %scan3A_128 : i32 to index
        %swap3A_153 = arith.constant 48 : index
        %swap3A_154 = tpu.vector_load %arg10[%swap3A_152, %swap3A_153] {strides = array<i32>} : memref<128x128xf32, #tpu.memory_space<vmem>>, vector<16xf32>,
        tpu.vector_store %arg10[%swap3A_152, %swap3A_153], %bitcast3A_151 {strides = array<i32>} : memref<128x128xf32, #tpu.memory_space<vmem>>, vector<16xf32>,
        %get3A_155 = arith.index_cast %scan3A_128 : i32 to index
        %get3A_156 = arith.constant 32 : index
        %get3A_157 = tpu.vector_load %arg9[%get3A_155, %get3A_156] {strides = array<i32>} : memref<128x64xi32, #tpu.memory_space<vmem>>, vector<16xi32>,
        %shift_left3A_158 = arith.constant 16 : i32
        %shift_left3A_159 = vector.broadcast %shift_left3A_158 : i32 to vector<16xi32>
        %shift_left3A_160 = arith.shli %get3A_157, %shift_left3A_159 : vector<16xi32>
        %bitcast3A_161 = vector.bitcast %shift_left3A_160 : vector<16xi32> to vector<16xf32>
        %swap3A_162 = arith.index_cast %scan3A_128 : i32 to index
        %swap3A_163 = arith.constant 64 : index
        %swap3A_164 = tpu.vector_load %arg10[%swap3A_162, %swap3A_163] {strides = array<i32>} : memref<128x128xf32, #tpu.memory_space<vmem>>, vector<16xf32>,
        tpu.vector_store %arg10[%swap3A_162, %swap3A_163], %bitcast3A_161 {strides = array<i32>} : memref<128x128xf32, #tpu.memory_space<vmem>>, vector<16xf32>,
        %and3A_165 = arith.andi %get3A_157, %broadcast_in_dim3A_21 : vector<16xi32>
        %bitcast3A_166 = vector.bitcast %and3A_165 : vector<16xi32> to vector<16xf32>
        %swap3A_167 = arith.index_cast %scan3A_128 : i32 to index
        %swap3A_168 = arith.constant 80 : index
        %swap3A_169 = tpu.vector_load %arg10[%swap3A_167, %swap3A_168] {strides = array<i32>} : memref<128x128xf32, #tpu.memory_space<vmem>>, vector<16xf32>,
        tpu.vector_store %arg10[%swap3A_167, %swap3A_168], %bitcast3A_166 {strides = array<i32>} : memref<128x128xf32, #tpu.memory_space<vmem>>, vector<16xf32>,
        %get3A_170 = arith.index_cast %scan3A_128 : i32 to index
        %get3A_171 = arith.constant 48 : index
        %get3A_172 = tpu.vector_load %arg9[%get3A_170, %get3A_171] {strides = array<i32>} : memref<128x64xi32, #tpu.memory_space<vmem>>, vector<16xi32>,
        %shift_left3A_173 = arith.constant 16 : i32
        %shift_left3A_174 = vector.broadcast %shift_left3A_173 : i32 to vector<16xi32>
        %shift_left3A_175 = arith.shli %get3A_172, %shift_left3A_174 : vector<16xi32>
        %bitcast3A_176 = vector.bitcast %shift_left3A_175 : vector<16xi32> to vector<16xf32>
        %swap3A_177 = arith.index_cast %scan3A_128 : i32 to index
        %swap3A_178 = arith.constant 96 : index
        %swap3A_179 = tpu.vector_load %arg10[%swap3A_177, %swap3A_178] {strides = array<i32>} : memref<128x128xf32, #tpu.memory_space<vmem>>, vector<16xf32>,
        tpu.vector_store %arg10[%swap3A_177, %swap3A_178], %bitcast3A_176 {strides = array<i32>} : memref<128x128xf32, #tpu.memory_space<vmem>>, vector<16xf32>,
        %and3A_180 = arith.andi %get3A_172, %broadcast_in_dim3A_21 : vector<16xi32>
        %bitcast3A_181 = vector.bitcast %and3A_180 : vector<16xi32> to vector<16xf32>
        %swap3A_182 = arith.index_cast %scan3A_128 : i32 to index
        %swap3A_183 = arith.constant 112 : index
        %swap3A_184 = tpu.vector_load %arg10[%swap3A_182, %swap3A_183] {strides = array<i32>} : memref<128x128xf32, #tpu.memory_space<vmem>>, vector<16xf32>,
        tpu.vector_store %arg10[%swap3A_182, %swap3A_183], %bitcast3A_181 {strides = array<i32>} : memref<128x128xf32, #tpu.memory_space<vmem>>, vector<16xf32>,
        %scan3A_185 = arith.constant 0 : i32
        scf.yield %scan3A_185 : i32
      }
      %scan3A_120 = arith.constant 128 : i32
      %dma_start3A_121 = arith.constant 0 : i32
      %dma_start3A_122 = tpu.memref_slice %arg7[%add3A_68, %dma_start3A_121] : memref<40x128xi32, #tpu.memory_space<vmem>> -> memref<1x128xi32, #tpu.memory_space<vmem>>
      %dma_start3A_123 = tpu.memref_squeeze %dma_start3A_122 : memref<1x128xi32, #tpu.memory_space<vmem>> -> memref<128xi32, #tpu.memory_space<vmem>>
      %dma_start3A_124 = arith.constant 0 : i32
      %dma_start3A_125 = arith.constant 0 : i32
      %dma_start3A_126 = tpu.memref_slice %arg11[%dma_start3A_124, %dma_start3A_125] : memref<10240x128xf32, #tpu.memory_space<vmem_shared>> -> memref<10240x128xf32, #tpu.memory_space<vmem_shared>>
      tpu.enqueue_indirect_dma source(%arg10 : memref<128x128xf32, #tpu.memory_space<vmem>>) target(%dma_start3A_126 : memref<10240x128xf32, #tpu.memory_space<vmem_shared>>) offsets(%dma_start3A_123 : memref<128xi32, #tpu.memory_space<vmem>>) semaphore(%arg14 : memref<!tpu.dma_semaphore, #tpu.memory_space<semaphore_mem>>) {add = true}
      %scan3A_127 = arith.constant 0 : i32
      scf.yield %scan3A_127 : i32
    }
    %scan3A_34 = arith.constant 20 : i32
    %dma_wait3A = arith.constant 39 : i32
    %dma_wait3A_35 = arith.constant 0 : i32
    %dma_wait3A_36 = tpu.memref_slice %arg7[%dma_wait3A, %dma_wait3A_35] : memref<40x128xi32, #tpu.memory_space<vmem>> -> memref<1x128xi32, #tpu.memory_space<vmem>>
    %dma_wait3A_37 = tpu.memref_squeeze %dma_wait3A_36 : memref<1x128xi32, #tpu.memory_space<vmem>> -> memref<128xi32, #tpu.memory_space<vmem>>
    %dma_wait3A_38 = arith.constant 0 : i32
    %dma_wait3A_39 = arith.constant 0 : i32
    %dma_wait3A_40 = tpu.memref_slice %arg11[%dma_wait3A_38, %dma_wait3A_39] : memref<10240x128xf32, #tpu.memory_space<vmem_shared>> -> memref<10240x128xf32, #tpu.memory_space<vmem_shared>>
    tpu.wait_indirect_dma semaphore(%arg14 : memref<!tpu.dma_semaphore, #tpu.memory_space<semaphore_mem>>) src(%arg10 : memref<128x128xf32, #tpu.memory_space<vmem>>) dst(%dma_wait3A_40 : memref<10240x128xf32, #tpu.memory_space<vmem_shared>>)
    "tpu.region"() ({
      %run_scoped3A = tpu.sem_alloc : memref<!tpu.dma_semaphore, #tpu.memory_space<semaphore_mem>>
      %dma_start3A_63 = arith.constant 40 : i32
      %dma_start3A_64 = arith.constant 0 : i32
      %dma_start3A_65 = tpu.memref_slice %arg2[%add3A, %dma_start3A_63, %dma_start3A_64] : memref<32x80x128xi32, #tpu.memory_space<hbm>> -> memref<1x40x128xi32, #tpu.memory_space<hbm>>
      %dma_start3A_66 = tpu.memref_squeeze %dma_start3A_65 : memref<1x40x128xi32, #tpu.memory_space<hbm>> -> memref<40x128xi32, #tpu.memory_space<hbm>>
      %dma_start3A_67 = arith.constant 40 : i32
      %dma_start3A_68 = arith.constant 0 : i32
      %dma_start3A_69 = tpu.memref_slice %arg2[%add3A, %dma_start3A_67, %dma_start3A_68] : memref<32x80x128xi32, #tpu.memory_space<hbm>> -> memref<1x40x128xi32, #tpu.memory_space<hbm>>
      %dma_start3A_70 = tpu.memref_squeeze %dma_start3A_69 : memref<1x40x128xi32, #tpu.memory_space<hbm>> -> memref<40x128xi32, #tpu.memory_space<hbm>>
      tpu.enqueue_dma source(%dma_start3A_70 : memref<40x128xi32, #tpu.memory_space<hbm>>) target(%arg6 : memref<40x128xi32, #tpu.memory_space<vmem>>) target_semaphore(%run_scoped3A : memref<!tpu.dma_semaphore, #tpu.memory_space<semaphore_mem>>)
      %dma_wait3A_71 = arith.constant 40 : i32
      %dma_wait3A_72 = arith.constant 0 : i32
      %dma_wait3A_73 = tpu.memref_slice %arg2[%add3A, %dma_wait3A_71, %dma_wait3A_72] : memref<32x80x128xi32, #tpu.memory_space<hbm>> -> memref<1x40x128xi32, #tpu.memory_space<hbm>>
      %dma_wait3A_74 = tpu.memref_squeeze %dma_wait3A_73 : memref<1x40x128xi32, #tpu.memory_space<hbm>> -> memref<40x128xi32, #tpu.memory_space<hbm>>
      %dma_wait3A_75 = arith.constant 40 : i32
      %dma_wait3A_76 = arith.constant 0 : i32
      %dma_wait3A_77 = tpu.memref_slice %arg2[%add3A, %dma_wait3A_75, %dma_wait3A_76] : memref<32x80x128xi32, #tpu.memory_space<hbm>> -> memref<1x40x128xi32, #tpu.memory_space<hbm>>
      %dma_wait3A_78 = tpu.memref_squeeze %dma_wait3A_77 : memref<1x40x128xi32, #tpu.memory_space<hbm>> -> memref<40x128xi32, #tpu.memory_space<hbm>>
      tpu.wait_dma2 semaphore(%run_scoped3A : memref<!tpu.dma_semaphore, #tpu.memory_space<semaphore_mem>>) src(%dma_wait3A_78 : memref<40x128xi32, #tpu.memory_space<hbm>>) dst(%arg6 : memref<40x128xi32, #tpu.memory_space<vmem>>)
      tpu.yield
    }) : () -> ()
    "tpu.region"() ({
      %run_scoped3A = tpu.sem_alloc : memref<!tpu.dma_semaphore, #tpu.memory_space<semaphore_mem>>
      %dma_start3A_63 = arith.constant 40 : i32
      %dma_start3A_64 = arith.constant 0 : i32
      %dma_start3A_65 = tpu.memref_slice %arg3[%add3A, %dma_start3A_63, %dma_start3A_64] : memref<32x80x128xi32, #tpu.memory_space<hbm>> -> memref<1x40x128xi32, #tpu.memory_space<hbm>>
      %dma_start3A_66 = tpu.memref_squeeze %dma_start3A_65 : memref<1x40x128xi32, #tpu.memory_space<hbm>> -> memref<40x128xi32, #tpu.memory_space<hbm>>
      %dma_start3A_67 = arith.constant 40 : i32
      %dma_start3A_68 = arith.constant 0 : i32
      %dma_start3A_69 = tpu.memref_slice %arg3[%add3A, %dma_start3A_67, %dma_start3A_68] : memref<32x80x128xi32, #tpu.memory_space<hbm>> -> memref<1x40x128xi32, #tpu.memory_space<hbm>>
      %dma_start3A_70 = tpu.memref_squeeze %dma_start3A_69 : memref<1x40x128xi32, #tpu.memory_space<hbm>> -> memref<40x128xi32, #tpu.memory_space<hbm>>
      tpu.enqueue_dma source(%dma_start3A_70 : memref<40x128xi32, #tpu.memory_space<hbm>>) target(%arg7 : memref<40x128xi32, #tpu.memory_space<vmem>>) target_semaphore(%run_scoped3A : memref<!tpu.dma_semaphore, #tpu.memory_space<semaphore_mem>>)
      %dma_wait3A_71 = arith.constant 40 : i32
      %dma_wait3A_72 = arith.constant 0 : i32
      %dma_wait3A_73 = tpu.memref_slice %arg3[%add3A, %dma_wait3A_71, %dma_wait3A_72] : memref<32x80x128xi32, #tpu.memory_space<hbm>> -> memref<1x40x128xi32, #tpu.memory_space<hbm>>
      %dma_wait3A_74 = tpu.memref_squeeze %dma_wait3A_73 : memref<1x40x128xi32, #tpu.memory_space<hbm>> -> memref<40x128xi32, #tpu.memory_space<hbm>>
      %dma_wait3A_75 = arith.constant 40 : i32
      %dma_wait3A_76 = arith.constant 0 : i32
      %dma_wait3A_77 = tpu.memref_slice %arg3[%add3A, %dma_wait3A_75, %dma_wait3A_76] : memref<32x80x128xi32, #tpu.memory_space<hbm>> -> memref<1x40x128xi32, #tpu.memory_space<hbm>>
      %dma_wait3A_78 = tpu.memref_squeeze %dma_wait3A_77 : memref<1x40x128xi32, #tpu.memory_space<hbm>> -> memref<40x128xi32, #tpu.memory_space<hbm>>
      tpu.wait_dma2 semaphore(%run_scoped3A : memref<!tpu.dma_semaphore, #tpu.memory_space<semaphore_mem>>) src(%dma_wait3A_78 : memref<40x128xi32, #tpu.memory_space<hbm>>) dst(%arg7 : memref<40x128xi32, #tpu.memory_space<vmem>>)
      tpu.yield
    }) : () -> ()
    %dma_start3A_41 = arith.constant 0 : i32
    %dma_start3A_42 = arith.constant 0 : i32
    %dma_start3A_43 = tpu.memref_slice %arg6[%dma_start3A_41, %dma_start3A_42] : memref<40x128xi32, #tpu.memory_space<vmem>> -> memref<1x128xi32, #tpu.memory_space<vmem>>
    %dma_start3A_44 = tpu.memref_squeeze %dma_start3A_43 : memref<1x128xi32, #tpu.memory_space<vmem>> -> memref<128xi32, #tpu.memory_space<vmem>>
    %dma_start3A_45 = arith.constant 0 : i32
    %dma_start3A_46 = arith.constant 0 : i32
    %dma_start3A_47 = tpu.memref_slice %arg4[%dma_start3A_45, %dma_start3A_46] : memref<10240x64xi32, #tpu.memory_space<hbm>> -> memref<10240x64xi32, #tpu.memory_space<hbm>>
    tpu.enqueue_indirect_dma source(%dma_start3A_47 : memref<10240x64xi32, #tpu.memory_space<hbm>>) target(%arg8 : memref<128x64xi32, #tpu.memory_space<vmem>>) offsets(%dma_start3A_44 : memref<128xi32, #tpu.memory_space<vmem>>) semaphore(%arg12 : memref<!tpu.dma_semaphore, #tpu.memory_space<semaphore_mem>>)
    %scan3A_48 = arith.constant 0 : i32
    %scan3A_49 = arith.constant 0 : i32
    %scan3A_50 = arith.constant 20 : i32
    %scan3A_51 = arith.addi %scan3A_49, %scan3A_50 : i32
    %scan3A_52 = arith.constant 1 : i32
    %scan3A_53 = scf.for %scan3A_63 = %scan3A_49 to %scan3A_51 step %scan3A_52 iter_args(%scan3A_64 = %scan3A_48) -> (i32)  : i32 {
      %mul3A_65 = arith.constant 2 : i32
      %mul3A_66 = arith.muli %mul3A_65, %scan3A_63 : i32
      %add3A_67 = arith.constant 1 : i32
      %add3A_68 = arith.addi %mul3A_66, %add3A_67 : i32
      %dma_start3A_69 = arith.constant 0 : i32
      %dma_start3A_70 = tpu.memref_slice %arg6[%add3A_68, %dma_start3A_69] : memref<40x128xi32, #tpu.memory_space<vmem>> -> memref<1x128xi32, #tpu.memory_space<vmem>>
      %dma_start3A_71 = tpu.memref_squeeze %dma_start3A_70 : memref<1x128xi32, #tpu.memory_space<vmem>> -> memref<128xi32, #tpu.memory_space<vmem>>
      %dma_start3A_72 = arith.constant 0 : i32
      %dma_start3A_73 = arith.constant 0 : i32
      %dma_start3A_74 = tpu.memref_slice %arg4[%dma_start3A_72, %dma_start3A_73] : memref<10240x64xi32, #tpu.memory_space<hbm>> -> memref<10240x64xi32, #tpu.memory_space<hbm>>
      tpu.enqueue_indirect_dma source(%dma_start3A_74 : memref<10240x64xi32, #tpu.memory_space<hbm>>) target(%arg9 : memref<128x64xi32, #tpu.memory_space<vmem>>) offsets(%dma_start3A_71 : memref<128xi32, #tpu.memory_space<vmem>>) semaphore(%arg13 : memref<!tpu.dma_semaphore, #tpu.memory_space<semaphore_mem>>)
      %dma_wait3A_75 = arith.constant 0 : i32
      %dma_wait3A_76 = tpu.memref_slice %arg6[%mul3A_66, %dma_wait3A_75] : memref<40x128xi32, #tpu.memory_space<vmem>> -> memref<1x128xi32, #tpu.memory_space<vmem>>
      %dma_wait3A_77 = tpu.memref_squeeze %dma_wait3A_76 : memref<1x128xi32, #tpu.memory_space<vmem>> -> memref<128xi32, #tpu.memory_space<vmem>>
      %dma_wait3A_78 = arith.constant 0 : i32
      %dma_wait3A_79 = arith.constant 0 : i32
      %dma_wait3A_80 = tpu.memref_slice %arg4[%dma_wait3A_78, %dma_wait3A_79] : memref<10240x64xi32, #tpu.memory_space<hbm>> -> memref<10240x64xi32, #tpu.memory_space<hbm>>
      tpu.wait_indirect_dma semaphore(%arg12 : memref<!tpu.dma_semaphore, #tpu.memory_space<semaphore_mem>>) src(%dma_wait3A_80 : memref<10240x64xi32, #tpu.memory_space<hbm>>) dst(%arg8 : memref<128x64xi32, #tpu.memory_space<vmem>>)
      %gt3A = arith.constant 0 : i32
      %gt3A_81 = arith.cmpi sgt, %mul3A_66, %gt3A : i32
      %convert_element_type3A = arith.extui %gt3A_81 : i1 to i32
      %cond3A = arith.constant 0 : i32
      %cond3A_82 = arith.cmpi ne, %convert_element_type3A, %cond3A : i32
      scf.if %cond3A_82 {
        %sub3A = arith.constant 1 : i32
        %sub3A_128 = arith.subi %mul3A_66, %sub3A : i32
        %dma_wait3A_129 = arith.constant 0 : i32
        %dma_wait3A_130 = tpu.memref_slice %arg7[%sub3A_128, %dma_wait3A_129] : memref<40x128xi32, #tpu.memory_space<vmem>> -> memref<1x128xi32, #tpu.memory_space<vmem>>
        %dma_wait3A_131 = tpu.memref_squeeze %dma_wait3A_130 : memref<1x128xi32, #tpu.memory_space<vmem>> -> memref<128xi32, #tpu.memory_space<vmem>>
        %dma_wait3A_132 = arith.constant 0 : i32
        %dma_wait3A_133 = arith.constant 0 : i32
        %dma_wait3A_134 = tpu.memref_slice %arg11[%dma_wait3A_132, %dma_wait3A_133] : memref<10240x128xf32, #tpu.memory_space<vmem_shared>> -> memref<10240x128xf32, #tpu.memory_space<vmem_shared>>
        tpu.wait_indirect_dma semaphore(%arg14 : memref<!tpu.dma_semaphore, #tpu.memory_space<semaphore_mem>>) src(%arg10 : memref<128x128xf32, #tpu.memory_space<vmem>>) dst(%dma_wait3A_134 : memref<10240x128xf32, #tpu.memory_space<vmem_shared>>)
      } else {
      }
      %scan3A_83 = arith.constant 0 : i32
      %scan3A_84 = arith.constant 0 : i32
      %scan3A_85 = arith.constant 128 : i32
      %scan3A_86 = arith.addi %scan3A_84, %scan3A_85 : i32
      %scan3A_87 = arith.constant 1 : i32
      %scan3A_88 = scf.for %scan3A_128 = %scan3A_84 to %scan3A_86 step %scan3A_87 iter_args(%scan3A_129 = %scan3A_83) -> (i32)  : i32 {
        %get3A = arith.index_cast %scan3A_128 : i32 to index
        %get3A_130 = arith.constant 0 : index
        %get3A_131 = tpu.vector_load %arg8[%get3A, %get3A_130] {strides = array<i32>} : memref<128x64xi32, #tpu.memory_space<vmem>>, vector<16xi32>,
        %shift_left3A = arith.constant 16 : i32
        %shift_left3A_132 = vector.broadcast %shift_left3A : i32 to vector<16xi32>
        %shift_left3A_133 = arith.shli %get3A_131, %shift_left3A_132 : vector<16xi32>
        %bitcast3A = vector.bitcast %shift_left3A_133 : vector<16xi32> to vector<16xf32>
        %swap3A = arith.index_cast %scan3A_128 : i32 to index
        %swap3A_134 = arith.constant 0 : index
        %swap3A_135 = tpu.vector_load %arg10[%swap3A, %swap3A_134] {strides = array<i32>} : memref<128x128xf32, #tpu.memory_space<vmem>>, vector<16xf32>,
        tpu.vector_store %arg10[%swap3A, %swap3A_134], %bitcast3A {strides = array<i32>} : memref<128x128xf32, #tpu.memory_space<vmem>>, vector<16xf32>,
        %and3A = arith.andi %get3A_131, %broadcast_in_dim3A_21 : vector<16xi32>
        %bitcast3A_136 = vector.bitcast %and3A : vector<16xi32> to vector<16xf32>
        %swap3A_137 = arith.index_cast %scan3A_128 : i32 to index
        %swap3A_138 = arith.constant 16 : index
        %swap3A_139 = tpu.vector_load %arg10[%swap3A_137, %swap3A_138] {strides = array<i32>} : memref<128x128xf32, #tpu.memory_space<vmem>>, vector<16xf32>,
        tpu.vector_store %arg10[%swap3A_137, %swap3A_138], %bitcast3A_136 {strides = array<i32>} : memref<128x128xf32, #tpu.memory_space<vmem>>, vector<16xf32>,
        %get3A_140 = arith.index_cast %scan3A_128 : i32 to index
        %get3A_141 = arith.constant 16 : index
        %get3A_142 = tpu.vector_load %arg8[%get3A_140, %get3A_141] {strides = array<i32>} : memref<128x64xi32, #tpu.memory_space<vmem>>, vector<16xi32>,
        %shift_left3A_143 = arith.constant 16 : i32
        %shift_left3A_144 = vector.broadcast %shift_left3A_143 : i32 to vector<16xi32>
        %shift_left3A_145 = arith.shli %get3A_142, %shift_left3A_144 : vector<16xi32>
        %bitcast3A_146 = vector.bitcast %shift_left3A_145 : vector<16xi32> to vector<16xf32>
        %swap3A_147 = arith.index_cast %scan3A_128 : i32 to index
        %swap3A_148 = arith.constant 32 : index
        %swap3A_149 = tpu.vector_load %arg10[%swap3A_147, %swap3A_148] {strides = array<i32>} : memref<128x128xf32, #tpu.memory_space<vmem>>, vector<16xf32>,
        tpu.vector_store %arg10[%swap3A_147, %swap3A_148], %bitcast3A_146 {strides = array<i32>} : memref<128x128xf32, #tpu.memory_space<vmem>>, vector<16xf32>,
        %and3A_150 = arith.andi %get3A_142, %broadcast_in_dim3A_21 : vector<16xi32>
        %bitcast3A_151 = vector.bitcast %and3A_150 : vector<16xi32> to vector<16xf32>
        %swap3A_152 = arith.index_cast %scan3A_128 : i32 to index
        %swap3A_153 = arith.constant 48 : index
        %swap3A_154 = tpu.vector_load %arg10[%swap3A_152, %swap3A_153] {strides = array<i32>} : memref<128x128xf32, #tpu.memory_space<vmem>>, vector<16xf32>,
        tpu.vector_store %arg10[%swap3A_152, %swap3A_153], %bitcast3A_151 {strides = array<i32>} : memref<128x128xf32, #tpu.memory_space<vmem>>, vector<16xf32>,
        %get3A_155 = arith.index_cast %scan3A_128 : i32 to index
        %get3A_156 = arith.constant 32 : index
        %get3A_157 = tpu.vector_load %arg8[%get3A_155, %get3A_156] {strides = array<i32>} : memref<128x64xi32, #tpu.memory_space<vmem>>, vector<16xi32>,
        %shift_left3A_158 = arith.constant 16 : i32
        %shift_left3A_159 = vector.broadcast %shift_left3A_158 : i32 to vector<16xi32>
        %shift_left3A_160 = arith.shli %get3A_157, %shift_left3A_159 : vector<16xi32>
        %bitcast3A_161 = vector.bitcast %shift_left3A_160 : vector<16xi32> to vector<16xf32>
        %swap3A_162 = arith.index_cast %scan3A_128 : i32 to index
        %swap3A_163 = arith.constant 64 : index
        %swap3A_164 = tpu.vector_load %arg10[%swap3A_162, %swap3A_163] {strides = array<i32>} : memref<128x128xf32, #tpu.memory_space<vmem>>, vector<16xf32>,
        tpu.vector_store %arg10[%swap3A_162, %swap3A_163], %bitcast3A_161 {strides = array<i32>} : memref<128x128xf32, #tpu.memory_space<vmem>>, vector<16xf32>,
        %and3A_165 = arith.andi %get3A_157, %broadcast_in_dim3A_21 : vector<16xi32>
        %bitcast3A_166 = vector.bitcast %and3A_165 : vector<16xi32> to vector<16xf32>
        %swap3A_167 = arith.index_cast %scan3A_128 : i32 to index
        %swap3A_168 = arith.constant 80 : index
        %swap3A_169 = tpu.vector_load %arg10[%swap3A_167, %swap3A_168] {strides = array<i32>} : memref<128x128xf32, #tpu.memory_space<vmem>>, vector<16xf32>,
        tpu.vector_store %arg10[%swap3A_167, %swap3A_168], %bitcast3A_166 {strides = array<i32>} : memref<128x128xf32, #tpu.memory_space<vmem>>, vector<16xf32>,
        %get3A_170 = arith.index_cast %scan3A_128 : i32 to index
        %get3A_171 = arith.constant 48 : index
        %get3A_172 = tpu.vector_load %arg8[%get3A_170, %get3A_171] {strides = array<i32>} : memref<128x64xi32, #tpu.memory_space<vmem>>, vector<16xi32>,
        %shift_left3A_173 = arith.constant 16 : i32
        %shift_left3A_174 = vector.broadcast %shift_left3A_173 : i32 to vector<16xi32>
        %shift_left3A_175 = arith.shli %get3A_172, %shift_left3A_174 : vector<16xi32>
        %bitcast3A_176 = vector.bitcast %shift_left3A_175 : vector<16xi32> to vector<16xf32>
        %swap3A_177 = arith.index_cast %scan3A_128 : i32 to index
        %swap3A_178 = arith.constant 96 : index
        %swap3A_179 = tpu.vector_load %arg10[%swap3A_177, %swap3A_178] {strides = array<i32>} : memref<128x128xf32, #tpu.memory_space<vmem>>, vector<16xf32>,
        tpu.vector_store %arg10[%swap3A_177, %swap3A_178], %bitcast3A_176 {strides = array<i32>} : memref<128x128xf32, #tpu.memory_space<vmem>>, vector<16xf32>,
        %and3A_180 = arith.andi %get3A_172, %broadcast_in_dim3A_21 : vector<16xi32>
        %bitcast3A_181 = vector.bitcast %and3A_180 : vector<16xi32> to vector<16xf32>
        %swap3A_182 = arith.index_cast %scan3A_128 : i32 to index
        %swap3A_183 = arith.constant 112 : index
        %swap3A_184 = tpu.vector_load %arg10[%swap3A_182, %swap3A_183] {strides = array<i32>} : memref<128x128xf32, #tpu.memory_space<vmem>>, vector<16xf32>,
        tpu.vector_store %arg10[%swap3A_182, %swap3A_183], %bitcast3A_181 {strides = array<i32>} : memref<128x128xf32, #tpu.memory_space<vmem>>, vector<16xf32>,
        %scan3A_185 = arith.constant 0 : i32
        scf.yield %scan3A_185 : i32
      }
      %scan3A_89 = arith.constant 128 : i32
      %dma_start3A_90 = arith.constant 0 : i32
      %dma_start3A_91 = tpu.memref_slice %arg7[%mul3A_66, %dma_start3A_90] : memref<40x128xi32, #tpu.memory_space<vmem>> -> memref<1x128xi32, #tpu.memory_space<vmem>>
      %dma_start3A_92 = tpu.memref_squeeze %dma_start3A_91 : memref<1x128xi32, #tpu.memory_space<vmem>> -> memref<128xi32, #tpu.memory_space<vmem>>
      %dma_start3A_93 = arith.constant 0 : i32
      %dma_start3A_94 = arith.constant 0 : i32
      %dma_start3A_95 = tpu.memref_slice %arg11[%dma_start3A_93, %dma_start3A_94] : memref<10240x128xf32, #tpu.memory_space<vmem_shared>> -> memref<10240x128xf32, #tpu.memory_space<vmem_shared>>
      tpu.enqueue_indirect_dma source(%arg10 : memref<128x128xf32, #tpu.memory_space<vmem>>) target(%dma_start3A_95 : memref<10240x128xf32, #tpu.memory_space<vmem_shared>>) offsets(%dma_start3A_92 : memref<128xi32, #tpu.memory_space<vmem>>) semaphore(%arg14 : memref<!tpu.dma_semaphore, #tpu.memory_space<semaphore_mem>>) {add = true}
      %add3A_96 = arith.constant 2 : i32
      %add3A_97 = arith.addi %mul3A_66, %add3A_96 : i32
      %lt3A = arith.constant 40 : i32
      %lt3A_98 = arith.cmpi slt, %add3A_97, %lt3A : i32
      %convert_element_type3A_99 = arith.extui %lt3A_98 : i1 to i32
      %cond3A_100 = arith.constant 0 : i32
      %cond3A_101 = arith.cmpi ne, %convert_element_type3A_99, %cond3A_100 : i32
      scf.if %cond3A_101 {
        %add3A_128 = arith.constant 2 : i32
        %add3A_129 = arith.addi %mul3A_66, %add3A_128 : i32
        %dma_start3A_130 = arith.constant 0 : i32
        %dma_start3A_131 = tpu.memref_slice %arg6[%add3A_129, %dma_start3A_130] : memref<40x128xi32, #tpu.memory_space<vmem>> -> memref<1x128xi32, #tpu.memory_space<vmem>>
        %dma_start3A_132 = tpu.memref_squeeze %dma_start3A_131 : memref<1x128xi32, #tpu.memory_space<vmem>> -> memref<128xi32, #tpu.memory_space<vmem>>
        %dma_start3A_133 = arith.constant 0 : i32
        %dma_start3A_134 = arith.constant 0 : i32
        %dma_start3A_135 = tpu.memref_slice %arg4[%dma_start3A_133, %dma_start3A_134] : memref<10240x64xi32, #tpu.memory_space<hbm>> -> memref<10240x64xi32, #tpu.memory_space<hbm>>
        tpu.enqueue_indirect_dma source(%dma_start3A_135 : memref<10240x64xi32, #tpu.memory_space<hbm>>) target(%arg8 : memref<128x64xi32, #tpu.memory_space<vmem>>) offsets(%dma_start3A_132 : memref<128xi32, #tpu.memory_space<vmem>>) semaphore(%arg12 : memref<!tpu.dma_semaphore, #tpu.memory_space<semaphore_mem>>)
      } else {
      }
      %dma_wait3A_102 = arith.constant 0 : i32
      %dma_wait3A_103 = tpu.memref_slice %arg6[%add3A_68, %dma_wait3A_102] : memref<40x128xi32, #tpu.memory_space<vmem>> -> memref<1x128xi32, #tpu.memory_space<vmem>>
      %dma_wait3A_104 = tpu.memref_squeeze %dma_wait3A_103 : memref<1x128xi32, #tpu.memory_space<vmem>> -> memref<128xi32, #tpu.memory_space<vmem>>
      %dma_wait3A_105 = arith.constant 0 : i32
      %dma_wait3A_106 = arith.constant 0 : i32
      %dma_wait3A_107 = tpu.memref_slice %arg4[%dma_wait3A_105, %dma_wait3A_106] : memref<10240x64xi32, #tpu.memory_space<hbm>> -> memref<10240x64xi32, #tpu.memory_space<hbm>>
      tpu.wait_indirect_dma semaphore(%arg13 : memref<!tpu.dma_semaphore, #tpu.memory_space<semaphore_mem>>) src(%dma_wait3A_107 : memref<10240x64xi32, #tpu.memory_space<hbm>>) dst(%arg9 : memref<128x64xi32, #tpu.memory_space<vmem>>)
      %dma_wait3A_108 = arith.constant 0 : i32
      %dma_wait3A_109 = tpu.memref_slice %arg7[%mul3A_66, %dma_wait3A_108] : memref<40x128xi32, #tpu.memory_space<vmem>> -> memref<1x128xi32, #tpu.memory_space<vmem>>
      %dma_wait3A_110 = tpu.memref_squeeze %dma_wait3A_109 : memref<1x128xi32, #tpu.memory_space<vmem>> -> memref<128xi32, #tpu.memory_space<vmem>>
      %dma_wait3A_111 = arith.constant 0 : i32
      %dma_wait3A_112 = arith.constant 0 : i32
      %dma_wait3A_113 = tpu.memref_slice %arg11[%dma_wait3A_111, %dma_wait3A_112] : memref<10240x128xf32, #tpu.memory_space<vmem_shared>> -> memref<10240x128xf32, #tpu.memory_space<vmem_shared>>
      tpu.wait_indirect_dma semaphore(%arg14 : memref<!tpu.dma_semaphore, #tpu.memory_space<semaphore_mem>>) src(%arg10 : memref<128x128xf32, #tpu.memory_space<vmem>>) dst(%dma_wait3A_113 : memref<10240x128xf32, #tpu.memory_space<vmem_shared>>)
      %scan3A_114 = arith.constant 0 : i32
      %scan3A_115 = arith.constant 0 : i32
      %scan3A_116 = arith.constant 128 : i32
      %scan3A_117 = arith.addi %scan3A_115, %scan3A_116 : i32
      %scan3A_118 = arith.constant 1 : i32
      %scan3A_119 = scf.for %scan3A_128 = %scan3A_115 to %scan3A_117 step %scan3A_118 iter_args(%scan3A_129 = %scan3A_114) -> (i32)  : i32 {
        %get3A = arith.index_cast %scan3A_128 : i32 to index
        %get3A_130 = arith.constant 0 : index
        %get3A_131 = tpu.vector_load %arg9[%get3A, %get3A_130] {strides = array<i32>} : memref<128x64xi32, #tpu.memory_space<vmem>>, vector<16xi32>,
        %shift_left3A = arith.constant 16 : i32
        %shift_left3A_132 = vector.broadcast %shift_left3A : i32 to vector<16xi32>
        %shift_left3A_133 = arith.shli %get3A_131, %shift_left3A_132 : vector<16xi32>
        %bitcast3A = vector.bitcast %shift_left3A_133 : vector<16xi32> to vector<16xf32>
        %swap3A = arith.index_cast %scan3A_128 : i32 to index
        %swap3A_134 = arith.constant 0 : index
        %swap3A_135 = tpu.vector_load %arg10[%swap3A, %swap3A_134] {strides = array<i32>} : memref<128x128xf32, #tpu.memory_space<vmem>>, vector<16xf32>,
        tpu.vector_store %arg10[%swap3A, %swap3A_134], %bitcast3A {strides = array<i32>} : memref<128x128xf32, #tpu.memory_space<vmem>>, vector<16xf32>,
        %and3A = arith.andi %get3A_131, %broadcast_in_dim3A_21 : vector<16xi32>
        %bitcast3A_136 = vector.bitcast %and3A : vector<16xi32> to vector<16xf32>
        %swap3A_137 = arith.index_cast %scan3A_128 : i32 to index
        %swap3A_138 = arith.constant 16 : index
        %swap3A_139 = tpu.vector_load %arg10[%swap3A_137, %swap3A_138] {strides = array<i32>} : memref<128x128xf32, #tpu.memory_space<vmem>>, vector<16xf32>,
        tpu.vector_store %arg10[%swap3A_137, %swap3A_138], %bitcast3A_136 {strides = array<i32>} : memref<128x128xf32, #tpu.memory_space<vmem>>, vector<16xf32>,
        %get3A_140 = arith.index_cast %scan3A_128 : i32 to index
        %get3A_141 = arith.constant 16 : index
        %get3A_142 = tpu.vector_load %arg9[%get3A_140, %get3A_141] {strides = array<i32>} : memref<128x64xi32, #tpu.memory_space<vmem>>, vector<16xi32>,
        %shift_left3A_143 = arith.constant 16 : i32
        %shift_left3A_144 = vector.broadcast %shift_left3A_143 : i32 to vector<16xi32>
        %shift_left3A_145 = arith.shli %get3A_142, %shift_left3A_144 : vector<16xi32>
        %bitcast3A_146 = vector.bitcast %shift_left3A_145 : vector<16xi32> to vector<16xf32>
        %swap3A_147 = arith.index_cast %scan3A_128 : i32 to index
        %swap3A_148 = arith.constant 32 : index
        %swap3A_149 = tpu.vector_load %arg10[%swap3A_147, %swap3A_148] {strides = array<i32>} : memref<128x128xf32, #tpu.memory_space<vmem>>, vector<16xf32>,
        tpu.vector_store %arg10[%swap3A_147, %swap3A_148], %bitcast3A_146 {strides = array<i32>} : memref<128x128xf32, #tpu.memory_space<vmem>>, vector<16xf32>,
        %and3A_150 = arith.andi %get3A_142, %broadcast_in_dim3A_21 : vector<16xi32>
        %bitcast3A_151 = vector.bitcast %and3A_150 : vector<16xi32> to vector<16xf32>
        %swap3A_152 = arith.index_cast %scan3A_128 : i32 to index
        %swap3A_153 = arith.constant 48 : index
        %swap3A_154 = tpu.vector_load %arg10[%swap3A_152, %swap3A_153] {strides = array<i32>} : memref<128x128xf32, #tpu.memory_space<vmem>>, vector<16xf32>,
        tpu.vector_store %arg10[%swap3A_152, %swap3A_153], %bitcast3A_151 {strides = array<i32>} : memref<128x128xf32, #tpu.memory_space<vmem>>, vector<16xf32>,
        %get3A_155 = arith.index_cast %scan3A_128 : i32 to index
        %get3A_156 = arith.constant 32 : index
        %get3A_157 = tpu.vector_load %arg9[%get3A_155, %get3A_156] {strides = array<i32>} : memref<128x64xi32, #tpu.memory_space<vmem>>, vector<16xi32>,
        %shift_left3A_158 = arith.constant 16 : i32
        %shift_left3A_159 = vector.broadcast %shift_left3A_158 : i32 to vector<16xi32>
        %shift_left3A_160 = arith.shli %get3A_157, %shift_left3A_159 : vector<16xi32>
        %bitcast3A_161 = vector.bitcast %shift_left3A_160 : vector<16xi32> to vector<16xf32>
        %swap3A_162 = arith.index_cast %scan3A_128 : i32 to index
        %swap3A_163 = arith.constant 64 : index
        %swap3A_164 = tpu.vector_load %arg10[%swap3A_162, %swap3A_163] {strides = array<i32>} : memref<128x128xf32, #tpu.memory_space<vmem>>, vector<16xf32>,
        tpu.vector_store %arg10[%swap3A_162, %swap3A_163], %bitcast3A_161 {strides = array<i32>} : memref<128x128xf32, #tpu.memory_space<vmem>>, vector<16xf32>,
        %and3A_165 = arith.andi %get3A_157, %broadcast_in_dim3A_21 : vector<16xi32>
        %bitcast3A_166 = vector.bitcast %and3A_165 : vector<16xi32> to vector<16xf32>
        %swap3A_167 = arith.index_cast %scan3A_128 : i32 to index
        %swap3A_168 = arith.constant 80 : index
        %swap3A_169 = tpu.vector_load %arg10[%swap3A_167, %swap3A_168] {strides = array<i32>} : memref<128x128xf32, #tpu.memory_space<vmem>>, vector<16xf32>,
        tpu.vector_store %arg10[%swap3A_167, %swap3A_168], %bitcast3A_166 {strides = array<i32>} : memref<128x128xf32, #tpu.memory_space<vmem>>, vector<16xf32>,
        %get3A_170 = arith.index_cast %scan3A_128 : i32 to index
        %get3A_171 = arith.constant 48 : index
        %get3A_172 = tpu.vector_load %arg9[%get3A_170, %get3A_171] {strides = array<i32>} : memref<128x64xi32, #tpu.memory_space<vmem>>, vector<16xi32>,
        %shift_left3A_173 = arith.constant 16 : i32
        %shift_left3A_174 = vector.broadcast %shift_left3A_173 : i32 to vector<16xi32>
        %shift_left3A_175 = arith.shli %get3A_172, %shift_left3A_174 : vector<16xi32>
        %bitcast3A_176 = vector.bitcast %shift_left3A_175 : vector<16xi32> to vector<16xf32>
        %swap3A_177 = arith.index_cast %scan3A_128 : i32 to index
        %swap3A_178 = arith.constant 96 : index
        %swap3A_179 = tpu.vector_load %arg10[%swap3A_177, %swap3A_178] {strides = array<i32>} : memref<128x128xf32, #tpu.memory_space<vmem>>, vector<16xf32>,
        tpu.vector_store %arg10[%swap3A_177, %swap3A_178], %bitcast3A_176 {strides = array<i32>} : memref<128x128xf32, #tpu.memory_space<vmem>>, vector<16xf32>,
        %and3A_180 = arith.andi %get3A_172, %broadcast_in_dim3A_21 : vector<16xi32>
        %bitcast3A_181 = vector.bitcast %and3A_180 : vector<16xi32> to vector<16xf32>
        %swap3A_182 = arith.index_cast %scan3A_128 : i32 to index
        %swap3A_183 = arith.constant 112 : index
        %swap3A_184 = tpu.vector_load %arg10[%swap3A_182, %swap3A_183] {strides = array<i32>} : memref<128x128xf32, #tpu.memory_space<vmem>>, vector<16xf32>,
        tpu.vector_store %arg10[%swap3A_182, %swap3A_183], %bitcast3A_181 {strides = array<i32>} : memref<128x128xf32, #tpu.memory_space<vmem>>, vector<16xf32>,
        %scan3A_185 = arith.constant 0 : i32
        scf.yield %scan3A_185 : i32
      }
      %scan3A_120 = arith.constant 128 : i32
      %dma_start3A_121 = arith.constant 0 : i32
      %dma_start3A_122 = tpu.memref_slice %arg7[%add3A_68, %dma_start3A_121] : memref<40x128xi32, #tpu.memory_space<vmem>> -> memref<1x128xi32, #tpu.memory_space<vmem>>
      %dma_start3A_123 = tpu.memref_squeeze %dma_start3A_122 : memref<1x128xi32, #tpu.memory_space<vmem>> -> memref<128xi32, #tpu.memory_space<vmem>>
      %dma_start3A_124 = arith.constant 0 : i32
      %dma_start3A_125 = arith.constant 0 : i32
      %dma_start3A_126 = tpu.memref_slice %arg11[%dma_start3A_124, %dma_start3A_125] : memref<10240x128xf32, #tpu.memory_space<vmem_shared>> -> memref<10240x128xf32, #tpu.memory_space<vmem_shared>>
      tpu.enqueue_indirect_dma source(%arg10 : memref<128x128xf32, #tpu.memory_space<vmem>>) target(%dma_start3A_126 : memref<10240x128xf32, #tpu.memory_space<vmem_shared>>) offsets(%dma_start3A_123 : memref<128xi32, #tpu.memory_space<vmem>>) semaphore(%arg14 : memref<!tpu.dma_semaphore, #tpu.memory_space<semaphore_mem>>) {add = true}
      %scan3A_127 = arith.constant 0 : i32
      scf.yield %scan3A_127 : i32
    }
    %scan3A_54 = arith.constant 20 : i32
    %dma_wait3A_55 = arith.constant 39 : i32
    %dma_wait3A_56 = arith.constant 0 : i32
    %dma_wait3A_57 = tpu.memref_slice %arg7[%dma_wait3A_55, %dma_wait3A_56] : memref<40x128xi32, #tpu.memory_space<vmem>> -> memref<1x128xi32, #tpu.memory_space<vmem>>
    %dma_wait3A_58 = tpu.memref_squeeze %dma_wait3A_57 : memref<1x128xi32, #tpu.memory_space<vmem>> -> memref<128xi32, #tpu.memory_space<vmem>>
    %dma_wait3A_59 = arith.constant 0 : i32
    %dma_wait3A_60 = arith.constant 0 : i32
    %dma_wait3A_61 = tpu.memref_slice %arg11[%dma_wait3A_59, %dma_wait3A_60] : memref<10240x128xf32, #tpu.memory_space<vmem_shared>> -> memref<10240x128xf32, #tpu.memory_space<vmem_shared>>
    tpu.wait_indirect_dma semaphore(%arg14 : memref<!tpu.dma_semaphore, #tpu.memory_space<semaphore_mem>>) src(%arg10 : memref<128x128xf32, #tpu.memory_space<vmem>>) dst(%dma_wait3A_61 : memref<10240x128xf32, #tpu.memory_space<vmem_shared>>)
    %barrier3A_62 = arith.constant 0 : index
    tpu.barrier barrier_id(%barrier3A_62)
    "tpu.region"() ({
      %run_scoped3A = tpu.sem_alloc : memref<!tpu.dma_semaphore, #tpu.memory_space<semaphore_mem>>
      %dma_start3A_63 = arith.constant 0 : i32
      %dma_start3A_64 = tpu.memref_slice %arg5[%arg0, %mul3A_2, %dma_start3A_63] : memref<2x10240x128xf32, #tpu.memory_space<hbm>> -> memref<1x640x128xf32, #tpu.memory_space<hbm>>
      %dma_start3A_65 = tpu.memref_squeeze %dma_start3A_64 : memref<1x640x128xf32, #tpu.memory_space<hbm>> -> memref<640x128xf32, #tpu.memory_space<hbm>>
      %dma_start3A_66 = arith.constant 0 : i32
      %dma_start3A_67 = tpu.memref_slice %arg11[%mul3A_2, %dma_start3A_66] : memref<10240x128xf32, #tpu.memory_space<vmem_shared>> -> memref<640x128xf32, #tpu.memory_space<vmem_shared>>
      tpu.enqueue_dma source(%dma_start3A_67 : memref<640x128xf32, #tpu.memory_space<vmem_shared>>) target(%dma_start3A_65 : memref<640x128xf32, #tpu.memory_space<hbm>>) target_semaphore(%run_scoped3A : memref<!tpu.dma_semaphore, #tpu.memory_space<semaphore_mem>>)
      %dma_wait3A_68 = arith.constant 0 : i32
      %dma_wait3A_69 = tpu.memref_slice %arg5[%arg0, %mul3A_2, %dma_wait3A_68] : memref<2x10240x128xf32, #tpu.memory_space<hbm>> -> memref<1x640x128xf32, #tpu.memory_space<hbm>>
      %dma_wait3A_70 = tpu.memref_squeeze %dma_wait3A_69 : memref<1x640x128xf32, #tpu.memory_space<hbm>> -> memref<640x128xf32, #tpu.memory_space<hbm>>
      %dma_wait3A_71 = arith.constant 0 : i32
      %dma_wait3A_72 = tpu.memref_slice %arg11[%mul3A_2, %dma_wait3A_71] : memref<10240x128xf32, #tpu.memory_space<vmem_shared>> -> memref<640x128xf32, #tpu.memory_space<vmem_shared>>
      tpu.wait_dma2 semaphore(%run_scoped3A : memref<!tpu.dma_semaphore, #tpu.memory_space<semaphore_mem>>) src(%dma_wait3A_72 : memref<640x128xf32, #tpu.memory_space<vmem_shared>>) dst(%dma_wait3A_70 : memref<640x128xf32, #tpu.memory_space<hbm>>)
      tpu.yield
    }) : () -> ()
    return
  }
}

module attributes {stable_mosaic.version = 14 : i64} {
  func.func @_mm_scale_body(%arg0: i32, %arg1: memref<1280x128xf32, #tpu.memory_space<vmem>>, %arg2: memref<128x128xf32, #tpu.memory_space<vmem>>, %arg3: memref<2x1280x1xf32, #tpu.memory_space<vmem>>, %arg4: memref<1280x128xf32, #tpu.memory_space<vmem>>, %arg5: memref<1280x64xi32, #tpu.memory_space<vmem>>, %arg6: memref<1280x1xf32, #tpu.memory_space<vmem>>) attributes {dimension_semantics = [#tpu.dimension_semantics<arbitrary>], iteration_bounds = array<i64: 8>, scalar_prefetch = 0 : i64, scratch_operands = 0 : i64, tpu.core_type = #tpu.core_type<tc>, window_params = [{transform_indices = @transform_0, window_bounds = array<i64: 1280, 128>}, {pipeline_mode = #tpu.pipeline_mode<synchronous>, transform_indices = @transform_1, window_bounds = array<i64: 128, 128>}, {transform_indices = @transform_2, window_bounds = array<i64: 2, 1280, 1>}, {transform_indices = @transform_3, window_bounds = array<i64: 1280, 128>}, {transform_indices = @transform_4, window_bounds = array<i64: 1280, 64>}, {transform_indices = @transform_5, window_bounds = array<i64: 1280, 1>}]} {
    %get3A = arith.constant 0 : index
    %get3A_0 = arith.constant 0 : index
    %get3A_1 = arith.constant 0 : index
    %get3A_2 = vector.load %arg3[%get3A, %get3A_0, %get3A_1] : memref<2x1280x1xf32, #tpu.memory_space<vmem>>, vector<1x1280x1xf32>
    %get3A_3 = vector.shape_cast %get3A_2 : vector<1x1280x1xf32> to vector<1280x1xf32>
    %get3A_4 = arith.constant 1 : index
    %get3A_5 = arith.constant 0 : index
    %get3A_6 = arith.constant 0 : index
    %get3A_7 = vector.load %arg3[%get3A_4, %get3A_5, %get3A_6] : memref<2x1280x1xf32, #tpu.memory_space<vmem>>, vector<1x1280x1xf32>
    %get3A_8 = vector.shape_cast %get3A_7 : vector<1x1280x1xf32> to vector<1280x1xf32>
    %add3A = arith.addf %get3A_3, %get3A_8 : vector<1280x1xf32>
    %add3A_9 = arith.constant 1.000000e+00 : f32
    %add3A_10 = vector.broadcast %add3A_9 : f32 to vector<1280x1xf32>
    %add3A_11 = arith.addf %add3A, %add3A_10 : vector<1280x1xf32>
    %rsqrt3A = math.rsqrt %add3A_11 : vector<1280x1xf32>
    %get3A_12 = arith.constant 0 : index
    %get3A_13 = arith.constant 0 : index
    %get3A_14 = vector.load %arg1[%get3A_12, %get3A_13] : memref<1280x128xf32, #tpu.memory_space<vmem>>, vector<1280x128xf32>
    %get3A_15 = arith.constant 0 : index
    %get3A_16 = arith.constant 0 : index
    %get3A_17 = vector.load %arg2[%get3A_15, %get3A_16] : memref<128x128xf32, #tpu.memory_space<vmem>>, vector<128x128xf32>
    %dot_general3A = arith.constant dense<0.000000e+00> : vector<1280x128xf32>
    %dot_general3A_18 = tpu.matmul %get3A_14, %get3A_17, %dot_general3A {dimension_numbers = #tpu.dot_dimension_numbers<[1], [0], [0], [1], [0, 0, 1, 1], [], []>, transpose_lhs_hint = false} : vector<1280x128xf32>, vector<128x128xf32>, vector<1280x128xf32> -> vector<1280x128xf32>
    %mul3A = vector.broadcast %rsqrt3A : vector<1280x1xf32> to vector<1280x128xf32>
    %mul3A_19 = arith.mulf %dot_general3A_18, %mul3A : vector<1280x128xf32>
    %swap3A = arith.constant 0 : index
    %swap3A_20 = arith.constant 0 : index
    %swap3A_21 = vector.load %arg4[%swap3A, %swap3A_20] : memref<1280x128xf32, #tpu.memory_space<vmem>>, vector<1280x128xf32>
    tpu.vector_store %arg4[%swap3A, %swap3A_20], %mul3A_19 {strides = array<i32>} : memref<1280x128xf32, #tpu.memory_space<vmem>>, vector<1280x128xf32>,
    %slice3A = vector.extract_strided_slice %mul3A_19 {offsets = [0, 0], sizes = [1280, 16], strides = [1, 1]} : vector<1280x128xf32> to vector<1280x16xf32>
    %slice3A_22 = vector.extract_strided_slice %mul3A_19 {offsets = [0, 32], sizes = [1280, 16], strides = [1, 1]} : vector<1280x128xf32> to vector<1280x16xf32>
    %slice3A_23 = vector.extract_strided_slice %mul3A_19 {offsets = [0, 64], sizes = [1280, 16], strides = [1, 1]} : vector<1280x128xf32> to vector<1280x16xf32>
    %slice3A_24 = vector.extract_strided_slice %mul3A_19 {offsets = [0, 96], sizes = [1280, 16], strides = [1, 1]} : vector<1280x128xf32> to vector<1280x16xf32>
    %concatenate3A = tpu.concatenate %slice3A, %slice3A_22, %slice3A_23, %slice3A_24 in 1 : vector<1280x16xf32>, vector<1280x16xf32>, vector<1280x16xf32>, vector<1280x16xf32> -> vector<1280x64xf32>
    %slice3A_25 = vector.extract_strided_slice %mul3A_19 {offsets = [0, 16], sizes = [1280, 16], strides = [1, 1]} : vector<1280x128xf32> to vector<1280x16xf32>
    %slice3A_26 = vector.extract_strided_slice %mul3A_19 {offsets = [0, 48], sizes = [1280, 16], strides = [1, 1]} : vector<1280x128xf32> to vector<1280x16xf32>
    %slice3A_27 = vector.extract_strided_slice %mul3A_19 {offsets = [0, 80], sizes = [1280, 16], strides = [1, 1]} : vector<1280x128xf32> to vector<1280x16xf32>
    %slice3A_28 = vector.extract_strided_slice %mul3A_19 {offsets = [0, 112], sizes = [1280, 16], strides = [1, 1]} : vector<1280x128xf32> to vector<1280x16xf32>
    %concatenate3A_29 = tpu.concatenate %slice3A_25, %slice3A_26, %slice3A_27, %slice3A_28 in 1 : vector<1280x16xf32>, vector<1280x16xf32>, vector<1280x16xf32>, vector<1280x16xf32> -> vector<1280x64xf32>
    %convert_element_type3A = arith.truncf %concatenate3A : vector<1280x64xf32> to vector<1280x64xbf16>
    %bitcast_convert_type3A = tpu.bitcast %convert_element_type3A : vector<1280x64xbf16> -> vector<1280x64xi16>
    %convert_element_type3A_30 = arith.extui %bitcast_convert_type3A : vector<1280x64xi16> to vector<1280x64xi32>
    %convert_element_type3A_31 = arith.truncf %concatenate3A_29 : vector<1280x64xf32> to vector<1280x64xbf16>
    %bitcast_convert_type3A_32 = tpu.bitcast %convert_element_type3A_31 : vector<1280x64xbf16> -> vector<1280x64xi16>
    %convert_element_type3A_33 = arith.extui %bitcast_convert_type3A_32 : vector<1280x64xi16> to vector<1280x64xi32>
    %shift_left3A = arith.constant 16 : i32
    %shift_left3A_34 = vector.broadcast %shift_left3A : i32 to vector<1280x64xi32>
    %shift_left3A_35 = arith.shli %convert_element_type3A_33, %shift_left3A_34 : vector<1280x64xi32>
    %or3A = arith.ori %convert_element_type3A_30, %shift_left3A_35 : vector<1280x64xi32>
    %swap3A_36 = arith.constant 0 : index
    %swap3A_37 = arith.constant 0 : index
    %swap3A_38 = vector.load %arg5[%swap3A_36, %swap3A_37] : memref<1280x64xi32, #tpu.memory_space<vmem>>, vector<1280x64xi32>
    tpu.vector_store %arg5[%swap3A_36, %swap3A_37], %or3A {strides = array<i32>} : memref<1280x64xi32, #tpu.memory_space<vmem>>, vector<1280x64xi32>,
    %swap3A_39 = arith.constant 0 : index
    %swap3A_40 = arith.constant 0 : index
    %swap3A_41 = vector.load %arg6[%swap3A_39, %swap3A_40] : memref<1280x1xf32, #tpu.memory_space<vmem>>, vector<1280x1xf32>
    tpu.vector_store %arg6[%swap3A_39, %swap3A_40], %rsqrt3A {strides = array<i32>} : memref<1280x1xf32, #tpu.memory_space<vmem>>, vector<1280x1xf32>,
    return
  }
  func.func @transform_0(%arg0: i32) -> (i32, i32) {
    %c0_i32 = arith.constant 0 : i32
    %c0_i32_0 = arith.constant 0 : i32
    return %arg0, %c0_i32 : i32, i32
  }
  func.func @transform_1(%arg0: i32) -> (i32, i32) {
    %c0_i32 = arith.constant 0 : i32
    %c0_i32_0 = arith.constant 0 : i32
    %c0_i32_1 = arith.constant 0 : i32
    return %c0_i32, %c0_i32_0 : i32, i32
  }
  func.func @transform_2(%arg0: i32) -> (i32, i32, i32) {
    %c0_i32 = arith.constant 0 : i32
    %c0_i32_0 = arith.constant 0 : i32
    %c0_i32_1 = arith.constant 0 : i32
    return %c0_i32, %arg0, %c0_i32_0 : i32, i32, i32
  }
  func.func @transform_3(%arg0: i32) -> (i32, i32) {
    %c0_i32 = arith.constant 0 : i32
    %c0_i32_0 = arith.constant 0 : i32
    return %arg0, %c0_i32 : i32, i32
  }
  func.func @transform_4(%arg0: i32) -> (i32, i32) {
    %c0_i32 = arith.constant 0 : i32
    %c0_i32_0 = arith.constant 0 : i32
    return %arg0, %c0_i32 : i32, i32
  }
  func.func @transform_5(%arg0: i32) -> (i32, i32) {
    %c0_i32 = arith.constant 0 : i32
    %c0_i32_0 = arith.constant 0 : i32
    return %arg0, %c0_i32 : i32, i32
  }
}

module attributes {stable_mosaic.version = 14 : i64} {
  func.func @_layer_mid_body(%arg0: i32, %arg1: memref<2x1280x128xf32, #tpu.memory_space<vmem>>, %arg2: memref<1280x128xf32, #tpu.memory_space<vmem>>, %arg3: memref<1280x1xf32, #tpu.memory_space<vmem>>, %arg4: memref<1x128xf32, #tpu.memory_space<vmem>>, %arg5: memref<128x128xf32, #tpu.memory_space<vmem>>, %arg6: memref<1280x128xf32, #tpu.memory_space<vmem>>, %arg7: memref<1280x64xi32, #tpu.memory_space<vmem>>) attributes {dimension_semantics = [#tpu.dimension_semantics<arbitrary>], iteration_bounds = array<i64: 8>, scalar_prefetch = 0 : i64, scratch_operands = 0 : i64, tpu.core_type = #tpu.core_type<tc>, window_params = [{transform_indices = @transform_0, window_bounds = array<i64: 2, 1280, 128>}, {transform_indices = @transform_1, window_bounds = array<i64: 1280, 128>}, {transform_indices = @transform_2, window_bounds = array<i64: 1280, 1>}, {pipeline_mode = #tpu.pipeline_mode<synchronous>, transform_indices = @transform_3, window_bounds = array<i64: 1, 128>}, {pipeline_mode = #tpu.pipeline_mode<synchronous>, transform_indices = @transform_4, window_bounds = array<i64: 128, 128>}, {transform_indices = @transform_5, window_bounds = array<i64: 1280, 128>}, {transform_indices = @transform_6, window_bounds = array<i64: 1280, 64>}]} {
    %get3A = arith.constant 0 : index
    %get3A_0 = arith.constant 0 : index
    %get3A_1 = vector.load %arg3[%get3A, %get3A_0] : memref<1280x1xf32, #tpu.memory_space<vmem>>, vector<1280x1xf32>
    %get3A_2 = arith.constant 0 : index
    %get3A_3 = arith.constant 0 : index
    %get3A_4 = arith.constant 0 : index
    %get3A_5 = vector.load %arg1[%get3A_2, %get3A_3, %get3A_4] : memref<2x1280x128xf32, #tpu.memory_space<vmem>>, vector<1x1280x128xf32>
    %get3A_6 = vector.shape_cast %get3A_5 : vector<1x1280x128xf32> to vector<1280x128xf32>
    %get3A_7 = arith.constant 1 : index
    %get3A_8 = arith.constant 0 : index
    %get3A_9 = arith.constant 0 : index
    %get3A_10 = vector.load %arg1[%get3A_7, %get3A_8, %get3A_9] : memref<2x1280x128xf32, #tpu.memory_space<vmem>>, vector<1x1280x128xf32>
    %get3A_11 = vector.shape_cast %get3A_10 : vector<1x1280x128xf32> to vector<1280x128xf32>
    %add3A = arith.addf %get3A_6, %get3A_11 : vector<1280x128xf32>
    %get3A_12 = arith.constant 0 : index
    %get3A_13 = arith.constant 0 : index
    %get3A_14 = vector.load %arg2[%get3A_12, %get3A_13] : memref<1280x128xf32, #tpu.memory_space<vmem>>, vector<1280x128xf32>
    %add3A_15 = arith.addf %add3A, %get3A_14 : vector<1280x128xf32>
    %mul3A = vector.broadcast %get3A_1 : vector<1280x1xf32> to vector<1280x128xf32>
    %mul3A_16 = arith.mulf %mul3A, %add3A_15 : vector<1280x128xf32>
    %get3A_17 = arith.constant 0 : index
    %get3A_18 = arith.constant 0 : index
    %get3A_19 = vector.load %arg4[%get3A_17, %get3A_18] : memref<1x128xf32, #tpu.memory_space<vmem>>, vector<1x128xf32>
    %add3A_20 = vector.broadcast %get3A_19 : vector<1x128xf32> to vector<1280x128xf32>
    %add3A_21 = arith.addf %mul3A_16, %add3A_20 : vector<1280x128xf32>
    %gt3A = arith.constant 0.000000e+00 : f32
    %gt3A_22 = vector.broadcast %gt3A : f32 to vector<1280x128xf32>
    %gt3A_23 = arith.cmpf ogt, %add3A_21, %gt3A_22 : vector<1280x128xf32>
    %min3A = arith.constant 0.000000e+00 : f32
    %min3A_24 = vector.broadcast %min3A : f32 to vector<1280x128xf32>
    %min3A_25 = arith.minimumf %add3A_21, %min3A_24 : vector<1280x128xf32>
    %exp3A = math.exp %min3A_25 : vector<1280x128xf32>
    %sub3A = arith.constant 1.000000e+00 : f32
    %sub3A_26 = vector.broadcast %sub3A : f32 to vector<1280x128xf32>
    %sub3A_27 = arith.subf %exp3A, %sub3A_26 : vector<1280x128xf32>
    %select_n3A = arith.select %gt3A_23, %add3A_21, %sub3A_27 : vector<1280x128xi1>, vector<1280x128xf32>
    %get3A_28 = arith.constant 0 : index
    %get3A_29 = arith.constant 0 : index
    %get3A_30 = vector.load %arg5[%get3A_28, %get3A_29] : memref<128x128xf32, #tpu.memory_space<vmem>>, vector<128x128xf32>
    %dot_general3A = arith.constant dense<0.000000e+00> : vector<1280x128xf32>
    %dot_general3A_31 = tpu.matmul %select_n3A, %get3A_30, %dot_general3A {dimension_numbers = #tpu.dot_dimension_numbers<[1], [0], [0], [1], [0, 0, 1, 1], [], []>, transpose_lhs_hint = false} : vector<1280x128xf32>, vector<128x128xf32>, vector<1280x128xf32> -> vector<1280x128xf32>
    %mul3A_32 = vector.broadcast %get3A_1 : vector<1280x1xf32> to vector<1280x128xf32>
    %mul3A_33 = arith.mulf %dot_general3A_31, %mul3A_32 : vector<1280x128xf32>
    %swap3A = arith.constant 0 : index
    %swap3A_34 = arith.constant 0 : index
    %swap3A_35 = vector.load %arg6[%swap3A, %swap3A_34] : memref<1280x128xf32, #tpu.memory_space<vmem>>, vector<1280x128xf32>
    tpu.vector_store %arg6[%swap3A, %swap3A_34], %mul3A_33 {strides = array<i32>} : memref<1280x128xf32, #tpu.memory_space<vmem>>, vector<1280x128xf32>,
    %slice3A = vector.extract_strided_slice %mul3A_33 {offsets = [0, 0], sizes = [1280, 16], strides = [1, 1]} : vector<1280x128xf32> to vector<1280x16xf32>
    %slice3A_36 = vector.extract_strided_slice %mul3A_33 {offsets = [0, 32], sizes = [1280, 16], strides = [1, 1]} : vector<1280x128xf32> to vector<1280x16xf32>
    %slice3A_37 = vector.extract_strided_slice %mul3A_33 {offsets = [0, 64], sizes = [1280, 16], strides = [1, 1]} : vector<1280x128xf32> to vector<1280x16xf32>
    %slice3A_38 = vector.extract_strided_slice %mul3A_33 {offsets = [0, 96], sizes = [1280, 16], strides = [1, 1]} : vector<1280x128xf32> to vector<1280x16xf32>
    %concatenate3A = tpu.concatenate %slice3A, %slice3A_36, %slice3A_37, %slice3A_38 in 1 : vector<1280x16xf32>, vector<1280x16xf32>, vector<1280x16xf32>, vector<1280x16xf32> -> vector<1280x64xf32>
    %slice3A_39 = vector.extract_strided_slice %mul3A_33 {offsets = [0, 16], sizes = [1280, 16], strides = [1, 1]} : vector<1280x128xf32> to vector<1280x16xf32>
    %slice3A_40 = vector.extract_strided_slice %mul3A_33 {offsets = [0, 48], sizes = [1280, 16], strides = [1, 1]} : vector<1280x128xf32> to vector<1280x16xf32>
    %slice3A_41 = vector.extract_strided_slice %mul3A_33 {offsets = [0, 80], sizes = [1280, 16], strides = [1, 1]} : vector<1280x128xf32> to vector<1280x16xf32>
    %slice3A_42 = vector.extract_strided_slice %mul3A_33 {offsets = [0, 112], sizes = [1280, 16], strides = [1, 1]} : vector<1280x128xf32> to vector<1280x16xf32>
    %concatenate3A_43 = tpu.concatenate %slice3A_39, %slice3A_40, %slice3A_41, %slice3A_42 in 1 : vector<1280x16xf32>, vector<1280x16xf32>, vector<1280x16xf32>, vector<1280x16xf32> -> vector<1280x64xf32>
    %convert_element_type3A = arith.truncf %concatenate3A : vector<1280x64xf32> to vector<1280x64xbf16>
    %bitcast_convert_type3A = tpu.bitcast %convert_element_type3A : vector<1280x64xbf16> -> vector<1280x64xi16>
    %convert_element_type3A_44 = arith.extui %bitcast_convert_type3A : vector<1280x64xi16> to vector<1280x64xi32>
    %convert_element_type3A_45 = arith.truncf %concatenate3A_43 : vector<1280x64xf32> to vector<1280x64xbf16>
    %bitcast_convert_type3A_46 = tpu.bitcast %convert_element_type3A_45 : vector<1280x64xbf16> -> vector<1280x64xi16>
    %convert_element_type3A_47 = arith.extui %bitcast_convert_type3A_46 : vector<1280x64xi16> to vector<1280x64xi32>
    %shift_left3A = arith.constant 16 : i32
    %shift_left3A_48 = vector.broadcast %shift_left3A : i32 to vector<1280x64xi32>
    %shift_left3A_49 = arith.shli %convert_element_type3A_47, %shift_left3A_48 : vector<1280x64xi32>
    %or3A = arith.ori %convert_element_type3A_44, %shift_left3A_49 : vector<1280x64xi32>
    %swap3A_50 = arith.constant 0 : index
    %swap3A_51 = arith.constant 0 : index
    %swap3A_52 = vector.load %arg7[%swap3A_50, %swap3A_51] : memref<1280x64xi32, #tpu.memory_space<vmem>>, vector<1280x64xi32>
    tpu.vector_store %arg7[%swap3A_50, %swap3A_51], %or3A {strides = array<i32>} : memref<1280x64xi32, #tpu.memory_space<vmem>>, vector<1280x64xi32>,
    return
  }
  func.func @transform_0(%arg0: i32) -> (i32, i32, i32) {
    %c0_i32 = arith.constant 0 : i32
    %c0_i32_0 = arith.constant 0 : i32
    %c0_i32_1 = arith.constant 0 : i32
    return %c0_i32, %arg0, %c0_i32_0 : i32, i32, i32
  }
  func.func @transform_1(%arg0: i32) -> (i32, i32) {
    %c0_i32 = arith.constant 0 : i32
    %c0_i32_0 = arith.constant 0 : i32
    return %arg0, %c0_i32 : i32, i32
  }
  func.func @transform_2(%arg0: i32) -> (i32, i32) {
    %c0_i32 = arith.constant 0 : i32
    %c0_i32_0 = arith.constant 0 : i32
    return %arg0, %c0_i32 : i32, i32
  }
  func.func @transform_3(%arg0: i32) -> (i32, i32) {
    %c0_i32 = arith.constant 0 : i32
    %c0_i32_0 = arith.constant 0 : i32
    %c0_i32_1 = arith.constant 0 : i32
    return %c0_i32, %c0_i32_0 : i32, i32
  }
  func.func @transform_4(%arg0: i32) -> (i32, i32) {
    %c0_i32 = arith.constant 0 : i32
    %c0_i32_0 = arith.constant 0 : i32
    %c0_i32_1 = arith.constant 0 : i32
    return %c0_i32, %c0_i32_0 : i32, i32
  }
  func.func @transform_5(%arg0: i32) -> (i32, i32) {
    %c0_i32 = arith.constant 0 : i32
    %c0_i32_0 = arith.constant 0 : i32
    return %arg0, %c0_i32 : i32, i32
  }
  func.func @transform_6(%arg0: i32) -> (i32, i32) {
    %c0_i32 = arith.constant 0 : i32
    %c0_i32_0 = arith.constant 0 : i32
    return %arg0, %c0_i32 : i32, i32
  }
}

module attributes {stable_mosaic.version = 14 : i64} {
  func.func @_layer_out_body(%arg0: i32, %arg1: memref<2x1280x128xf32, #tpu.memory_space<vmem>>, %arg2: memref<1280x128xf32, #tpu.memory_space<vmem>>, %arg3: memref<1280x1xf32, #tpu.memory_space<vmem>>, %arg4: memref<1x128xf32, #tpu.memory_space<vmem>>, %arg5: memref<1280x128xf32, #tpu.memory_space<vmem>>) attributes {dimension_semantics = [#tpu.dimension_semantics<arbitrary>], iteration_bounds = array<i64: 8>, scalar_prefetch = 0 : i64, scratch_operands = 0 : i64, tpu.core_type = #tpu.core_type<tc>, window_params = [{transform_indices = @transform_0, window_bounds = array<i64: 2, 1280, 128>}, {transform_indices = @transform_1, window_bounds = array<i64: 1280, 128>}, {transform_indices = @transform_2, window_bounds = array<i64: 1280, 1>}, {pipeline_mode = #tpu.pipeline_mode<synchronous>, transform_indices = @transform_3, window_bounds = array<i64: 1, 128>}, {transform_indices = @transform_4, window_bounds = array<i64: 1280, 128>}]} {
    %get3A = arith.constant 0 : index
    %get3A_0 = arith.constant 0 : index
    %get3A_1 = vector.load %arg3[%get3A, %get3A_0] : memref<1280x1xf32, #tpu.memory_space<vmem>>, vector<1280x1xf32>
    %get3A_2 = arith.constant 0 : index
    %get3A_3 = arith.constant 0 : index
    %get3A_4 = arith.constant 0 : index
    %get3A_5 = vector.load %arg1[%get3A_2, %get3A_3, %get3A_4] : memref<2x1280x128xf32, #tpu.memory_space<vmem>>, vector<1x1280x128xf32>
    %get3A_6 = vector.shape_cast %get3A_5 : vector<1x1280x128xf32> to vector<1280x128xf32>
    %get3A_7 = arith.constant 1 : index
    %get3A_8 = arith.constant 0 : index
    %get3A_9 = arith.constant 0 : index
    %get3A_10 = vector.load %arg1[%get3A_7, %get3A_8, %get3A_9] : memref<2x1280x128xf32, #tpu.memory_space<vmem>>, vector<1x1280x128xf32>
    %get3A_11 = vector.shape_cast %get3A_10 : vector<1x1280x128xf32> to vector<1280x128xf32>
    %add3A = arith.addf %get3A_6, %get3A_11 : vector<1280x128xf32>
    %get3A_12 = arith.constant 0 : index
    %get3A_13 = arith.constant 0 : index
    %get3A_14 = vector.load %arg2[%get3A_12, %get3A_13] : memref<1280x128xf32, #tpu.memory_space<vmem>>, vector<1280x128xf32>
    %add3A_15 = arith.addf %add3A, %get3A_14 : vector<1280x128xf32>
    %mul3A = vector.broadcast %get3A_1 : vector<1280x1xf32> to vector<1280x128xf32>
    %mul3A_16 = arith.mulf %mul3A, %add3A_15 : vector<1280x128xf32>
    %get3A_17 = arith.constant 0 : index
    %get3A_18 = arith.constant 0 : index
    %get3A_19 = vector.load %arg4[%get3A_17, %get3A_18] : memref<1x128xf32, #tpu.memory_space<vmem>>, vector<1x128xf32>
    %add3A_20 = vector.broadcast %get3A_19 : vector<1x128xf32> to vector<1280x128xf32>
    %add3A_21 = arith.addf %mul3A_16, %add3A_20 : vector<1280x128xf32>
    %gt3A = arith.constant 0.000000e+00 : f32
    %gt3A_22 = vector.broadcast %gt3A : f32 to vector<1280x128xf32>
    %gt3A_23 = arith.cmpf ogt, %add3A_21, %gt3A_22 : vector<1280x128xf32>
    %min3A = arith.constant 0.000000e+00 : f32
    %min3A_24 = vector.broadcast %min3A : f32 to vector<1280x128xf32>
    %min3A_25 = arith.minimumf %add3A_21, %min3A_24 : vector<1280x128xf32>
    %exp3A = math.exp %min3A_25 : vector<1280x128xf32>
    %sub3A = arith.constant 1.000000e+00 : f32
    %sub3A_26 = vector.broadcast %sub3A : f32 to vector<1280x128xf32>
    %sub3A_27 = arith.subf %exp3A, %sub3A_26 : vector<1280x128xf32>
    %select_n3A = arith.select %gt3A_23, %add3A_21, %sub3A_27 : vector<1280x128xi1>, vector<1280x128xf32>
    %swap3A = arith.constant 0 : index
    %swap3A_28 = arith.constant 0 : index
    %swap3A_29 = vector.load %arg5[%swap3A, %swap3A_28] : memref<1280x128xf32, #tpu.memory_space<vmem>>, vector<1280x128xf32>
    tpu.vector_store %arg5[%swap3A, %swap3A_28], %select_n3A {strides = array<i32>} : memref<1280x128xf32, #tpu.memory_space<vmem>>, vector<1280x128xf32>,
    return
  }
  func.func @transform_0(%arg0: i32) -> (i32, i32, i32) {
    %c0_i32 = arith.constant 0 : i32
    %c0_i32_0 = arith.constant 0 : i32
    %c0_i32_1 = arith.constant 0 : i32
    return %c0_i32, %arg0, %c0_i32_0 : i32, i32, i32
  }
  func.func @transform_1(%arg0: i32) -> (i32, i32) {
    %c0_i32 = arith.constant 0 : i32
    %c0_i32_0 = arith.constant 0 : i32
    return %arg0, %c0_i32 : i32, i32
  }
  func.func @transform_2(%arg0: i32) -> (i32, i32) {
    %c0_i32 = arith.constant 0 : i32
    %c0_i32_0 = arith.constant 0 : i32
    return %arg0, %c0_i32 : i32, i32
  }
  func.func @transform_3(%arg0: i32) -> (i32, i32) {
    %c0_i32 = arith.constant 0 : i32
    %c0_i32_0 = arith.constant 0 : i32
    %c0_i32_1 = arith.constant 0 : i32
    return %c0_i32, %c0_i32_0 : i32, i32
  }
  func.func @transform_4(%arg0: i32) -> (i32, i32) {
    %c0_i32 = arith.constant 0 : i32
    %c0_i32_0 = arith.constant 0 : i32
    return %arg0, %c0_i32 : i32, i32
  }
}

</mosaic_0001>

<sc_bundles>
// kernel: kernel.11.cloned.1.call-start
scs
__scs_entry_jumppad:
0x0: {  	(pc) =	sbr.rel $0x88, $3  }
0x1: {  	(tag) =	ssettag $0x0;
	lr =	simm.s32 $0x1  }
0x2: {  	[smem:$0x3F9B] =	sst lr;
	_ =	strace $0xD0000000  }
0x3: {  	_ = 	snop  }
0x4: {  	_ = 	snop  }
0x5: {  	_ = 	snop  }
0x6: {  	_ = 	snop  }
0x7: {  	_ = 	snop  }
__scs_overlays_trampoline_lowered:
0x8: {  	[smem:$0x3FAA] =	sst s0  }
0x9: {  	[smem:$0x3FAB] =	sst s1  }
0xa: {  	[smem:$0x3FAC] =	sst s2  }
0xb: {  	[smem:$0x3FAD] =	sst s3  }
0xc: {  	[smem:$0x3FAE] =	sst s4  }
0xd: {  	[smem:$0x3FAF] =	sst s5  }
0xe: {  	[smem:$0x3FB0] =	sst s6  }
0xf: {  	[smem:$0x3FB1] =	sst s7  }
0x10: {  	[smem:$0x3FB2] =	sst s8  }
0x11: {  	[smem:$0x3FB3] =	sst s9;
	s0 =	simm.s32 @!p0 $0x0  }
0x12: {  	s1 =	sld [smem:$0x3F99];
	s0 =	simm.s32 @p0 $0x1  }
0x13: {  	[smem:$0x3FB4] =	sst s0;
	s0 =	simm.s32 @!p1 $0x0  }
0x14: {  	s2 =	sld [smem:$0x3F98];
	s0 =	simm.s32 @p1 $0x1  }
0x15: {  	[smem:$0x3FB5] =	sst s0;
	s0 =	simm.s32 @!p2 $0x0  }
0x16: {  	s3 =	sld [smem:$0x3FDB];
	s0 =	simm.s32 @p2 $0x1  }
0x17: {  	s4 =	simm.s32 $0x1BF5;
	[smem:$0x3FB7] =	sst s0  }
0x18: {  	s0 =	sld [smem:$0x3F9A];
	_ =	swait.ge [sflag:s4], $0x0  }
0x19: {  	s7 =	sld [smem:$0x3F9B]  }
0x1a: {  	s8 =	sadd.s32 $0xFFFFE003, lr  }
0x1b: {  	s9 =	sadd.s32 $0xFFFFFEF7, lr;
	s5 =	simm.s32 $0xFFFFFFFF;
	p2 =	slt.u32 s8, $0xFFFFF086  }
0x1c: {  	p1 =	slt.u32 s9, $0xF7A;
	s5 =	simm.s32 @!p2 $0x0  }
0x1d: {  	s5 =	simm.s32 @p1 $0x1;
	p0 =	seq.s32 s7, s2  }
0x1e: {  	s7 =	smul.u32 @!p0 $0xF7A, s2;
	p2 =	seq.s32 @!p0 s5, $0x0  }
0x1f: {  	s9 =	smul.u32 $0xF7A, s1;
	s8 =	simm.s32 @!p0 $0x1BF5;
	p2 =	por !p2, p0  }
0x20: {  	[sflag:s8] =	ssyncset.s32 @!p0 $0xFFFFF086;
	s6 =	sadd.s32 @!p0 s3, s7;
	s7 =	simm.s32 @!p0 $0x108  }
0x21: {  	s3 =	sadd.s32 s3, s9;
	s6 =	sadd.s32 @!p0 $0x88, s6;
	s7 =	simm.s32 @p2 $0x1082  }
0x22: {  	[simem:s7], [sflag:s8] =	dma.local @!p0 [hbm:s6], $0xF7A  }
0x23: {  	s9 =	sor.u32 $0xD0000000, s2;
	s6 =	simm.s32 $0x108;
	_ =	swait.ge @!p0 [sflag:s8], $0x0  }
0x24: {  	s3 =	sadd.s32 $0x88, s3;
	s6 =	simm.s32 @!p1 $0x1082;
	[sflag:s4] =	ssyncset.s32 $0xFFFFF086  }
0x25: {  	[simem:s6], [sflag:s4] =	dma.local [hbm:s3], $0xF7A  }
0x26: {  	[smem:$0x3F9B] =	sst s1;
	(tag) =	ssettag s2;
	_ =	strace s9  }
0x27: {  	s1 =	sld [smem:$0x3FAB]  }
0x28: {  	s2 =	sld [smem:$0x3FAC]  }
0x29: {  	s4 =	sld [smem:$0x3FAE]  }
0x2a: {  	p0 =	seq.s32 s5, $0x0;
	s5 =	sld [smem:$0x3FAF]  }
0x2b: {  	s6 =	sld [smem:$0x3FB0]  }
0x2c: {  	s7 =	sld [smem:$0x3FB1]  }
0x2d: {  	s3 =	simm.s32 $0x108;
	s8 =	sld [smem:$0x3FB2]  }
0x2e: {  	s3 =	simm.s32 @!p0 $0x1082;
	s9 =	sld [smem:$0x3FB3]  }
0x2f: {  	lr =	sadd.s32 s0, s3;
	s0 =	sld [smem:$0x3FAA]  }
0x30: {  	s3 =	sld [smem:$0x3FAD]  }
0x31: {  	[smem:$0x3FB6] =	sst s10  }
0x32: {  	s10 =	sld [smem:$0x3FB4];
	_ =	sdelay $0x3  }
0x33: {  	p0 =	seq.s32 s10, $0x1;
	s10 =	sld [smem:$0x3FB6];
	_ =	sdelay $0x3  }
0x34: {  	[smem:$0x3FB6] =	sst s10  }
0x35: {  	s10 =	sld [smem:$0x3FB5];
	_ =	sdelay $0x3  }
0x36: {  	p1 =	seq.s32 s10, $0x1;
	s10 =	sld [smem:$0x3FB6];
	_ =	sdelay $0x3  }
0x37: {  	[smem:$0x3FB6] =	sst s10  }
0x38: {  	s10 =	sld [smem:$0x3FB7]  }
0x39: {  	_ = 	snop;
	(pc) =	sbr.ind lr, $3  }
0x3a: {  	_ = 	snop  }
0x3b: {  	_ = 	snop  }
0x3c: {  	p2 =	seq.s32 s10, $0x1;
	s10 =	sld [smem:$0x3FB6]  }
0x3d: {  	_ =	shalt  }
0x3e: {  	_ =	shalt  }
0x3f: {  	_ =	shalt  }
0x40: {  	_ =	shalt  }
0x41: {  	_ =	shalt  }
0x42: {  	_ =	shalt  }
0x43: {  	_ =	shalt  }
0x44: {  	_ =	shalt  }
0x45: {  	_ =	shalt  }
0x46: {  	_ =	shalt  }
0x47: {  	_ =	shalt  }
0x48: {  	_ =	shalt  }
0x49: {  	_ =	shalt  }
0x4a: {  	_ =	shalt  }
0x4b: {  	_ =	shalt  }
0x4c: {  	_ =	shalt  }
0x4d: {  	_ =	shalt  }
0x4e: {  	_ =	shalt  }
0x4f: {  	_ =	shalt  }
0x50: {  	_ =	shalt  }
0x51: {  	_ =	shalt  }
0x52: {  	_ =	shalt  }
0x53: {  	_ =	shalt  }
0x54: {  	_ =	shalt  }
0x55: {  	_ =	shalt  }
0x56: {  	_ =	shalt  }
0x57: {  	_ =	shalt  }
0x58: {  	_ =	shalt  }
0x59: {  	_ =	shalt  }
0x5a: {  	_ =	shalt  }
0x5b: {  	_ =	shalt  }
0x5c: {  	_ =	shalt  }
0x5d: {  	_ =	shalt  }
0x5e: {  	_ =	shalt  }
0x5f: {  	_ =	shalt  }
0x60: {  	_ =	shalt  }
0x61: {  	_ =	shalt  }
0x62: {  	_ =	shalt  }
0x63: {  	_ =	shalt  }
0x64: {  	_ =	shalt  }
0x65: {  	_ =	shalt  }
0x66: {  	_ =	shalt  }
0x67: {  	_ =	shalt  }
0x68: {  	_ =	shalt  }
0x69: {  	_ =	shalt  }
0x6a: {  	_ =	shalt  }
0x6b: {  	_ =	shalt  }
0x6c: {  	_ =	shalt  }
0x6d: {  	_ =	shalt  }
0x6e: {  	_ =	shalt  }
0x6f: {  	_ =	shalt  }
0x70: {  	_ =	shalt  }
0x71: {  	_ =	shalt  }
0x72: {  	_ =	shalt  }
0x73: {  	_ =	shalt  }
0x74: {  	_ =	shalt  }
0x75: {  	_ =	shalt  }
0x76: {  	_ =	shalt  }
0x77: {  	_ =	shalt  }
0x78: {  	_ =	shalt  }
0x79: {  	_ =	shalt  }
0x7a: {  	_ =	shalt  }
0x7b: {  	_ =	shalt  }
0x7c: {  	_ =	shalt  }
0x7d: {  	_ =	shalt  }
0x7e: {  	_ =	shalt  }
0x7f: {  	_ =	shalt  }
0x80: {  	_ =	shalt  }
0x81: {  	_ =	shalt  }
0x82: {  	_ =	shalt  }
0x83: {  	_ =	shalt  }
0x84: {  	_ =	shalt  }
0x85: {  	_ =	shalt  }
0x86: {  	_ =	shalt  }
0x87: {  	_ =	shalt  }
.Lfunc_end0:
.L_simem_size_0:
called_computation.1_lowered:
.L_overlay_start_0:
0x88: {  	s2 =	sld [smem:$0x3FD9]  }
0x89: {  	s3 =	sld [smem:$0x3FFE];
	_ =	sdelay $0x1  }
0x8a: {  	s1 =	srdreg.scid  }
0x8b: {  	s0 =	sand.u32 $0x1, s1  }
0x8c: {  	s17 =	sshll.u32 s0, $0xA;
	s2 =	sadd.s32 s3, s2  }
0x8d: {  	s2 =	sadd.s32 s2, s17  }
0x8e: {  	[smem:$0x3FC2] =	sst s2  }
0x8f: {  	_ = 	snop  }
0x90: {  	s2 =	sld [smem:$0x3FD0];
	(tm) =	ssettm $0x1  }
0x91: {  	s18 =	sld [smem:$0x3FFB];
	_ =	sdelay $0x3  }
0x92: {  	_ =	strace s18  }
0x93: {  	s3 =	sld [smem:$0x3FFC];
	_ =	sdelay $0x3  }
0x94: {  	_ =	strace s3  }
0x95: {  	s3 =	sld [smem:$0x3FFD];
	_ =	sdelay $0x3  }
0x96: {  	_ =	strace s3  }
0x97: {  	_ =	strace $0x8FFFFFFF  }
0x98: {  	s19 =	sld [smem:$0x3FDB];
	_ =	sdelay $0x1  }
0x99: {  	s4 =	simm.s32 $_scs_section_size  }
0x9a: {  	s5 =	simm.s32 $_size__tile_overlayer_lowered;
	s6 =	simm.s32 $_tile_overlayer_lowered  }
0x9b: {  	s22 =	simm.s32 $0x1BFF;
	s21 =	sshll.u32 s6, $0x1;
	s3 =	sadd.s32 s4, s19  }
0x9c: {  	s7 =	simm.s32 $0x0;
	s20 =	sshll.u32 s5, $0x1;
	s5 =	sadd.s32 s21, s3  }
0x9d: {  	[timem:s7], [sflag:s22] =	dma.local [hbm:s5], s20  }
0x9e: {  	_ =	swait.ge [sflag:s22], s20  }
0x9f: {  	s4 =	ssub.s32 $0x0, s20;
	[sflag:s22] =	ssyncset.done $0x0  }
0xa0: {  	[sflag:s22] =	ssyncadd.s32 s4;
	_ =	sdelay $0x1  }
0xa1: {  	s23 =	simm.s32 $0x1B8B  }
0xa2: {  	_ =	swait.ge [sflag:s23], $0x1  }
0xa3: {  	[sflag:s23] =	ssyncset.done $0x0  }
0xa4: {  	s25 =	simm.s32 $0x1B8E;
	s24 =	sld [smem:$0x3FFE];
	[sflag:s23] =	ssyncadd.s32 $0xFFFFFFFF  }
0xa5: {  	s26 =	simm.s32 $execute0_lowered;
	[smem:$0x3FD2] =	sst s25  }
0xa6: {  	s5 =	sshll.u32 s26, $0x1;
	_ =	strace $0x80000049;
	[dreg:$0x1] =	wrdreg $0xFFFFFFFF  }
0xa7: {  	s28 =	simm.s32 $_size_execute0_lowered;
	s3 =	sadd.s32 s3, s5;
	[dreg:$0x0] =	wrdreg $0x0  }
0xa8: {  	s5 =	sshll.u32 s28, $0x1;
	[dreg:$0x2] =	wrdreg s3  }
0xa9: {  	[dreg:$0x3] =	wrdreg s5  }
0xaa: {  	[dreg:$0x4] =	wrdreg $0xC0  }
0xab: {  	_ =	task [dreg:s7], $0x5FFFF  }
0xac: {  	[dreg:$0x1] =	wrdreg $0xFFFFFFFF  }
0xad: {  	[dreg:$0x0] =	wrdreg $0x60  }
0xae: {  	[dreg:$0x2] =	wrdreg s24  }
0xaf: {  	[dreg:$0x3] =	wrdreg s2  }
0xb0: {  	[dreg:$0x4] =	wrdreg $0xA8000  }
0xb1: {  	[dreg:$0x5] =	wrdreg $0x9  }
0xb2: {  	_ =	task.clear_ibuf [dreg:s7], $0x6FFFF;
	_ =	strace $0x90000049  }
0xb3: {  	s29 =	simm.s32 $0x9;
	_ =	strace $0x8000004B  }
0xb4: {  	_ =	swait.ge [sflag:s29], $0x1  }
0xb5: {  	[sflag:s29] =	ssyncadd.s32 $0xFFFFFFFF  }
0xb6: {  	_ =	strace $0x9000004B  }
0xb7: {  	_ =	sfence  }
0xb8: {  	s30 =	sld [smem:$0x0];
	_ =	sdelay $0x2  }
0xb9: {  	s31 =	sshll.u32 s1, $0xD;
	s1 =	sshrl.u32 s1, $0x2  }
0xba: {  	s3 =	sand.u32 $0x4000, s31;
	s1 =	sadd.s32 s1, s30  }
0xbb: {  	s0 =	sor.u32 s3, s0;
	s1 =	sshll.u32 s1, $0x11  }
0xbc: {  	s0 =	sor.u32 s1, s0  }
0xbd: {  	s0 =	sadd.s32 $0x8F2B, s0  }
0xbe: {  	[sflag:s0] =	ssyncadd.remote.s32 $0x1  }
0xbf: {  	_ =	sfence.sel $0xFFFF  }
0xc0: {  	[dreg:$0x0] =	wrdreg $0xFFFFFFFF;
	(pc) =	sbr.abs _section_cstart, $3  }
0xc1: {  	[dreg:$0x1] =	wrdreg $0xFFFFFFFF  }
0xc2: {  	_ =	task.clear_ibuf [dreg:s7], $0x2FFFF;
	_ =	strace $0x9FFFFFFF  }
0xc3: {  	(tm) =	ssettm $0x7FFFFFFF  }
tec
execute0_lowered:
.L_overlay_start_1:
0x0: {  	(tag) =	ssettag $0x1  }
0x1: {  	s1 =	rddreg [dreg:$0x0]  }
0x2: {  	s2 =	rddreg [dreg:$0x1];
	s4 =	srdreg.scid  }
0x3: {  	s0 =	stileid.u32;
	s3 =	rddreg [dreg:$0x2];
	s16 =	simm.s32 $0x6800  }
0x4: {  	s17 =	simm.s32 $0x4;
	s18 =	simm.s32 $0x1400;
	s19 =	simm.s32 $0x80  }
0x5: {  	s20 =	simm.s32 $0x2800;
	s21 =	simm.s32 $0x4800;
	s22 =	simm.s32 $0x1  }
0x6: {  	s23 =	simm.s32 $0x2;
	s24 =	simm.s32 $0x3;
	s25 =	simm.s32 $0x0  }
0x7: {  	s5 =	sand.u32 $0x1, s4;
	s6 =	smul.u32 $0x14000, s0;
	s4 =	simm.s32 $0x0  }
0x8: {  	s12 =	sadd.s32 $0xB800, s1;
	s8 =	smul.u32 $0x50000, s0;
	s13 =	sadd.s32 $0x1800, s1  }
0x9: {  	s29 =	sshll.u32 s0, $0x1;
	s7 =	smul.u32 $0x140000, s5;
	[smem:$0x7FF] =	sst s4  }
0xa: {  	s9 =	ssub.s32 $0x2, s5;
	s5 =	sor.u32 s5, s29;
	_ =	strace $0x8000004A  }
0xb: {  	s30 =	sshrl.u32 s8, $0x2;
	s31 =	sshrl.u32 s9, $0x1;
	s11 =	smul.u32 $0x2800, s5  }
0xc: {  	s5 =	sadd.s32 s6, s3;
	s7 =	sadd.s32 s6, s7;
	s10 =	sadd.s32 s30, s3  }
0xd: {  	s15 =	ssub.s32 s9, s31;
	s7 =	sshrl.u32 s7, $0x3;
	s6 =	sadd.s32 $0x4000, s10  }
0xe: {  	s8 =	sadd.s32 $0xC000, s10;
	s11 =	sshrl.u32 s11, $0x3;
	s9 =	sadd.s32 $0x10000, s10  }
0xf: {  	s15 =	smax.u32 s15, $0x1;
	s1 =	sadd.s32 s7, s1;
	s7 =	sadd.s32 $0x8000, s10  }
0x10: {  	s10 =	sadd.s32 s12, s11;
	s14 =	sadd.s32 $0x280, s11;
	s11 =	sadd.s32 s13, s11  }
0x11: {  	v0 =	vimm.f32 $0.0e+00;
	s12 =	sadd.s32 s12, s14;
	s13 =	sadd.s32 s13, s14;
	s14 =	sadd.s32 $0x15800, s1  }
.LBB2_1:
0x12: {  	s1 =	sand.u32 $0xFE00, s4  }
0x13: {  	s26 =	sand.u32 $0x70, s4;
	s28 =	sshrl.u32 s1, $0x2  }
0x14: {  	s1 =	simm.s32 $0x40;
	s28 =	sor.u32 s26, s28;
	s26 =	simm.s32 $0x0  }
.LBB2_2:
0x15: {  	p0 =	sne.s32 s1, $0xFFC0  }
0x16: {  	[tilespmem:s28+$0x6800] =	vst v0;
	s26 =	sadd.s32 $0x10, s26;
	s28 =	smov.u32 s1;
	s1 =	sadd.s32 $0x40, s1  }
.Ltmp0:
0x17: {  	(pc) =	sbr.rel @p0 .LBB2_2-.Ltmp0, $4  }
0x18: {  	_ = 	snop  }
0x19: {  	s28 =	sand.u32 $0xFE00, s28  }
0x1a: {  	s29 =	sand.u32 $0x70, s26;
	s28 =	sshrl.u32 s28, $0x2  }
0x1b: {  	s28 =	sor.u32 s29, s28  }
0x1c: {  	[tilespmem:s28+$0x6800] =	vst v0  }
0x1d: {  	[spmem:s5] =	stream.linear.scatter [tilespmem:s16], [sflag:$0x4], $0x4000, $0x38;
	[tilespmem:$0x1E800] =	vst v63  }
0x1e: {  	_ =	swait.ge [sflag:s17], $0x4000  }
0x1f: {  	[sflag:s17] =	ssyncset.done $0x0  }
0x20: {  	[sflag:s17] =	ssyncadd.s32 $0xFFFFC000  }
0x21: {  	[spmem:s6] =	stream.linear.scatter [tilespmem:s16], [sflag:$0x4], $0x4000, $0x38;
	[tilespmem:$0x1E800] =	vst v63  }
0x22: {  	_ =	swait.ge [sflag:s17], $0x4000  }
0x23: {  	[sflag:s17] =	ssyncset.done $0x0  }
0x24: {  	[sflag:s17] =	ssyncadd.s32 $0xFFFFC000  }
0x25: {  	[spmem:s7] =	stream.linear.scatter [tilespmem:s16], [sflag:$0x4], $0x4000, $0x38;
	[tilespmem:$0x1E800] =	vst v63  }
0x26: {  	_ =	swait.ge [sflag:s17], $0x4000  }
0x27: {  	[sflag:s17] =	ssyncset.done $0x0  }
0x28: {  	[sflag:s17] =	ssyncadd.s32 $0xFFFFC000  }
0x29: {  	[spmem:s8] =	stream.linear.scatter [tilespmem:s16], [sflag:$0x4], $0x4000, $0x38;
	[tilespmem:$0x1E800] =	vst v63  }
0x2a: {  	_ =	swait.ge [sflag:s17], $0x4000  }
0x2b: {  	[sflag:s17] =	ssyncset.done $0x0  }
0x2c: {  	[sflag:s17] =	ssyncadd.s32 $0xFFFFC000  }
0x2d: {  	[spmem:s9] =	stream.linear.scatter [tilespmem:s16], [sflag:$0x4], $0x4000, $0x38;
	[tilespmem:$0x1E800] =	vst v63  }
0x2e: {  	_ =	swait.ge [sflag:s17], $0x4000  }
0x2f: {  	[sflag:s17] =	ssyncset.done $0x0  }
0x30: {  	[sflag:s17] =	ssyncadd.s32 $0xFFFFC000  }
0x31: {  	s26 =	simm.s32 $0x0;
	[bflag:$0x0] =	sbarrier.arrive $0xFFFF  }
0x32: {  	[tilespmem:s26], [sflag:$0x4] =	stream.linear.gather [hbm4b:s10+s26], $0x1400, $0x38;
	[tilespmem:$0x1E800] =	vst v63  }
0x33: {  	_ =	swait.ge [sflag:s17], $0x1400  }
0x34: {  	[sflag:s17] =	ssyncset.done $0x0  }
0x35: {  	[sflag:s17] =	ssyncadd.s32 $0xFFFFEC00  }
0x36: {  	[tilespmem:s18], [sflag:$0x4] =	stream.linear.gather [hbm4b:s11+s26], $0x1400, $0x38;
	[tilespmem:$0x1E800] =	vst v63  }
0x37: {  	_ =	swait.ge [sflag:s17], $0x1400  }
0x38: {  	[sflag:s17] =	ssyncset.done $0x0  }
0x39: {  	[sflag:s17] =	ssyncadd.s32 $0xFFFFEC00  }
0x3a: {  	[tilespmem:s20], [sflag:$0x1] =	stream.indirect.gather [hbm4b:s2+s19], $0x40, s26, s19, $0xb8;
	[tilespmem:$0x1E800] =	vst v63  }
.LBB2_4:
0x3b: {  	s1 =	sshll.u32 s26, $0x8  }
0x3c: {  	s28 =	sor.u32 $0x80, s1  }
0x3d: {  	[tilespmem:s21], [sflag:$0x2] =	stream.indirect.gather [hbm4b:s2+s19], $0x40, s28, s19, $0xb8;
	[tilespmem:$0x1E800] =	vst v63  }
0x3e: {  	_ =	swait.ge [sflag:s22], $0x2000  }
0x3f: {  	p0 =	seq.s32 s26, $0x0;
	[sflag:s22] =	ssyncset.done $0x0  }
0x40: {  	s1 =	simm.s32 @!p0 $0x3;
	[sflag:s22] =	ssyncadd.s32 $0xFFFFE000  }
0x41: {  	_ =	swait.ge @!p0 [sflag:s1], $0x4000  }
0x42: {  	[sflag:s1] =	ssyncset.done @!p0 $0x0  }
0x43: {  	[sflag:s1] =	ssyncadd.s32 @!p0 $0xFFFFC000;
	s1 =	simm.s32 $0x0  }
0x44: {  	v1 =	vld [tilespmem:s1+$0x2800];
	_ =	sdelay $0x4  }
0x45: {  	s30 =	simm.s32 $0x6840;
	v2 =	vshll.u32 v1, $0x10  }
0x46: {  	v1 =	vand.u32 $0xFFFF0000, v1;
	[tilespmem:s30+$0xFFFFFFC0] =	vst v2  }
0x47: {  	[tilespmem:s30+$0xFFFFFFD0] =	vst v1  }
0x48: {  	v1 =	vld [tilespmem:s1+$0x2810];
	_ =	sdelay $0x4  }
0x49: {  	v2 =	vshll.u32 v1, $0x10  }
0x4a: {  	v1 =	vand.u32 $0xFFFF0000, v1;
	[tilespmem:s30+$0xFFFFFFE0] =	vst v2  }
0x4b: {  	[tilespmem:s30+$0xFFFFFFF0] =	vst v1  }
0x4c: {  	v1 =	vld [tilespmem:s1+$0x2820];
	_ =	sdelay $0x4  }
0x4d: {  	v2 =	vand.u32 $0xFFFF0000, v1  }
0x4e: {  	v1 =	vshll.u32 v1, $0x10;
	[tilespmem:s30+$0x10] =	vst v2  }
0x4f: {  	[tilespmem:s30+$0x0] =	vst v1  }
0x50: {  	v1 =	vld [tilespmem:s1+$0x2830];
	_ =	sdelay $0x4  }
0x51: {  	v2 =	vshll.u32 v1, $0x10  }
0x52: {  	v1 =	vand.u32 $0xFFFF0000, v1;
	[tilespmem:s30+$0x20] =	vst v2  }
0x53: {  	s31 =	simm.s32 $0x40;
	[tilespmem:s30+$0x30] =	vst v1  }
0x54: {  	v1 =	vld [tilespmem:s31+$0x2800]  }
0x55: {  	s29 =	sshll.u32 s26, $0xA;
	s1 =	simm.s32 $0x200  }
.LBB2_5:
0x56: {  	p0 =	sne.s32 s1, $0x7F00;
	_ =	sdelay $0x2  }
0x57: {  	s30 =	sadd.s32 $0x80, s30;
	v2 =	vshll.u32 v1, $0x10  }
0x58: {  	v1 =	vand.u32 $0xFFFF0000, v1;
	[tilespmem:s30+$0xFFFFFFC0] =	vst v2  }
0x59: {  	[tilespmem:s30+$0xFFFFFFD0] =	vst v1  }
0x5a: {  	v1 =	vld [tilespmem:s31+$0x2810];
	_ =	sdelay $0x4  }
0x5b: {  	v2 =	vshll.u32 v1, $0x10  }
0x5c: {  	v1 =	vand.u32 $0xFFFF0000, v1;
	[tilespmem:s30+$0xFFFFFFE0] =	vst v2  }
0x5d: {  	[tilespmem:s30+$0xFFFFFFF0] =	vst v1  }
0x5e: {  	v1 =	vld [tilespmem:s31+$0x2820];
	_ =	sdelay $0x4  }
0x5f: {  	v2 =	vshll.u32 v1, $0x10;
	v1 =	vand.u32 $0xFFFF0000, v1  }
0x60: {  	[tilespmem:s30+$0x10] =	vst v1  }
0x61: {  	[tilespmem:s30+$0x0] =	vst v2  }
0x62: {  	v1 =	vld [tilespmem:s31+$0x2830];
	_ =	sdelay $0x4  }
.Ltmp1:
0x63: {  	v2 =	vshll.u32 v1, $0x10;
	v1 =	vand.u32 $0xFFFF0000, v1;
	(pc) =	sbr.rel @p0 .LBB2_5-.Ltmp1, $4  }
0x64: {  	[tilespmem:s30+$0x20] =	vst v2  }
0x65: {  	s31 =	sshra.s32 s1, $0x2;
	[tilespmem:s30+$0x30] =	vst v1  }
0x66: {  	v1 =	vld [tilespmem:s31+$0x2800]  }
0x67: {  	s1 =	sadd.s32 $0x100, s1  }
0x68: {  	_ =	sdelay $0x2  }
0x69: {  	s1 =	sadd.s32 $0x80, s30;
	v2 =	vshll.u32 v1, $0x10  }
0x6a: {  	v1 =	vand.u32 $0xFFFF0000, v1;
	[tilespmem:s1+$0xFFFFFFC0] =	vst v2  }
0x6b: {  	[tilespmem:s1+$0xFFFFFFD0] =	vst v1  }
0x6c: {  	v1 =	vld [tilespmem:s31+$0x2810];
	_ =	sdelay $0x4  }
0x6d: {  	v2 =	vshll.u32 v1, $0x10  }
0x6e: {  	v1 =	vand.u32 $0xFFFF0000, v1;
	[tilespmem:s1+$0xFFFFFFE0] =	vst v2  }
0x6f: {  	[tilespmem:s1+$0xFFFFFFF0] =	vst v1  }
0x70: {  	v1 =	vld [tilespmem:s31+$0x2820];
	_ =	sdelay $0x4  }
0x71: {  	v2 =	vand.u32 $0xFFFF0000, v1  }
0x72: {  	v1 =	vshll.u32 v1, $0x10;
	[tilespmem:s1+$0x10] =	vst v2  }
0x73: {  	[tilespmem:s1+$0x0] =	vst v1  }
0x74: {  	v1 =	vld [tilespmem:s31+$0x2830];
	_ =	sdelay $0x4  }
0x75: {  	v2 =	vshll.u32 v1, $0x10  }
0x76: {  	s30 =	sshrl.u32 s29, $0x2;
	p0 =	seq.s32 s26, $0x13;
	v1 =	vand.u32 $0xFFFF0000, v1;
	[tilespmem:s1+$0x20] =	vst v2  }
0x77: {  	s31 =	sadd.s32 $0x1400, s30;
	[tilespmem:s1+$0x30] =	vst v1;
	s1 =	sshrl.u32 @!p0 s29, $0x2  }
0x78: {  	[spmem:s3] =	stream.indirect.scatter.add.f32 [tilespmem:s16], [sflag:$0x3], $0x80, s31, s19, $0xb8;
	[tilespmem:$0x1E800] =	vst v63  }
0x79: {  	s30 =	simm.s32 @!p0 $0x2800;
	s29 =	simm.s32 @!p0 $0x80;
	s1 =	sadd.s32 @!p0 $0x100, s1  }
0x7a: {  	[tilespmem:s30], [sflag:$0x1] =	stream.indirect.gather @!p0 [hbm4b:s2+s29], $0x40, s1, s29, $0xb8;
	[tilespmem:$0x1E800] =	vst v63  }
0x7b: {  	_ =	swait.ge [sflag:s23], $0x2000  }
0x7c: {  	[sflag:s23] =	ssyncset.done $0x0  }
0x7d: {  	[sflag:s23] =	ssyncadd.s32 $0xFFFFE000  }
0x7e: {  	_ =	swait.ge [sflag:s24], $0x4000  }
0x7f: {  	[sflag:s24] =	ssyncset.done $0x0  }
0x80: {  	s31 =	simm.s32 $0x0;
	[sflag:s24] =	ssyncadd.s32 $0xFFFFC000  }
0x81: {  	v1 =	vld [tilespmem:s31+$0x4800];
	_ =	sdelay $0x4  }
0x82: {  	s29 =	simm.s32 $0x6840;
	v2 =	vshll.u32 v1, $0x10  }
0x83: {  	v1 =	vand.u32 $0xFFFF0000, v1;
	[tilespmem:s29+$0xFFFFFFC0] =	vst v2  }
0x84: {  	[tilespmem:s29+$0xFFFFFFD0] =	vst v1  }
0x85: {  	v1 =	vld [tilespmem:s31+$0x4810];
	_ =	sdelay $0x4  }
0x86: {  	v2 =	vshll.u32 v1, $0x10  }
0x87: {  	v1 =	vand.u32 $0xFFFF0000, v1;
	[tilespmem:s29+$0xFFFFFFE0] =	vst v2  }
0x88: {  	[tilespmem:s29+$0xFFFFFFF0] =	vst v1  }
0x89: {  	v1 =	vld [tilespmem:s31+$0x4820];
	_ =	sdelay $0x4  }
0x8a: {  	v2 =	vand.u32 $0xFFFF0000, v1  }
0x8b: {  	v1 =	vshll.u32 v1, $0x10;
	[tilespmem:s29+$0x10] =	vst v2  }
0x8c: {  	[tilespmem:s29+$0x0] =	vst v1  }
0x8d: {  	v1 =	vld [tilespmem:s31+$0x4830];
	_ =	sdelay $0x4  }
0x8e: {  	v2 =	vshll.u32 v1, $0x10  }
0x8f: {  	v1 =	vand.u32 $0xFFFF0000, v1;
	[tilespmem:s29+$0x20] =	vst v2  }
0x90: {  	s30 =	simm.s32 $0x40;
	[tilespmem:s29+$0x30] =	vst v1  }
0x91: {  	v1 =	vld [tilespmem:s30+$0x4800]  }
0x92: {  	s1 =	simm.s32 $0x200  }
.LBB2_7:
0x93: {  	p0 =	sne.s32 s1, $0x7F00;
	_ =	sdelay $0x2  }
0x94: {  	s29 =	sadd.s32 $0x80, s29;
	v2 =	vshll.u32 v1, $0x10  }
0x95: {  	v1 =	vand.u32 $0xFFFF0000, v1;
	[tilespmem:s29+$0xFFFFFFC0] =	vst v2  }
0x96: {  	[tilespmem:s29+$0xFFFFFFD0] =	vst v1  }
0x97: {  	v1 =	vld [tilespmem:s30+$0x4810];
	_ =	sdelay $0x4  }
0x98: {  	v2 =	vshll.u32 v1, $0x10  }
0x99: {  	v1 =	vand.u32 $0xFFFF0000, v1;
	[tilespmem:s29+$0xFFFFFFE0] =	vst v2  }
0x9a: {  	[tilespmem:s29+$0xFFFFFFF0] =	vst v1  }
0x9b: {  	v1 =	vld [tilespmem:s30+$0x4820];
	_ =	sdelay $0x4  }
0x9c: {  	v2 =	vshll.u32 v1, $0x10;
	v1 =	vand.u32 $0xFFFF0000, v1  }
0x9d: {  	[tilespmem:s29+$0x10] =	vst v1  }
0x9e: {  	[tilespmem:s29+$0x0] =	vst v2  }
0x9f: {  	v1 =	vld [tilespmem:s30+$0x4830];
	_ =	sdelay $0x4  }
.Ltmp2:
0xa0: {  	v2 =	vshll.u32 v1, $0x10;
	v1 =	vand.u32 $0xFFFF0000, v1;
	(pc) =	sbr.rel @p0 .LBB2_7-.Ltmp2, $4  }
0xa1: {  	[tilespmem:s29+$0x20] =	vst v2  }
0xa2: {  	s30 =	sshra.s32 s1, $0x2;
	[tilespmem:s29+$0x30] =	vst v1  }
0xa3: {  	v1 =	vld [tilespmem:s30+$0x4800]  }
0xa4: {  	s1 =	sadd.s32 $0x100, s1  }
0xa5: {  	_ =	sdelay $0x2  }
0xa6: {  	s1 =	sadd.s32 $0x80, s29;
	v2 =	vshll.u32 v1, $0x10  }
0xa7: {  	v1 =	vand.u32 $0xFFFF0000, v1;
	[tilespmem:s1+$0xFFFFFFC0] =	vst v2  }
0xa8: {  	[tilespmem:s1+$0xFFFFFFD0] =	vst v1  }
0xa9: {  	v1 =	vld [tilespmem:s30+$0x4810];
	_ =	sdelay $0x4  }
0xaa: {  	v2 =	vshll.u32 v1, $0x10  }
0xab: {  	v1 =	vand.u32 $0xFFFF0000, v1;
	[tilespmem:s1+$0xFFFFFFE0] =	vst v2  }
0xac: {  	[tilespmem:s1+$0xFFFFFFF0] =	vst v1  }
0xad: {  	v1 =	vld [tilespmem:s30+$0x4820];
	_ =	sdelay $0x4  }
0xae: {  	v2 =	vand.u32 $0xFFFF0000, v1  }
0xaf: {  	v1 =	vshll.u32 v1, $0x10;
	[tilespmem:s1+$0x10] =	vst v2  }
0xb0: {  	[tilespmem:s1+$0x0] =	vst v1  }
0xb1: {  	v1 =	vld [tilespmem:s30+$0x4830];
	_ =	sdelay $0x1  }
0xb2: {  	s26 =	sadd.s32 $0x1, s26  }
0xb3: {  	p0 =	sne.s32 s26, $0x14  }
.Ltmp3:
0xb4: {  	_ = 	snop;
	(pc) =	sbr.rel @p0 .LBB2_4-.Ltmp3, $4  }
0xb5: {  	v2 =	vshll.u32 v1, $0x10  }
0xb6: {  	v1 =	vand.u32 $0xFFFF0000, v1;
	[tilespmem:s1+$0x20] =	vst v2  }
0xb7: {  	s31 =	sadd.s32 $0x1400, s28;
	[tilespmem:s1+$0x30] =	vst v1  }
0xb8: {  	[spmem:s3] =	stream.indirect.scatter.add.f32 [tilespmem:s16], [sflag:$0x3], $0x80, s31, s19, $0xb8;
	[tilespmem:$0x1E800] =	vst v63  }
0xb9: {  	_ =	swait.ge [sflag:s24], $0x4000  }
0xba: {  	[sflag:s24] =	ssyncset.done $0x0  }
0xbb: {  	s26 =	simm.s32 $0x0;
	[sflag:s24] =	ssyncadd.s32 $0xFFFFC000  }
0xbc: {  	[tilespmem:s26], [sflag:$0x4] =	stream.linear.gather [hbm4b:s12+s26], $0x1400, $0x38;
	[tilespmem:$0x1E800] =	vst v63  }
0xbd: {  	_ =	swait.ge [sflag:s17], $0x1400  }
0xbe: {  	[sflag:s17] =	ssyncset.done $0x0  }
0xbf: {  	[sflag:s17] =	ssyncadd.s32 $0xFFFFEC00  }
0xc0: {  	[tilespmem:s18], [sflag:$0x4] =	stream.linear.gather [hbm4b:s13+s26], $0x1400, $0x38;
	[tilespmem:$0x1E800] =	vst v63  }
0xc1: {  	_ =	swait.ge [sflag:s17], $0x1400  }
0xc2: {  	[sflag:s17] =	ssyncset.done $0x0  }
0xc3: {  	[sflag:s17] =	ssyncadd.s32 $0xFFFFEC00  }
0xc4: {  	[tilespmem:s20], [sflag:$0x1] =	stream.indirect.gather [hbm4b:s2+s19], $0x40, s26, s19, $0xb8;
	[tilespmem:$0x1E800] =	vst v63  }
.LBB2_10:
0xc5: {  	s1 =	sshll.u32 s26, $0x8  }
0xc6: {  	s28 =	sor.u32 $0x80, s1  }
0xc7: {  	[tilespmem:s21], [sflag:$0x2] =	stream.indirect.gather [hbm4b:s2+s19], $0x40, s28, s19, $0xb8;
	[tilespmem:$0x1E800] =	vst v63  }
0xc8: {  	_ =	swait.ge [sflag:s22], $0x2000  }
0xc9: {  	p0 =	seq.s32 s26, $0x0;
	[sflag:s22] =	ssyncset.done $0x0  }
0xca: {  	s1 =	simm.s32 @!p0 $0x3;
	[sflag:s22] =	ssyncadd.s32 $0xFFFFE000  }
0xcb: {  	_ =	swait.ge @!p0 [sflag:s1], $0x4000  }
0xcc: {  	[sflag:s1] =	ssyncset.done @!p0 $0x0  }
0xcd: {  	[sflag:s1] =	ssyncadd.s32 @!p0 $0xFFFFC000;
	s1 =	simm.s32 $0x0  }
0xce: {  	v1 =	vld [tilespmem:s1+$0x2800];
	_ =	sdelay $0x4  }
0xcf: {  	s30 =	simm.s32 $0x6840;
	v2 =	vshll.u32 v1, $0x10  }
0xd0: {  	v1 =	vand.u32 $0xFFFF0000, v1;
	[tilespmem:s30+$0xFFFFFFC0] =	vst v2  }
0xd1: {  	[tilespmem:s30+$0xFFFFFFD0] =	vst v1  }
0xd2: {  	v1 =	vld [tilespmem:s1+$0x2810];
	_ =	sdelay $0x4  }
0xd3: {  	v2 =	vshll.u32 v1, $0x10  }
0xd4: {  	v1 =	vand.u32 $0xFFFF0000, v1;
	[tilespmem:s30+$0xFFFFFFE0] =	vst v2  }
0xd5: {  	[tilespmem:s30+$0xFFFFFFF0] =	vst v1  }
0xd6: {  	v1 =	vld [tilespmem:s1+$0x2820];
	_ =	sdelay $0x4  }
0xd7: {  	v2 =	vand.u32 $0xFFFF0000, v1  }
0xd8: {  	v1 =	vshll.u32 v1, $0x10;
	[tilespmem:s30+$0x10] =	vst v2  }
0xd9: {  	[tilespmem:s30+$0x0] =	vst v1  }
0xda: {  	v1 =	vld [tilespmem:s1+$0x2830];
	_ =	sdelay $0x4  }
0xdb: {  	v2 =	vshll.u32 v1, $0x10  }
0xdc: {  	v1 =	vand.u32 $0xFFFF0000, v1;
	[tilespmem:s30+$0x20] =	vst v2  }
0xdd: {  	s31 =	simm.s32 $0x40;
	[tilespmem:s30+$0x30] =	vst v1  }
0xde: {  	v1 =	vld [tilespmem:s31+$0x2800]  }
0xdf: {  	s29 =	sshll.u32 s26, $0xA;
	s1 =	simm.s32 $0x200  }
.LBB2_11:
0xe0: {  	p0 =	sne.s32 s1, $0x7F00;
	_ =	sdelay $0x2  }
0xe1: {  	s30 =	sadd.s32 $0x80, s30;
	v2 =	vshll.u32 v1, $0x10  }
0xe2: {  	v1 =	vand.u32 $0xFFFF0000, v1;
	[tilespmem:s30+$0xFFFFFFC0] =	vst v2  }
0xe3: {  	[tilespmem:s30+$0xFFFFFFD0] =	vst v1  }
0xe4: {  	v1 =	vld [tilespmem:s31+$0x2810];
	_ =	sdelay $0x4  }
0xe5: {  	v2 =	vshll.u32 v1, $0x10  }
0xe6: {  	v1 =	vand.u32 $0xFFFF0000, v1;
	[tilespmem:s30+$0xFFFFFFE0] =	vst v2  }
0xe7: {  	[tilespmem:s30+$0xFFFFFFF0] =	vst v1  }
0xe8: {  	v1 =	vld [tilespmem:s31+$0x2820];
	_ =	sdelay $0x4  }
0xe9: {  	v2 =	vshll.u32 v1, $0x10;
	v1 =	vand.u32 $0xFFFF0000, v1  }
0xea: {  	[tilespmem:s30+$0x10] =	vst v1  }
0xeb: {  	[tilespmem:s30+$0x0] =	vst v2  }
0xec: {  	v1 =	vld [tilespmem:s31+$0x2830];
	_ =	sdelay $0x4  }
.Ltmp4:
0xed: {  	v2 =	vshll.u32 v1, $0x10;
	v1 =	vand.u32 $0xFFFF0000, v1;
	(pc) =	sbr.rel @p0 .LBB2_11-.Ltmp4, $4  }
0xee: {  	[tilespmem:s30+$0x20] =	vst v2  }
0xef: {  	s31 =	sshra.s32 s1, $0x2;
	[tilespmem:s30+$0x30] =	vst v1  }
0xf0: {  	v1 =	vld [tilespmem:s31+$0x2800]  }
0xf1: {  	s1 =	sadd.s32 $0x100, s1  }
0xf2: {  	_ =	sdelay $0x2  }
0xf3: {  	s1 =	sadd.s32 $0x80, s30;
	v2 =	vshll.u32 v1, $0x10  }
0xf4: {  	v1 =	vand.u32 $0xFFFF0000, v1;
	[tilespmem:s1+$0xFFFFFFC0] =	vst v2  }
0xf5: {  	[tilespmem:s1+$0xFFFFFFD0] =	vst v1  }
0xf6: {  	v1 =	vld [tilespmem:s31+$0x2810];
	_ =	sdelay $0x4  }
0xf7: {  	v2 =	vshll.u32 v1, $0x10  }
0xf8: {  	v1 =	vand.u32 $0xFFFF0000, v1;
	[tilespmem:s1+$0xFFFFFFE0] =	vst v2  }
0xf9: {  	[tilespmem:s1+$0xFFFFFFF0] =	vst v1  }
0xfa: {  	v1 =	vld [tilespmem:s31+$0x2820];
	_ =	sdelay $0x4  }
0xfb: {  	v2 =	vand.u32 $0xFFFF0000, v1  }
0xfc: {  	v1 =	vshll.u32 v1, $0x10;
	[tilespmem:s1+$0x10] =	vst v2  }
0xfd: {  	[tilespmem:s1+$0x0] =	vst v1  }
0xfe: {  	v1 =	vld [tilespmem:s31+$0x2830];
	_ =	sdelay $0x4  }
0xff: {  	v2 =	vshll.u32 v1, $0x10  }
0x100: {  	s30 =	sshrl.u32 s29, $0x2;
	p0 =	seq.s32 s26, $0x13;
	v1 =	vand.u32 $0xFFFF0000, v1;
	[tilespmem:s1+$0x20] =	vst v2  }
0x101: {  	s31 =	sadd.s32 $0x1400, s30;
	[tilespmem:s1+$0x30] =	vst v1;
	s1 =	sshrl.u32 @!p0 s29, $0x2  }
0x102: {  	[spmem:s3] =	stream.indirect.scatter.add.f32 [tilespmem:s16], [sflag:$0x3], $0x80, s31, s19, $0xb8;
	[tilespmem:$0x1E800] =	vst v63  }
0x103: {  	s30 =	simm.s32 @!p0 $0x2800;
	s29 =	simm.s32 @!p0 $0x80;
	s1 =	sadd.s32 @!p0 $0x100, s1  }
0x104: {  	[tilespmem:s30], [sflag:$0x1] =	stream.indirect.gather @!p0 [hbm4b:s2+s29], $0x40, s1, s29, $0xb8;
	[tilespmem:$0x1E800] =	vst v63  }
0x105: {  	_ =	swait.ge [sflag:s23], $0x2000  }
0x106: {  	[sflag:s23] =	ssyncset.done $0x0  }
0x107: {  	[sflag:s23] =	ssyncadd.s32 $0xFFFFE000  }
0x108: {  	_ =	swait.ge [sflag:s24], $0x4000  }
0x109: {  	[sflag:s24] =	ssyncset.done $0x0  }
0x10a: {  	s31 =	simm.s32 $0x0;
	[sflag:s24] =	ssyncadd.s32 $0xFFFFC000  }
0x10b: {  	v1 =	vld [tilespmem:s31+$0x4800];
	_ =	sdelay $0x4  }
0x10c: {  	s29 =	simm.s32 $0x6840;
	v2 =	vshll.u32 v1, $0x10  }
0x10d: {  	v1 =	vand.u32 $0xFFFF0000, v1;
	[tilespmem:s29+$0xFFFFFFC0] =	vst v2  }
0x10e: {  	[tilespmem:s29+$0xFFFFFFD0] =	vst v1  }
0x10f: {  	v1 =	vld [tilespmem:s31+$0x4810];
	_ =	sdelay $0x4  }
0x110: {  	v2 =	vshll.u32 v1, $0x10  }
0x111: {  	v1 =	vand.u32 $0xFFFF0000, v1;
	[tilespmem:s29+$0xFFFFFFE0] =	vst v2  }
0x112: {  	[tilespmem:s29+$0xFFFFFFF0] =	vst v1  }
0x113: {  	v1 =	vld [tilespmem:s31+$0x4820];
	_ =	sdelay $0x4  }
0x114: {  	v2 =	vand.u32 $0xFFFF0000, v1  }
0x115: {  	v1 =	vshll.u32 v1, $0x10;
	[tilespmem:s29+$0x10] =	vst v2  }
0x116: {  	[tilespmem:s29+$0x0] =	vst v1  }
0x117: {  	v1 =	vld [tilespmem:s31+$0x4830];
	_ =	sdelay $0x4  }
0x118: {  	v2 =	vshll.u32 v1, $0x10  }
0x119: {  	v1 =	vand.u32 $0xFFFF0000, v1;
	[tilespmem:s29+$0x20] =	vst v2  }
0x11a: {  	s30 =	simm.s32 $0x40;
	[tilespmem:s29+$0x30] =	vst v1  }
0x11b: {  	v1 =	vld [tilespmem:s30+$0x4800]  }
0x11c: {  	s1 =	simm.s32 $0x200  }
.LBB2_13:
0x11d: {  	p0 =	sne.s32 s1, $0x7F00;
	_ =	sdelay $0x2  }
0x11e: {  	s29 =	sadd.s32 $0x80, s29;
	v2 =	vshll.u32 v1, $0x10  }
0x11f: {  	v1 =	vand.u32 $0xFFFF0000, v1;
	[tilespmem:s29+$0xFFFFFFC0] =	vst v2  }
0x120: {  	[tilespmem:s29+$0xFFFFFFD0] =	vst v1  }
0x121: {  	v1 =	vld [tilespmem:s30+$0x4810];
	_ =	sdelay $0x4  }
0x122: {  	v2 =	vshll.u32 v1, $0x10  }
0x123: {  	v1 =	vand.u32 $0xFFFF0000, v1;
	[tilespmem:s29+$0xFFFFFFE0] =	vst v2  }
0x124: {  	[tilespmem:s29+$0xFFFFFFF0] =	vst v1  }
0x125: {  	v1 =	vld [tilespmem:s30+$0x4820];
	_ =	sdelay $0x4  }
0x126: {  	v2 =	vshll.u32 v1, $0x10;
	v1 =	vand.u32 $0xFFFF0000, v1  }
0x127: {  	[tilespmem:s29+$0x10] =	vst v1  }
0x128: {  	[tilespmem:s29+$0x0] =	vst v2  }
0x129: {  	v1 =	vld [tilespmem:s30+$0x4830];
	_ =	sdelay $0x4  }
.Ltmp5:
0x12a: {  	v2 =	vshll.u32 v1, $0x10;
	v1 =	vand.u32 $0xFFFF0000, v1;
	(pc) =	sbr.rel @p0 .LBB2_13-.Ltmp5, $4  }
0x12b: {  	[tilespmem:s29+$0x20] =	vst v2  }
0x12c: {  	s30 =	sshra.s32 s1, $0x2;
	[tilespmem:s29+$0x30] =	vst v1  }
0x12d: {  	v1 =	vld [tilespmem:s30+$0x4800]  }
0x12e: {  	s1 =	sadd.s32 $0x100, s1  }
0x12f: {  	_ =	sdelay $0x2  }
0x130: {  	s1 =	sadd.s32 $0x80, s29;
	v2 =	vshll.u32 v1, $0x10  }
0x131: {  	v1 =	vand.u32 $0xFFFF0000, v1;
	[tilespmem:s1+$0xFFFFFFC0] =	vst v2  }
0x132: {  	[tilespmem:s1+$0xFFFFFFD0] =	vst v1  }
0x133: {  	v1 =	vld [tilespmem:s30+$0x4810];
	_ =	sdelay $0x4  }
0x134: {  	v2 =	vshll.u32 v1, $0x10  }
0x135: {  	v1 =	vand.u32 $0xFFFF0000, v1;
	[tilespmem:s1+$0xFFFFFFE0] =	vst v2  }
0x136: {  	[tilespmem:s1+$0xFFFFFFF0] =	vst v1  }
0x137: {  	v1 =	vld [tilespmem:s30+$0x4820];
	_ =	sdelay $0x4  }
0x138: {  	v2 =	vand.u32 $0xFFFF0000, v1  }
0x139: {  	v1 =	vshll.u32 v1, $0x10;
	[tilespmem:s1+$0x10] =	vst v2  }
0x13a: {  	[tilespmem:s1+$0x0] =	vst v1  }
0x13b: {  	v1 =	vld [tilespmem:s30+$0x4830];
	_ =	sdelay $0x1  }
0x13c: {  	s26 =	sadd.s32 $0x1, s26  }
0x13d: {  	p0 =	sne.s32 s26, $0x14  }
.Ltmp6:
0x13e: {  	_ = 	snop;
	(pc) =	sbr.rel @p0 .LBB2_10-.Ltmp6, $4  }
0x13f: {  	v2 =	vshll.u32 v1, $0x10  }
0x140: {  	v1 =	vand.u32 $0xFFFF0000, v1;
	[tilespmem:s1+$0x20] =	vst v2  }
0x141: {  	s31 =	sadd.s32 $0x1400, s28;
	[tilespmem:s1+$0x30] =	vst v1  }
0x142: {  	[spmem:s3] =	stream.indirect.scatter.add.f32 [tilespmem:s16], [sflag:$0x3], $0x80, s31, s19, $0xb8;
	[tilespmem:$0x1E800] =	vst v63  }
0x143: {  	_ =	swait.ge [sflag:s24], $0x4000  }
0x144: {  	s1 =	sshll.u32 s0, $0x6;
	s25 =	sadd.s32 $0x1, s25;
	[sflag:s24] =	ssyncset.done $0x0  }
0x145: {  	s26 =	sshrl.u32 s5, $0x3;
	p0 =	sne.s32 s25, s15;
	[sflag:s24] =	ssyncadd.s32 $0xFFFFC000  }
.Ltmp7:
0x146: {  	s1 =	sor.u32 $0x1C04, s1;
	[bflag:$0x0] =	sbarrier.arrive $0xFFFF;
	(pc) =	sbr.rel @p0 .LBB2_1-.Ltmp7, $4  }
0x147: {  	[hbm:s14], [sflag:s1] =	dma.local [spmem:s26], $0x2800  }
0x148: {  	_ =	swait.ge [sflag:s17], $0x2800  }
0x149: {  	[sflag:s17] =	ssyncset.done $0x0  }
0x14a: {  	[sflag:s17] =	ssyncadd.s32 $0xFFFFD800  }
0x14b: {  	_ =	sfence.sel $0x180000  }
0x14c: {  	[bflag:$0x0] =	sbarrier.arrive $0xFFFF  }
0x14d: {  	_ =	strace $0x9000004A  }
0x14e: {  	[bflag:$0x2] =	sbarrier.arrive $0xFFFF  }
0x14f: {  	p0 =	sne.s32 s0, $0x0;
	s0 =	rddreg [dreg:$0x3]  }
0x150: {  	s0 =	sadd.s32 @!p0 $0x100000, s0  }
0x151: {  	[sflag:s0] =	ssyncadd.tile.s32 @!p0 $0x1;
	_ =	shalt  }
.Lfunc_end2:
_tile_overlayer_lowered:
.L_overlay_start_2:
0x152: {  	(tag) =	ssettag $0x2  }
0x153: {  	s0 =	rddreg [dreg:$0x0];
	s2 =	stileid.u32  }
0x154: {  	s1 =	rddreg [dreg:$0x1];
	p0 =	sne.s32 s2, $0x0  }
0x155: {  	s3 =	rddreg [dreg:$0x2];
	[bflag:$0x3] =	sbarrier.arrive $0xFFFF;
	s2 =	simm.s32 @!p0 $0x1C04  }
0x156: {  	[timem:s3], [sflag:s2] =	dma.local @!p0 [hbm:s0], s1  }
0x157: {  	s0 =	simm.s32 @!p0 $0x4  }
0x158: {  	_ =	swait.ge @!p0 [sflag:s0], s1  }
0x159: {  	s1 =	ssub.s32 @!p0 $0x0, s1;
	[sflag:s0] =	ssyncset.done @!p0 $0x0  }
0x15a: {  	[sflag:s0] =	ssyncadd.s32 @!p0 s1  }
0x15b: {  	[bflag:$0x3] =	sbarrier.arrive $0xFFFF  }
0x15c: {  	_ =	shalt  }

// kernel: kernel.14.cloned.1.call-start
scs
__scs_entry_jumppad:
0x0: {  	(pc) =	sbr.rel $0x88, $3  }
0x1: {  	(tag) =	ssettag $0x0;
	lr =	simm.s32 $0x1  }
0x2: {  	[smem:$0x3F9B] =	sst lr;
	_ =	strace $0xD0000000  }
0x3: {  	_ = 	snop  }
0x4: {  	_ = 	snop  }
0x5: {  	_ = 	snop  }
0x6: {  	_ = 	snop  }
0x7: {  	_ = 	snop  }
__scs_overlays_trampoline_lowered:
0x8: {  	[smem:$0x3FAA] =	sst s0  }
0x9: {  	[smem:$0x3FAB] =	sst s1  }
0xa: {  	[smem:$0x3FAC] =	sst s2  }
0xb: {  	[smem:$0x3FAD] =	sst s3  }
0xc: {  	[smem:$0x3FAE] =	sst s4  }
0xd: {  	[smem:$0x3FAF] =	sst s5  }
0xe: {  	[smem:$0x3FB0] =	sst s6  }
0xf: {  	[smem:$0x3FB1] =	sst s7  }
0x10: {  	[smem:$0x3FB2] =	sst s8  }
0x11: {  	[smem:$0x3FB3] =	sst s9;
	s0 =	simm.s32 @!p0 $0x0  }
0x12: {  	s1 =	sld [smem:$0x3F99];
	s0 =	simm.s32 @p0 $0x1  }
0x13: {  	[smem:$0x3FB4] =	sst s0;
	s0 =	simm.s32 @!p1 $0x0  }
0x14: {  	s2 =	sld [smem:$0x3F98];
	s0 =	simm.s32 @p1 $0x1  }
0x15: {  	[smem:$0x3FB5] =	sst s0;
	s0 =	simm.s32 @!p2 $0x0  }
0x16: {  	s3 =	sld [smem:$0x3FDB];
	s0 =	simm.s32 @p2 $0x1  }
0x17: {  	s4 =	simm.s32 $0x1BF5;
	[smem:$0x3FB7] =	sst s0  }
0x18: {  	s0 =	sld [smem:$0x3F9A];
	_ =	swait.ge [sflag:s4], $0x0  }
0x19: {  	s7 =	sld [smem:$0x3F9B]  }
0x1a: {  	s8 =	sadd.s32 $0xFFFFE003, lr  }
0x1b: {  	s9 =	sadd.s32 $0xFFFFFEF7, lr;
	s5 =	simm.s32 $0xFFFFFFFF;
	p2 =	slt.u32 s8, $0xFFFFF086  }
0x1c: {  	p1 =	slt.u32 s9, $0xF7A;
	s5 =	simm.s32 @!p2 $0x0  }
0x1d: {  	s5 =	simm.s32 @p1 $0x1;
	p0 =	seq.s32 s7, s2  }
0x1e: {  	s7 =	smul.u32 @!p0 $0xF7A, s2;
	p2 =	seq.s32 @!p0 s5, $0x0  }
0x1f: {  	s9 =	smul.u32 $0xF7A, s1;
	s8 =	simm.s32 @!p0 $0x1BF5;
	p2 =	por !p2, p0  }
0x20: {  	[sflag:s8] =	ssyncset.s32 @!p0 $0xFFFFF086;
	s6 =	sadd.s32 @!p0 s3, s7;
	s7 =	simm.s32 @!p0 $0x108  }
0x21: {  	s3 =	sadd.s32 s3, s9;
	s6 =	sadd.s32 @!p0 $0x88, s6;
	s7 =	simm.s32 @p2 $0x1082  }
0x22: {  	[simem:s7], [sflag:s8] =	dma.local @!p0 [hbm:s6], $0xF7A  }
0x23: {  	s9 =	sor.u32 $0xD0000000, s2;
	s6 =	simm.s32 $0x108;
	_ =	swait.ge @!p0 [sflag:s8], $0x0  }
0x24: {  	s3 =	sadd.s32 $0x88, s3;
	s6 =	simm.s32 @!p1 $0x1082;
	[sflag:s4] =	ssyncset.s32 $0xFFFFF086  }
0x25: {  	[simem:s6], [sflag:s4] =	dma.local [hbm:s3], $0xF7A  }
0x26: {  	[smem:$0x3F9B] =	sst s1;
	(tag) =	ssettag s2;
	_ =	strace s9  }
0x27: {  	s1 =	sld [smem:$0x3FAB]  }
0x28: {  	s2 =	sld [smem:$0x3FAC]  }
0x29: {  	s4 =	sld [smem:$0x3FAE]  }
0x2a: {  	p0 =	seq.s32 s5, $0x0;
	s5 =	sld [smem:$0x3FAF]  }
0x2b: {  	s6 =	sld [smem:$0x3FB0]  }
0x2c: {  	s7 =	sld [smem:$0x3FB1]  }
0x2d: {  	s3 =	simm.s32 $0x108;
	s8 =	sld [smem:$0x3FB2]  }
0x2e: {  	s3 =	simm.s32 @!p0 $0x1082;
	s9 =	sld [smem:$0x3FB3]  }
0x2f: {  	lr =	sadd.s32 s0, s3;
	s0 =	sld [smem:$0x3FAA]  }
0x30: {  	s3 =	sld [smem:$0x3FAD]  }
0x31: {  	[smem:$0x3FB6] =	sst s10  }
0x32: {  	s10 =	sld [smem:$0x3FB4];
	_ =	sdelay $0x3  }
0x33: {  	p0 =	seq.s32 s10, $0x1;
	s10 =	sld [smem:$0x3FB6];
	_ =	sdelay $0x3  }
0x34: {  	[smem:$0x3FB6] =	sst s10  }
0x35: {  	s10 =	sld [smem:$0x3FB5];
	_ =	sdelay $0x3  }
0x36: {  	p1 =	seq.s32 s10, $0x1;
	s10 =	sld [smem:$0x3FB6];
	_ =	sdelay $0x3  }
0x37: {  	[smem:$0x3FB6] =	sst s10  }
0x38: {  	s10 =	sld [smem:$0x3FB7]  }
0x39: {  	_ = 	snop;
	(pc) =	sbr.ind lr, $3  }
0x3a: {  	_ = 	snop  }
0x3b: {  	_ = 	snop  }
0x3c: {  	p2 =	seq.s32 s10, $0x1;
	s10 =	sld [smem:$0x3FB6]  }
0x3d: {  	_ =	shalt  }
0x3e: {  	_ =	shalt  }
0x3f: {  	_ =	shalt  }
0x40: {  	_ =	shalt  }
0x41: {  	_ =	shalt  }
0x42: {  	_ =	shalt  }
0x43: {  	_ =	shalt  }
0x44: {  	_ =	shalt  }
0x45: {  	_ =	shalt  }
0x46: {  	_ =	shalt  }
0x47: {  	_ =	shalt  }
0x48: {  	_ =	shalt  }
0x49: {  	_ =	shalt  }
0x4a: {  	_ =	shalt  }
0x4b: {  	_ =	shalt  }
0x4c: {  	_ =	shalt  }
0x4d: {  	_ =	shalt  }
0x4e: {  	_ =	shalt  }
0x4f: {  	_ =	shalt  }
0x50: {  	_ =	shalt  }
0x51: {  	_ =	shalt  }
0x52: {  	_ =	shalt  }
0x53: {  	_ =	shalt  }
0x54: {  	_ =	shalt  }
0x55: {  	_ =	shalt  }
0x56: {  	_ =	shalt  }
0x57: {  	_ =	shalt  }
0x58: {  	_ =	shalt  }
0x59: {  	_ =	shalt  }
0x5a: {  	_ =	shalt  }
0x5b: {  	_ =	shalt  }
0x5c: {  	_ =	shalt  }
0x5d: {  	_ =	shalt  }
0x5e: {  	_ =	shalt  }
0x5f: {  	_ =	shalt  }
0x60: {  	_ =	shalt  }
0x61: {  	_ =	shalt  }
0x62: {  	_ =	shalt  }
0x63: {  	_ =	shalt  }
0x64: {  	_ =	shalt  }
0x65: {  	_ =	shalt  }
0x66: {  	_ =	shalt  }
0x67: {  	_ =	shalt  }
0x68: {  	_ =	shalt  }
0x69: {  	_ =	shalt  }
0x6a: {  	_ =	shalt  }
0x6b: {  	_ =	shalt  }
0x6c: {  	_ =	shalt  }
0x6d: {  	_ =	shalt  }
0x6e: {  	_ =	shalt  }
0x6f: {  	_ =	shalt  }
0x70: {  	_ =	shalt  }
0x71: {  	_ =	shalt  }
0x72: {  	_ =	shalt  }
0x73: {  	_ =	shalt  }
0x74: {  	_ =	shalt  }
0x75: {  	_ =	shalt  }
0x76: {  	_ =	shalt  }
0x77: {  	_ =	shalt  }
0x78: {  	_ =	shalt  }
0x79: {  	_ =	shalt  }
0x7a: {  	_ =	shalt  }
0x7b: {  	_ =	shalt  }
0x7c: {  	_ =	shalt  }
0x7d: {  	_ =	shalt  }
0x7e: {  	_ =	shalt  }
0x7f: {  	_ =	shalt  }
0x80: {  	_ =	shalt  }
0x81: {  	_ =	shalt  }
0x82: {  	_ =	shalt  }
0x83: {  	_ =	shalt  }
0x84: {  	_ =	shalt  }
0x85: {  	_ =	shalt  }
0x86: {  	_ =	shalt  }
0x87: {  	_ =	shalt  }
.Lfunc_end0:
.L_simem_size_0:
called_computation.2_lowered:
.L_overlay_start_0:
0x88: {  	s2 =	sld [smem:$0x3FD9]  }
0x89: {  	s3 =	sld [smem:$0x3FFE];
	_ =	sdelay $0x1  }
0x8a: {  	s1 =	srdreg.scid  }
0x8b: {  	s0 =	sand.u32 $0x1, s1  }
0x8c: {  	s17 =	sshll.u32 s0, $0xA;
	s2 =	sadd.s32 s3, s2  }
0x8d: {  	s2 =	sadd.s32 s2, s17  }
0x8e: {  	[smem:$0x3FC2] =	sst s2  }
0x8f: {  	_ = 	snop  }
0x90: {  	s2 =	sld [smem:$0x3FD0];
	(tm) =	ssettm $0x1  }
0x91: {  	s18 =	sld [smem:$0x3FFB];
	_ =	sdelay $0x3  }
0x92: {  	_ =	strace s18  }
0x93: {  	s3 =	sld [smem:$0x3FFC];
	_ =	sdelay $0x3  }
0x94: {  	_ =	strace s3  }
0x95: {  	s3 =	sld [smem:$0x3FFD];
	_ =	sdelay $0x3  }
0x96: {  	_ =	strace s3  }
0x97: {  	_ =	strace $0x8FFFFFFF  }
0x98: {  	s19 =	sld [smem:$0x3FDB];
	_ =	sdelay $0x1  }
0x99: {  	s4 =	simm.s32 $_scs_section_size  }
0x9a: {  	s5 =	simm.s32 $_size__tile_overlayer_lowered;
	s6 =	simm.s32 $_tile_overlayer_lowered  }
0x9b: {  	s22 =	simm.s32 $0x1BFF;
	s21 =	sshll.u32 s6, $0x1;
	s3 =	sadd.s32 s4, s19  }
0x9c: {  	s7 =	simm.s32 $0x0;
	s20 =	sshll.u32 s5, $0x1;
	s5 =	sadd.s32 s21, s3  }
0x9d: {  	[timem:s7], [sflag:s22] =	dma.local [hbm:s5], s20  }
0x9e: {  	_ =	swait.ge [sflag:s22], s20  }
0x9f: {  	s4 =	ssub.s32 $0x0, s20;
	[sflag:s22] =	ssyncset.done $0x0  }
0xa0: {  	[sflag:s22] =	ssyncadd.s32 s4;
	_ =	sdelay $0x1  }
0xa1: {  	s23 =	simm.s32 $0x1B8B  }
0xa2: {  	_ =	swait.ge [sflag:s23], $0x1  }
0xa3: {  	[sflag:s23] =	ssyncset.done $0x0  }
0xa4: {  	s25 =	simm.s32 $0x1B8E;
	s24 =	sld [smem:$0x3FFE];
	[sflag:s23] =	ssyncadd.s32 $0xFFFFFFFF  }
0xa5: {  	s26 =	simm.s32 $execute0_lowered;
	[smem:$0x3FD2] =	sst s25  }
0xa6: {  	s5 =	sshll.u32 s26, $0x1;
	_ =	strace $0x8000004C;
	[dreg:$0x1] =	wrdreg $0xFFFFFFFF  }
0xa7: {  	s28 =	simm.s32 $_size_execute0_lowered;
	s3 =	sadd.s32 s3, s5;
	[dreg:$0x0] =	wrdreg $0x0  }
0xa8: {  	s5 =	sshll.u32 s28, $0x1;
	[dreg:$0x2] =	wrdreg s3  }
0xa9: {  	[dreg:$0x3] =	wrdreg s5  }
0xaa: {  	[dreg:$0x4] =	wrdreg $0xC0  }
0xab: {  	_ =	task [dreg:s7], $0x5FFFF  }
0xac: {  	[dreg:$0x1] =	wrdreg $0xFFFFFFFF  }
0xad: {  	[dreg:$0x0] =	wrdreg $0x60  }
0xae: {  	[dreg:$0x2] =	wrdreg s24  }
0xaf: {  	[dreg:$0x3] =	wrdreg s2  }
0xb0: {  	[dreg:$0x4] =	wrdreg $0xA8000  }
0xb1: {  	[dreg:$0x5] =	wrdreg $0x9  }
0xb2: {  	_ =	task.clear_ibuf [dreg:s7], $0x6FFFF;
	_ =	strace $0x9000004C  }
0xb3: {  	s29 =	simm.s32 $0x9;
	_ =	strace $0x8000004E  }
0xb4: {  	_ =	swait.ge [sflag:s29], $0x1  }
0xb5: {  	[sflag:s29] =	ssyncadd.s32 $0xFFFFFFFF  }
0xb6: {  	_ =	strace $0x9000004E  }
0xb7: {  	_ =	sfence  }
0xb8: {  	s30 =	sld [smem:$0x0];
	_ =	sdelay $0x2  }
0xb9: {  	s31 =	sshll.u32 s1, $0xD;
	s1 =	sshrl.u32 s1, $0x2  }
0xba: {  	s3 =	sand.u32 $0x4000, s31;
	s1 =	sadd.s32 s1, s30  }
0xbb: {  	s0 =	sor.u32 s3, s0;
	s1 =	sshll.u32 s1, $0x11  }
0xbc: {  	s0 =	sor.u32 s1, s0  }
0xbd: {  	s0 =	sadd.s32 $0x8F2B, s0  }
0xbe: {  	[sflag:s0] =	ssyncadd.remote.s32 $0x1  }
0xbf: {  	_ =	sfence.sel $0xFFFF  }
0xc0: {  	[dreg:$0x0] =	wrdreg $0xFFFFFFFF;
	(pc) =	sbr.abs _section_cstart, $3  }
0xc1: {  	[dreg:$0x1] =	wrdreg $0xFFFFFFFF  }
0xc2: {  	_ =	task.clear_ibuf [dreg:s7], $0x2FFFF;
	_ =	strace $0x9FFFFFFF  }
0xc3: {  	(tm) =	ssettm $0x7FFFFFFF  }
tec
execute0_lowered:
.L_overlay_start_1:
0x0: {  	(tag) =	ssettag $0x1  }
0x1: {  	s1 =	rddreg [dreg:$0x0]  }
0x2: {  	s2 =	rddreg [dreg:$0x1];
	s4 =	srdreg.scid  }
0x3: {  	s0 =	stileid.u32;
	s3 =	rddreg [dreg:$0x2];
	s16 =	simm.s32 $0x6800  }
0x4: {  	s17 =	simm.s32 $0x4;
	s18 =	simm.s32 $0x1400;
	s19 =	simm.s32 $0x80  }
0x5: {  	s20 =	simm.s32 $0x2800;
	s21 =	simm.s32 $0x4800;
	s22 =	simm.s32 $0x1  }
0x6: {  	s23 =	simm.s32 $0x2;
	s24 =	simm.s32 $0x3;
	s25 =	simm.s32 $0x0  }
0x7: {  	s5 =	sand.u32 $0x1, s4;
	s6 =	smul.u32 $0x14000, s0;
	s4 =	simm.s32 $0x0  }
0x8: {  	s12 =	sadd.s32 $0xB800, s1;
	s8 =	smul.u32 $0x50000, s0;
	s13 =	sadd.s32 $0x1800, s1  }
0x9: {  	s29 =	sshll.u32 s0, $0x1;
	s7 =	smul.u32 $0x140000, s5;
	[smem:$0x7FF] =	sst s4  }
0xa: {  	s9 =	ssub.s32 $0x2, s5;
	s5 =	sor.u32 s5, s29;
	_ =	strace $0x8000004D  }
0xb: {  	s30 =	sshrl.u32 s8, $0x2;
	s31 =	sshrl.u32 s9, $0x1;
	s11 =	smul.u32 $0x2800, s5  }
0xc: {  	s5 =	sadd.s32 s6, s3;
	s7 =	sadd.s32 s6, s7;
	s10 =	sadd.s32 s30, s3  }
0xd: {  	s15 =	ssub.s32 s9, s31;
	s7 =	sshrl.u32 s7, $0x3;
	s6 =	sadd.s32 $0x4000, s10  }
0xe: {  	s8 =	sadd.s32 $0xC000, s10;
	s11 =	sshrl.u32 s11, $0x3;
	s9 =	sadd.s32 $0x10000, s10  }
0xf: {  	s15 =	smax.u32 s15, $0x1;
	s1 =	sadd.s32 s7, s1;
	s7 =	sadd.s32 $0x8000, s10  }
0x10: {  	s10 =	sadd.s32 s12, s11;
	s14 =	sadd.s32 $0x280, s11;
	s11 =	sadd.s32 s13, s11  }
0x11: {  	v0 =	vimm.f32 $0.0e+00;
	s12 =	sadd.s32 s12, s14;
	s13 =	sadd.s32 s13, s14;
	s14 =	sadd.s32 $0x15800, s1  }
.LBB2_1:
0x12: {  	s1 =	sand.u32 $0xFE00, s4  }
0x13: {  	s26 =	sand.u32 $0x70, s4;
	s28 =	sshrl.u32 s1, $0x2  }
0x14: {  	s1 =	simm.s32 $0x40;
	s28 =	sor.u32 s26, s28;
	s26 =	simm.s32 $0x0  }
.LBB2_2:
0x15: {  	p0 =	sne.s32 s1, $0xFFC0  }
0x16: {  	[tilespmem:s28+$0x6800] =	vst v0;
	s26 =	sadd.s32 $0x10, s26;
	s28 =	smov.u32 s1;
	s1 =	sadd.s32 $0x40, s1  }
.Ltmp0:
0x17: {  	(pc) =	sbr.rel @p0 .LBB2_2-.Ltmp0, $4  }
0x18: {  	_ = 	snop  }
0x19: {  	s28 =	sand.u32 $0xFE00, s28  }
0x1a: {  	s29 =	sand.u32 $0x70, s26;
	s28 =	sshrl.u32 s28, $0x2  }
0x1b: {  	s28 =	sor.u32 s29, s28  }
0x1c: {  	[tilespmem:s28+$0x6800] =	vst v0  }
0x1d: {  	[spmem:s5] =	stream.linear.scatter [tilespmem:s16], [sflag:$0x4], $0x4000, $0x38;
	[tilespmem:$0x1E800] =	vst v63  }
0x1e: {  	_ =	swait.ge [sflag:s17], $0x4000  }
0x1f: {  	[sflag:s17] =	ssyncset.done $0x0  }
0x20: {  	[sflag:s17] =	ssyncadd.s32 $0xFFFFC000  }
0x21: {  	[spmem:s6] =	stream.linear.scatter [tilespmem:s16], [sflag:$0x4], $0x4000, $0x38;
	[tilespmem:$0x1E800] =	vst v63  }
0x22: {  	_ =	swait.ge [sflag:s17], $0x4000  }
0x23: {  	[sflag:s17] =	ssyncset.done $0x0  }
0x24: {  	[sflag:s17] =	ssyncadd.s32 $0xFFFFC000  }
0x25: {  	[spmem:s7] =	stream.linear.scatter [tilespmem:s16], [sflag:$0x4], $0x4000, $0x38;
	[tilespmem:$0x1E800] =	vst v63  }
0x26: {  	_ =	swait.ge [sflag:s17], $0x4000  }
0x27: {  	[sflag:s17] =	ssyncset.done $0x0  }
0x28: {  	[sflag:s17] =	ssyncadd.s32 $0xFFFFC000  }
0x29: {  	[spmem:s8] =	stream.linear.scatter [tilespmem:s16], [sflag:$0x4], $0x4000, $0x38;
	[tilespmem:$0x1E800] =	vst v63  }
0x2a: {  	_ =	swait.ge [sflag:s17], $0x4000  }
0x2b: {  	[sflag:s17] =	ssyncset.done $0x0  }
0x2c: {  	[sflag:s17] =	ssyncadd.s32 $0xFFFFC000  }
0x2d: {  	[spmem:s9] =	stream.linear.scatter [tilespmem:s16], [sflag:$0x4], $0x4000, $0x38;
	[tilespmem:$0x1E800] =	vst v63  }
0x2e: {  	_ =	swait.ge [sflag:s17], $0x4000  }
0x2f: {  	[sflag:s17] =	ssyncset.done $0x0  }
0x30: {  	[sflag:s17] =	ssyncadd.s32 $0xFFFFC000  }
0x31: {  	s26 =	simm.s32 $0x0;
	[bflag:$0x0] =	sbarrier.arrive $0xFFFF  }
0x32: {  	[tilespmem:s26], [sflag:$0x4] =	stream.linear.gather [hbm4b:s10+s26], $0x1400, $0x38;
	[tilespmem:$0x1E800] =	vst v63  }
0x33: {  	_ =	swait.ge [sflag:s17], $0x1400  }
0x34: {  	[sflag:s17] =	ssyncset.done $0x0  }
0x35: {  	[sflag:s17] =	ssyncadd.s32 $0xFFFFEC00  }
0x36: {  	[tilespmem:s18], [sflag:$0x4] =	stream.linear.gather [hbm4b:s11+s26], $0x1400, $0x38;
	[tilespmem:$0x1E800] =	vst v63  }
0x37: {  	_ =	swait.ge [sflag:s17], $0x1400  }
0x38: {  	[sflag:s17] =	ssyncset.done $0x0  }
0x39: {  	[sflag:s17] =	ssyncadd.s32 $0xFFFFEC00  }
0x3a: {  	[tilespmem:s20], [sflag:$0x1] =	stream.indirect.gather [hbm4b:s2+s19], $0x40, s26, s19, $0xb8;
	[tilespmem:$0x1E800] =	vst v63  }
.LBB2_4:
0x3b: {  	s1 =	sshll.u32 s26, $0x8  }
0x3c: {  	s28 =	sor.u32 $0x80, s1  }
0x3d: {  	[tilespmem:s21], [sflag:$0x2] =	stream.indirect.gather [hbm4b:s2+s19], $0x40, s28, s19, $0xb8;
	[tilespmem:$0x1E800] =	vst v63  }
0x3e: {  	_ =	swait.ge [sflag:s22], $0x2000  }
0x3f: {  	p0 =	seq.s32 s26, $0x0;
	[sflag:s22] =	ssyncset.done $0x0  }
0x40: {  	s1 =	simm.s32 @!p0 $0x3;
	[sflag:s22] =	ssyncadd.s32 $0xFFFFE000  }
0x41: {  	_ =	swait.ge @!p0 [sflag:s1], $0x4000  }
0x42: {  	[sflag:s1] =	ssyncset.done @!p0 $0x0  }
0x43: {  	[sflag:s1] =	ssyncadd.s32 @!p0 $0xFFFFC000;
	s1 =	simm.s32 $0x0  }
0x44: {  	v1 =	vld [tilespmem:s1+$0x2800];
	_ =	sdelay $0x4  }
0x45: {  	s30 =	simm.s32 $0x6840;
	v2 =	vshll.u32 v1, $0x10  }
0x46: {  	v1 =	vand.u32 $0xFFFF0000, v1;
	[tilespmem:s30+$0xFFFFFFC0] =	vst v2  }
0x47: {  	[tilespmem:s30+$0xFFFFFFD0] =	vst v1  }
0x48: {  	v1 =	vld [tilespmem:s1+$0x2810];
	_ =	sdelay $0x4  }
0x49: {  	v2 =	vshll.u32 v1, $0x10  }
0x4a: {  	v1 =	vand.u32 $0xFFFF0000, v1;
	[tilespmem:s30+$0xFFFFFFE0] =	vst v2  }
0x4b: {  	[tilespmem:s30+$0xFFFFFFF0] =	vst v1  }
0x4c: {  	v1 =	vld [tilespmem:s1+$0x2820];
	_ =	sdelay $0x4  }
0x4d: {  	v2 =	vand.u32 $0xFFFF0000, v1  }
0x4e: {  	v1 =	vshll.u32 v1, $0x10;
	[tilespmem:s30+$0x10] =	vst v2  }
0x4f: {  	[tilespmem:s30+$0x0] =	vst v1  }
0x50: {  	v1 =	vld [tilespmem:s1+$0x2830];
	_ =	sdelay $0x4  }
0x51: {  	v2 =	vshll.u32 v1, $0x10  }
0x52: {  	v1 =	vand.u32 $0xFFFF0000, v1;
	[tilespmem:s30+$0x20] =	vst v2  }
0x53: {  	s31 =	simm.s32 $0x40;
	[tilespmem:s30+$0x30] =	vst v1  }
0x54: {  	v1 =	vld [tilespmem:s31+$0x2800]  }
0x55: {  	s29 =	sshll.u32 s26, $0xA;
	s1 =	simm.s32 $0x200  }
.LBB2_5:
0x56: {  	p0 =	sne.s32 s1, $0x7F00;
	_ =	sdelay $0x2  }
0x57: {  	s30 =	sadd.s32 $0x80, s30;
	v2 =	vshll.u32 v1, $0x10  }
0x58: {  	v1 =	vand.u32 $0xFFFF0000, v1;
	[tilespmem:s30+$0xFFFFFFC0] =	vst v2  }
0x59: {  	[tilespmem:s30+$0xFFFFFFD0] =	vst v1  }
0x5a: {  	v1 =	vld [tilespmem:s31+$0x2810];
	_ =	sdelay $0x4  }
0x5b: {  	v2 =	vshll.u32 v1, $0x10  }
0x5c: {  	v1 =	vand.u32 $0xFFFF0000, v1;
	[tilespmem:s30+$0xFFFFFFE0] =	vst v2  }
0x5d: {  	[tilespmem:s30+$0xFFFFFFF0] =	vst v1  }
0x5e: {  	v1 =	vld [tilespmem:s31+$0x2820];
	_ =	sdelay $0x4  }
0x5f: {  	v2 =	vshll.u32 v1, $0x10;
	v1 =	vand.u32 $0xFFFF0000, v1  }
0x60: {  	[tilespmem:s30+$0x10] =	vst v1  }
0x61: {  	[tilespmem:s30+$0x0] =	vst v2  }
0x62: {  	v1 =	vld [tilespmem:s31+$0x2830];
	_ =	sdelay $0x4  }
.Ltmp1:
0x63: {  	v2 =	vshll.u32 v1, $0x10;
	v1 =	vand.u32 $0xFFFF0000, v1;
	(pc) =	sbr.rel @p0 .LBB2_5-.Ltmp1, $4  }
0x64: {  	[tilespmem:s30+$0x20] =	vst v2  }
0x65: {  	s31 =	sshra.s32 s1, $0x2;
	[tilespmem:s30+$0x30] =	vst v1  }
0x66: {  	v1 =	vld [tilespmem:s31+$0x2800]  }
0x67: {  	s1 =	sadd.s32 $0x100, s1  }
0x68: {  	_ =	sdelay $0x2  }
0x69: {  	s1 =	sadd.s32 $0x80, s30;
	v2 =	vshll.u32 v1, $0x10  }
0x6a: {  	v1 =	vand.u32 $0xFFFF0000, v1;
	[tilespmem:s1+$0xFFFFFFC0] =	vst v2  }
0x6b: {  	[tilespmem:s1+$0xFFFFFFD0] =	vst v1  }
0x6c: {  	v1 =	vld [tilespmem:s31+$0x2810];
	_ =	sdelay $0x4  }
0x6d: {  	v2 =	vshll.u32 v1, $0x10  }
0x6e: {  	v1 =	vand.u32 $0xFFFF0000, v1;
	[tilespmem:s1+$0xFFFFFFE0] =	vst v2  }
0x6f: {  	[tilespmem:s1+$0xFFFFFFF0] =	vst v1  }
0x70: {  	v1 =	vld [tilespmem:s31+$0x2820];
	_ =	sdelay $0x4  }
0x71: {  	v2 =	vand.u32 $0xFFFF0000, v1  }
0x72: {  	v1 =	vshll.u32 v1, $0x10;
	[tilespmem:s1+$0x10] =	vst v2  }
0x73: {  	[tilespmem:s1+$0x0] =	vst v1  }
0x74: {  	v1 =	vld [tilespmem:s31+$0x2830];
	_ =	sdelay $0x4  }
0x75: {  	v2 =	vshll.u32 v1, $0x10  }
0x76: {  	s30 =	sshrl.u32 s29, $0x2;
	p0 =	seq.s32 s26, $0x13;
	v1 =	vand.u32 $0xFFFF0000, v1;
	[tilespmem:s1+$0x20] =	vst v2  }
0x77: {  	s31 =	sadd.s32 $0x1400, s30;
	[tilespmem:s1+$0x30] =	vst v1;
	s1 =	sshrl.u32 @!p0 s29, $0x2  }
0x78: {  	[spmem:s3] =	stream.indirect.scatter.add.f32 [tilespmem:s16], [sflag:$0x3], $0x80, s31, s19, $0xb8;
	[tilespmem:$0x1E800] =	vst v63  }
0x79: {  	s30 =	simm.s32 @!p0 $0x2800;
	s29 =	simm.s32 @!p0 $0x80;
	s1 =	sadd.s32 @!p0 $0x100, s1  }
0x7a: {  	[tilespmem:s30], [sflag:$0x1] =	stream.indirect.gather @!p0 [hbm4b:s2+s29], $0x40, s1, s29, $0xb8;
	[tilespmem:$0x1E800] =	vst v63  }
0x7b: {  	_ =	swait.ge [sflag:s23], $0x2000  }
0x7c: {  	[sflag:s23] =	ssyncset.done $0x0  }
0x7d: {  	[sflag:s23] =	ssyncadd.s32 $0xFFFFE000  }
0x7e: {  	_ =	swait.ge [sflag:s24], $0x4000  }
0x7f: {  	[sflag:s24] =	ssyncset.done $0x0  }
0x80: {  	s31 =	simm.s32 $0x0;
	[sflag:s24] =	ssyncadd.s32 $0xFFFFC000  }
0x81: {  	v1 =	vld [tilespmem:s31+$0x4800];
	_ =	sdelay $0x4  }
0x82: {  	s29 =	simm.s32 $0x6840;
	v2 =	vshll.u32 v1, $0x10  }
0x83: {  	v1 =	vand.u32 $0xFFFF0000, v1;
	[tilespmem:s29+$0xFFFFFFC0] =	vst v2  }
0x84: {  	[tilespmem:s29+$0xFFFFFFD0] =	vst v1  }
0x85: {  	v1 =	vld [tilespmem:s31+$0x4810];
	_ =	sdelay $0x4  }
0x86: {  	v2 =	vshll.u32 v1, $0x10  }
0x87: {  	v1 =	vand.u32 $0xFFFF0000, v1;
	[tilespmem:s29+$0xFFFFFFE0] =	vst v2  }
0x88: {  	[tilespmem:s29+$0xFFFFFFF0] =	vst v1  }
0x89: {  	v1 =	vld [tilespmem:s31+$0x4820];
	_ =	sdelay $0x4  }
0x8a: {  	v2 =	vand.u32 $0xFFFF0000, v1  }
0x8b: {  	v1 =	vshll.u32 v1, $0x10;
	[tilespmem:s29+$0x10] =	vst v2  }
0x8c: {  	[tilespmem:s29+$0x0] =	vst v1  }
0x8d: {  	v1 =	vld [tilespmem:s31+$0x4830];
	_ =	sdelay $0x4  }
0x8e: {  	v2 =	vshll.u32 v1, $0x10  }
0x8f: {  	v1 =	vand.u32 $0xFFFF0000, v1;
	[tilespmem:s29+$0x20] =	vst v2  }
0x90: {  	s30 =	simm.s32 $0x40;
	[tilespmem:s29+$0x30] =	vst v1  }
0x91: {  	v1 =	vld [tilespmem:s30+$0x4800]  }
0x92: {  	s1 =	simm.s32 $0x200  }
.LBB2_7:
0x93: {  	p0 =	sne.s32 s1, $0x7F00;
	_ =	sdelay $0x2  }
0x94: {  	s29 =	sadd.s32 $0x80, s29;
	v2 =	vshll.u32 v1, $0x10  }
0x95: {  	v1 =	vand.u32 $0xFFFF0000, v1;
	[tilespmem:s29+$0xFFFFFFC0] =	vst v2  }
0x96: {  	[tilespmem:s29+$0xFFFFFFD0] =	vst v1  }
0x97: {  	v1 =	vld [tilespmem:s30+$0x4810];
	_ =	sdelay $0x4  }
0x98: {  	v2 =	vshll.u32 v1, $0x10  }
0x99: {  	v1 =	vand.u32 $0xFFFF0000, v1;
	[tilespmem:s29+$0xFFFFFFE0] =	vst v2  }
0x9a: {  	[tilespmem:s29+$0xFFFFFFF0] =	vst v1  }
0x9b: {  	v1 =	vld [tilespmem:s30+$0x4820];
	_ =	sdelay $0x4  }
0x9c: {  	v2 =	vshll.u32 v1, $0x10;
	v1 =	vand.u32 $0xFFFF0000, v1  }
0x9d: {  	[tilespmem:s29+$0x10] =	vst v1  }
0x9e: {  	[tilespmem:s29+$0x0] =	vst v2  }
0x9f: {  	v1 =	vld [tilespmem:s30+$0x4830];
	_ =	sdelay $0x4  }
.Ltmp2:
0xa0: {  	v2 =	vshll.u32 v1, $0x10;
	v1 =	vand.u32 $0xFFFF0000, v1;
	(pc) =	sbr.rel @p0 .LBB2_7-.Ltmp2, $4  }
0xa1: {  	[tilespmem:s29+$0x20] =	vst v2  }
0xa2: {  	s30 =	sshra.s32 s1, $0x2;
	[tilespmem:s29+$0x30] =	vst v1  }
0xa3: {  	v1 =	vld [tilespmem:s30+$0x4800]  }
0xa4: {  	s1 =	sadd.s32 $0x100, s1  }
0xa5: {  	_ =	sdelay $0x2  }
0xa6: {  	s1 =	sadd.s32 $0x80, s29;
	v2 =	vshll.u32 v1, $0x10  }
0xa7: {  	v1 =	vand.u32 $0xFFFF0000, v1;
	[tilespmem:s1+$0xFFFFFFC0] =	vst v2  }
0xa8: {  	[tilespmem:s1+$0xFFFFFFD0] =	vst v1  }
0xa9: {  	v1 =	vld [tilespmem:s30+$0x4810];
	_ =	sdelay $0x4  }
0xaa: {  	v2 =	vshll.u32 v1, $0x10  }
0xab: {  	v1 =	vand.u32 $0xFFFF0000, v1;
	[tilespmem:s1+$0xFFFFFFE0] =	vst v2  }
0xac: {  	[tilespmem:s1+$0xFFFFFFF0] =	vst v1  }
0xad: {  	v1 =	vld [tilespmem:s30+$0x4820];
	_ =	sdelay $0x4  }
0xae: {  	v2 =	vand.u32 $0xFFFF0000, v1  }
0xaf: {  	v1 =	vshll.u32 v1, $0x10;
	[tilespmem:s1+$0x10] =	vst v2  }
0xb0: {  	[tilespmem:s1+$0x0] =	vst v1  }
0xb1: {  	v1 =	vld [tilespmem:s30+$0x4830];
	_ =	sdelay $0x1  }
0xb2: {  	s26 =	sadd.s32 $0x1, s26  }
0xb3: {  	p0 =	sne.s32 s26, $0x14  }
.Ltmp3:
0xb4: {  	_ = 	snop;
	(pc) =	sbr.rel @p0 .LBB2_4-.Ltmp3, $4  }
0xb5: {  	v2 =	vshll.u32 v1, $0x10  }
0xb6: {  	v1 =	vand.u32 $0xFFFF0000, v1;
	[tilespmem:s1+$0x20] =	vst v2  }
0xb7: {  	s31 =	sadd.s32 $0x1400, s28;
	[tilespmem:s1+$0x30] =	vst v1  }
0xb8: {  	[spmem:s3] =	stream.indirect.scatter.add.f32 [tilespmem:s16], [sflag:$0x3], $0x80, s31, s19, $0xb8;
	[tilespmem:$0x1E800] =	vst v63  }
0xb9: {  	_ =	swait.ge [sflag:s24], $0x4000  }
0xba: {  	[sflag:s24] =	ssyncset.done $0x0  }
0xbb: {  	s26 =	simm.s32 $0x0;
	[sflag:s24] =	ssyncadd.s32 $0xFFFFC000  }
0xbc: {  	[tilespmem:s26], [sflag:$0x4] =	stream.linear.gather [hbm4b:s12+s26], $0x1400, $0x38;
	[tilespmem:$0x1E800] =	vst v63  }
0xbd: {  	_ =	swait.ge [sflag:s17], $0x1400  }
0xbe: {  	[sflag:s17] =	ssyncset.done $0x0  }
0xbf: {  	[sflag:s17] =	ssyncadd.s32 $0xFFFFEC00  }
0xc0: {  	[tilespmem:s18], [sflag:$0x4] =	stream.linear.gather [hbm4b:s13+s26], $0x1400, $0x38;
	[tilespmem:$0x1E800] =	vst v63  }
0xc1: {  	_ =	swait.ge [sflag:s17], $0x1400  }
0xc2: {  	[sflag:s17] =	ssyncset.done $0x0  }
0xc3: {  	[sflag:s17] =	ssyncadd.s32 $0xFFFFEC00  }
0xc4: {  	[tilespmem:s20], [sflag:$0x1] =	stream.indirect.gather [hbm4b:s2+s19], $0x40, s26, s19, $0xb8;
	[tilespmem:$0x1E800] =	vst v63  }
.LBB2_10:
0xc5: {  	s1 =	sshll.u32 s26, $0x8  }
0xc6: {  	s28 =	sor.u32 $0x80, s1  }
0xc7: {  	[tilespmem:s21], [sflag:$0x2] =	stream.indirect.gather [hbm4b:s2+s19], $0x40, s28, s19, $0xb8;
	[tilespmem:$0x1E800] =	vst v63  }
0xc8: {  	_ =	swait.ge [sflag:s22], $0x2000  }
0xc9: {  	p0 =	seq.s32 s26, $0x0;
	[sflag:s22] =	ssyncset.done $0x0  }
0xca: {  	s1 =	simm.s32 @!p0 $0x3;
	[sflag:s22] =	ssyncadd.s32 $0xFFFFE000  }
0xcb: {  	_ =	swait.ge @!p0 [sflag:s1], $0x4000  }
0xcc: {  	[sflag:s1] =	ssyncset.done @!p0 $0x0  }
0xcd: {  	[sflag:s1] =	ssyncadd.s32 @!p0 $0xFFFFC000;
	s1 =	simm.s32 $0x0  }
0xce: {  	v1 =	vld [tilespmem:s1+$0x2800];
	_ =	sdelay $0x4  }
0xcf: {  	s30 =	simm.s32 $0x6840;
	v2 =	vshll.u32 v1, $0x10  }
0xd0: {  	v1 =	vand.u32 $0xFFFF0000, v1;
	[tilespmem:s30+$0xFFFFFFC0] =	vst v2  }
0xd1: {  	[tilespmem:s30+$0xFFFFFFD0] =	vst v1  }
0xd2: {  	v1 =	vld [tilespmem:s1+$0x2810];
	_ =	sdelay $0x4  }
0xd3: {  	v2 =	vshll.u32 v1, $0x10  }
0xd4: {  	v1 =	vand.u32 $0xFFFF0000, v1;
	[tilespmem:s30+$0xFFFFFFE0] =	vst v2  }
0xd5: {  	[tilespmem:s30+$0xFFFFFFF0] =	vst v1  }
0xd6: {  	v1 =	vld [tilespmem:s1+$0x2820];
	_ =	sdelay $0x4  }
0xd7: {  	v2 =	vand.u32 $0xFFFF0000, v1  }
0xd8: {  	v1 =	vshll.u32 v1, $0x10;
	[tilespmem:s30+$0x10] =	vst v2  }
0xd9: {  	[tilespmem:s30+$0x0] =	vst v1  }
0xda: {  	v1 =	vld [tilespmem:s1+$0x2830];
	_ =	sdelay $0x4  }
0xdb: {  	v2 =	vshll.u32 v1, $0x10  }
0xdc: {  	v1 =	vand.u32 $0xFFFF0000, v1;
	[tilespmem:s30+$0x20] =	vst v2  }
0xdd: {  	s31 =	simm.s32 $0x40;
	[tilespmem:s30+$0x30] =	vst v1  }
0xde: {  	v1 =	vld [tilespmem:s31+$0x2800]  }
0xdf: {  	s29 =	sshll.u32 s26, $0xA;
	s1 =	simm.s32 $0x200  }
.LBB2_11:
0xe0: {  	p0 =	sne.s32 s1, $0x7F00;
	_ =	sdelay $0x2  }
0xe1: {  	s30 =	sadd.s32 $0x80, s30;
	v2 =	vshll.u32 v1, $0x10  }
0xe2: {  	v1 =	vand.u32 $0xFFFF0000, v1;
	[tilespmem:s30+$0xFFFFFFC0] =	vst v2  }
0xe3: {  	[tilespmem:s30+$0xFFFFFFD0] =	vst v1  }
0xe4: {  	v1 =	vld [tilespmem:s31+$0x2810];
	_ =	sdelay $0x4  }
0xe5: {  	v2 =	vshll.u32 v1, $0x10  }
0xe6: {  	v1 =	vand.u32 $0xFFFF0000, v1;
	[tilespmem:s30+$0xFFFFFFE0] =	vst v2  }
0xe7: {  	[tilespmem:s30+$0xFFFFFFF0] =	vst v1  }
0xe8: {  	v1 =	vld [tilespmem:s31+$0x2820];
	_ =	sdelay $0x4  }
0xe9: {  	v2 =	vshll.u32 v1, $0x10;
	v1 =	vand.u32 $0xFFFF0000, v1  }
0xea: {  	[tilespmem:s30+$0x10] =	vst v1  }
0xeb: {  	[tilespmem:s30+$0x0] =	vst v2  }
0xec: {  	v1 =	vld [tilespmem:s31+$0x2830];
	_ =	sdelay $0x4  }
.Ltmp4:
0xed: {  	v2 =	vshll.u32 v1, $0x10;
	v1 =	vand.u32 $0xFFFF0000, v1;
	(pc) =	sbr.rel @p0 .LBB2_11-.Ltmp4, $4  }
0xee: {  	[tilespmem:s30+$0x20] =	vst v2  }
0xef: {  	s31 =	sshra.s32 s1, $0x2;
	[tilespmem:s30+$0x30] =	vst v1  }
0xf0: {  	v1 =	vld [tilespmem:s31+$0x2800]  }
0xf1: {  	s1 =	sadd.s32 $0x100, s1  }
0xf2: {  	_ =	sdelay $0x2  }
0xf3: {  	s1 =	sadd.s32 $0x80, s30;
	v2 =	vshll.u32 v1, $0x10  }
0xf4: {  	v1 =	vand.u32 $0xFFFF0000, v1;
	[tilespmem:s1+$0xFFFFFFC0] =	vst v2  }
0xf5: {  	[tilespmem:s1+$0xFFFFFFD0] =	vst v1  }
0xf6: {  	v1 =	vld [tilespmem:s31+$0x2810];
	_ =	sdelay $0x4  }
0xf7: {  	v2 =	vshll.u32 v1, $0x10  }
0xf8: {  	v1 =	vand.u32 $0xFFFF0000, v1;
	[tilespmem:s1+$0xFFFFFFE0] =	vst v2  }
0xf9: {  	[tilespmem:s1+$0xFFFFFFF0] =	vst v1  }
0xfa: {  	v1 =	vld [tilespmem:s31+$0x2820];
	_ =	sdelay $0x4  }
0xfb: {  	v2 =	vand.u32 $0xFFFF0000, v1  }
0xfc: {  	v1 =	vshll.u32 v1, $0x10;
	[tilespmem:s1+$0x10] =	vst v2  }
0xfd: {  	[tilespmem:s1+$0x0] =	vst v1  }
0xfe: {  	v1 =	vld [tilespmem:s31+$0x2830];
	_ =	sdelay $0x4  }
0xff: {  	v2 =	vshll.u32 v1, $0x10  }
0x100: {  	s30 =	sshrl.u32 s29, $0x2;
	p0 =	seq.s32 s26, $0x13;
	v1 =	vand.u32 $0xFFFF0000, v1;
	[tilespmem:s1+$0x20] =	vst v2  }
0x101: {  	s31 =	sadd.s32 $0x1400, s30;
	[tilespmem:s1+$0x30] =	vst v1;
	s1 =	sshrl.u32 @!p0 s29, $0x2  }
0x102: {  	[spmem:s3] =	stream.indirect.scatter.add.f32 [tilespmem:s16], [sflag:$0x3], $0x80, s31, s19, $0xb8;
	[tilespmem:$0x1E800] =	vst v63  }
0x103: {  	s30 =	simm.s32 @!p0 $0x2800;
	s29 =	simm.s32 @!p0 $0x80;
	s1 =	sadd.s32 @!p0 $0x100, s1  }
0x104: {  	[tilespmem:s30], [sflag:$0x1] =	stream.indirect.gather @!p0 [hbm4b:s2+s29], $0x40, s1, s29, $0xb8;
	[tilespmem:$0x1E800] =	vst v63  }
0x105: {  	_ =	swait.ge [sflag:s23], $0x2000  }
0x106: {  	[sflag:s23] =	ssyncset.done $0x0  }
0x107: {  	[sflag:s23] =	ssyncadd.s32 $0xFFFFE000  }
0x108: {  	_ =	swait.ge [sflag:s24], $0x4000  }
0x109: {  	[sflag:s24] =	ssyncset.done $0x0  }
0x10a: {  	s31 =	simm.s32 $0x0;
	[sflag:s24] =	ssyncadd.s32 $0xFFFFC000  }
0x10b: {  	v1 =	vld [tilespmem:s31+$0x4800];
	_ =	sdelay $0x4  }
0x10c: {  	s29 =	simm.s32 $0x6840;
	v2 =	vshll.u32 v1, $0x10  }
0x10d: {  	v1 =	vand.u32 $0xFFFF0000, v1;
	[tilespmem:s29+$0xFFFFFFC0] =	vst v2  }
0x10e: {  	[tilespmem:s29+$0xFFFFFFD0] =	vst v1  }
0x10f: {  	v1 =	vld [tilespmem:s31+$0x4810];
	_ =	sdelay $0x4  }
0x110: {  	v2 =	vshll.u32 v1, $0x10  }
0x111: {  	v1 =	vand.u32 $0xFFFF0000, v1;
	[tilespmem:s29+$0xFFFFFFE0] =	vst v2  }
0x112: {  	[tilespmem:s29+$0xFFFFFFF0] =	vst v1  }
0x113: {  	v1 =	vld [tilespmem:s31+$0x4820];
	_ =	sdelay $0x4  }
0x114: {  	v2 =	vand.u32 $0xFFFF0000, v1  }
0x115: {  	v1 =	vshll.u32 v1, $0x10;
	[tilespmem:s29+$0x10] =	vst v2  }
0x116: {  	[tilespmem:s29+$0x0] =	vst v1  }
0x117: {  	v1 =	vld [tilespmem:s31+$0x4830];
	_ =	sdelay $0x4  }
0x118: {  	v2 =	vshll.u32 v1, $0x10  }
0x119: {  	v1 =	vand.u32 $0xFFFF0000, v1;
	[tilespmem:s29+$0x20] =	vst v2  }
0x11a: {  	s30 =	simm.s32 $0x40;
	[tilespmem:s29+$0x30] =	vst v1  }
0x11b: {  	v1 =	vld [tilespmem:s30+$0x4800]  }
0x11c: {  	s1 =	simm.s32 $0x200  }
.LBB2_13:
0x11d: {  	p0 =	sne.s32 s1, $0x7F00;
	_ =	sdelay $0x2  }
0x11e: {  	s29 =	sadd.s32 $0x80, s29;
	v2 =	vshll.u32 v1, $0x10  }
0x11f: {  	v1 =	vand.u32 $0xFFFF0000, v1;
	[tilespmem:s29+$0xFFFFFFC0] =	vst v2  }
0x120: {  	[tilespmem:s29+$0xFFFFFFD0] =	vst v1  }
0x121: {  	v1 =	vld [tilespmem:s30+$0x4810];
	_ =	sdelay $0x4  }
0x122: {  	v2 =	vshll.u32 v1, $0x10  }
0x123: {  	v1 =	vand.u32 $0xFFFF0000, v1;
	[tilespmem:s29+$0xFFFFFFE0] =	vst v2  }
0x124: {  	[tilespmem:s29+$0xFFFFFFF0] =	vst v1  }
0x125: {  	v1 =	vld [tilespmem:s30+$0x4820];
	_ =	sdelay $0x4  }
0x126: {  	v2 =	vshll.u32 v1, $0x10;
	v1 =	vand.u32 $0xFFFF0000, v1  }
0x127: {  	[tilespmem:s29+$0x10] =	vst v1  }
0x128: {  	[tilespmem:s29+$0x0] =	vst v2  }
0x129: {  	v1 =	vld [tilespmem:s30+$0x4830];
	_ =	sdelay $0x4  }
.Ltmp5:
0x12a: {  	v2 =	vshll.u32 v1, $0x10;
	v1 =	vand.u32 $0xFFFF0000, v1;
	(pc) =	sbr.rel @p0 .LBB2_13-.Ltmp5, $4  }
0x12b: {  	[tilespmem:s29+$0x20] =	vst v2  }
0x12c: {  	s30 =	sshra.s32 s1, $0x2;
	[tilespmem:s29+$0x30] =	vst v1  }
0x12d: {  	v1 =	vld [tilespmem:s30+$0x4800]  }
0x12e: {  	s1 =	sadd.s32 $0x100, s1  }
0x12f: {  	_ =	sdelay $0x2  }
0x130: {  	s1 =	sadd.s32 $0x80, s29;
	v2 =	vshll.u32 v1, $0x10  }
0x131: {  	v1 =	vand.u32 $0xFFFF0000, v1;
	[tilespmem:s1+$0xFFFFFFC0] =	vst v2  }
0x132: {  	[tilespmem:s1+$0xFFFFFFD0] =	vst v1  }
0x133: {  	v1 =	vld [tilespmem:s30+$0x4810];
	_ =	sdelay $0x4  }
0x134: {  	v2 =	vshll.u32 v1, $0x10  }
0x135: {  	v1 =	vand.u32 $0xFFFF0000, v1;
	[tilespmem:s1+$0xFFFFFFE0] =	vst v2  }
0x136: {  	[tilespmem:s1+$0xFFFFFFF0] =	vst v1  }
0x137: {  	v1 =	vld [tilespmem:s30+$0x4820];
	_ =	sdelay $0x4  }
0x138: {  	v2 =	vand.u32 $0xFFFF0000, v1  }
0x139: {  	v1 =	vshll.u32 v1, $0x10;
	[tilespmem:s1+$0x10] =	vst v2  }
0x13a: {  	[tilespmem:s1+$0x0] =	vst v1  }
0x13b: {  	v1 =	vld [tilespmem:s30+$0x4830];
	_ =	sdelay $0x1  }
0x13c: {  	s26 =	sadd.s32 $0x1, s26  }
0x13d: {  	p0 =	sne.s32 s26, $0x14  }
.Ltmp6:
0x13e: {  	_ = 	snop;
	(pc) =	sbr.rel @p0 .LBB2_10-.Ltmp6, $4  }
0x13f: {  	v2 =	vshll.u32 v1, $0x10  }
0x140: {  	v1 =	vand.u32 $0xFFFF0000, v1;
	[tilespmem:s1+$0x20] =	vst v2  }
0x141: {  	s31 =	sadd.s32 $0x1400, s28;
	[tilespmem:s1+$0x30] =	vst v1  }
0x142: {  	[spmem:s3] =	stream.indirect.scatter.add.f32 [tilespmem:s16], [sflag:$0x3], $0x80, s31, s19, $0xb8;
	[tilespmem:$0x1E800] =	vst v63  }
0x143: {  	_ =	swait.ge [sflag:s24], $0x4000  }
0x144: {  	s1 =	sshll.u32 s0, $0x6;
	s25 =	sadd.s32 $0x1, s25;
	[sflag:s24] =	ssyncset.done $0x0  }
0x145: {  	s26 =	sshrl.u32 s5, $0x3;
	p0 =	sne.s32 s25, s15;
	[sflag:s24] =	ssyncadd.s32 $0xFFFFC000  }
.Ltmp7:
0x146: {  	s1 =	sor.u32 $0x1C04, s1;
	[bflag:$0x0] =	sbarrier.arrive $0xFFFF;
	(pc) =	sbr.rel @p0 .LBB2_1-.Ltmp7, $4  }
0x147: {  	[hbm:s14], [sflag:s1] =	dma.local [spmem:s26], $0x2800  }
0x148: {  	_ =	swait.ge [sflag:s17], $0x2800  }
0x149: {  	[sflag:s17] =	ssyncset.done $0x0  }
0x14a: {  	[sflag:s17] =	ssyncadd.s32 $0xFFFFD800  }
0x14b: {  	_ =	sfence.sel $0x180000  }
0x14c: {  	[bflag:$0x0] =	sbarrier.arrive $0xFFFF  }
0x14d: {  	_ =	strace $0x9000004D  }
0x14e: {  	[bflag:$0x2] =	sbarrier.arrive $0xFFFF  }
0x14f: {  	p0 =	sne.s32 s0, $0x0;
	s0 =	rddreg [dreg:$0x3]  }
0x150: {  	s0 =	sadd.s32 @!p0 $0x100000, s0  }
0x151: {  	[sflag:s0] =	ssyncadd.tile.s32 @!p0 $0x1;
	_ =	shalt  }
.Lfunc_end2:
_tile_overlayer_lowered:
.L_overlay_start_2:
0x152: {  	(tag) =	ssettag $0x2  }
0x153: {  	s0 =	rddreg [dreg:$0x0];
	s2 =	stileid.u32  }
0x154: {  	s1 =	rddreg [dreg:$0x1];
	p0 =	sne.s32 s2, $0x0  }
0x155: {  	s3 =	rddreg [dreg:$0x2];
	[bflag:$0x3] =	sbarrier.arrive $0xFFFF;
	s2 =	simm.s32 @!p0 $0x1C04  }
0x156: {  	[timem:s3], [sflag:s2] =	dma.local @!p0 [hbm:s0], s1  }
0x157: {  	s0 =	simm.s32 @!p0 $0x4  }
0x158: {  	_ =	swait.ge @!p0 [sflag:s0], s1  }
0x159: {  	s1 =	ssub.s32 @!p0 $0x0, s1;
	[sflag:s0] =	ssyncset.done @!p0 $0x0  }
0x15a: {  	[sflag:s0] =	ssyncadd.s32 @!p0 s1  }
0x15b: {  	[bflag:$0x3] =	sbarrier.arrive $0xFFFF  }
0x15c: {  	_ =	shalt  }

// kernel: kernel.8.cloned.1.call-start
scs
__scs_entry_jumppad:
0x0: {  	(pc) =	sbr.rel $0x88, $3  }
0x1: {  	(tag) =	ssettag $0x0;
	lr =	simm.s32 $0x1  }
0x2: {  	[smem:$0x3F9B] =	sst lr;
	_ =	strace $0xD0000000  }
0x3: {  	_ = 	snop  }
0x4: {  	_ = 	snop  }
0x5: {  	_ = 	snop  }
0x6: {  	_ = 	snop  }
0x7: {  	_ = 	snop  }
__scs_overlays_trampoline_lowered:
0x8: {  	[smem:$0x3FAA] =	sst s0  }
0x9: {  	[smem:$0x3FAB] =	sst s1  }
0xa: {  	[smem:$0x3FAC] =	sst s2  }
0xb: {  	[smem:$0x3FAD] =	sst s3  }
0xc: {  	[smem:$0x3FAE] =	sst s4  }
0xd: {  	[smem:$0x3FAF] =	sst s5  }
0xe: {  	[smem:$0x3FB0] =	sst s6  }
0xf: {  	[smem:$0x3FB1] =	sst s7  }
0x10: {  	[smem:$0x3FB2] =	sst s8  }
0x11: {  	[smem:$0x3FB3] =	sst s9;
	s0 =	simm.s32 @!p0 $0x0  }
0x12: {  	s1 =	sld [smem:$0x3F99];
	s0 =	simm.s32 @p0 $0x1  }
0x13: {  	[smem:$0x3FB4] =	sst s0;
	s0 =	simm.s32 @!p1 $0x0  }
0x14: {  	s2 =	sld [smem:$0x3F98];
	s0 =	simm.s32 @p1 $0x1  }
0x15: {  	[smem:$0x3FB5] =	sst s0;
	s0 =	simm.s32 @!p2 $0x0  }
0x16: {  	s3 =	sld [smem:$0x3FDB];
	s0 =	simm.s32 @p2 $0x1  }
0x17: {  	s4 =	simm.s32 $0x1BF5;
	[smem:$0x3FB7] =	sst s0  }
0x18: {  	s0 =	sld [smem:$0x3F9A];
	_ =	swait.ge [sflag:s4], $0x0  }
0x19: {  	s7 =	sld [smem:$0x3F9B]  }
0x1a: {  	s8 =	sadd.s32 $0xFFFFE003, lr  }
0x1b: {  	s9 =	sadd.s32 $0xFFFFFEF7, lr;
	s5 =	simm.s32 $0xFFFFFFFF;
	p2 =	slt.u32 s8, $0xFFFFF086  }
0x1c: {  	p1 =	slt.u32 s9, $0xF7A;
	s5 =	simm.s32 @!p2 $0x0  }
0x1d: {  	s5 =	simm.s32 @p1 $0x1;
	p0 =	seq.s32 s7, s2  }
0x1e: {  	s7 =	smul.u32 @!p0 $0xF7A, s2;
	p2 =	seq.s32 @!p0 s5, $0x0  }
0x1f: {  	s9 =	smul.u32 $0xF7A, s1;
	s8 =	simm.s32 @!p0 $0x1BF5;
	p2 =	por !p2, p0  }
0x20: {  	[sflag:s8] =	ssyncset.s32 @!p0 $0xFFFFF086;
	s6 =	sadd.s32 @!p0 s3, s7;
	s7 =	simm.s32 @!p0 $0x108  }
0x21: {  	s3 =	sadd.s32 s3, s9;
	s6 =	sadd.s32 @!p0 $0x88, s6;
	s7 =	simm.s32 @p2 $0x1082  }
0x22: {  	[simem:s7], [sflag:s8] =	dma.local @!p0 [hbm:s6], $0xF7A  }
0x23: {  	s9 =	sor.u32 $0xD0000000, s2;
	s6 =	simm.s32 $0x108;
	_ =	swait.ge @!p0 [sflag:s8], $0x0  }
0x24: {  	s3 =	sadd.s32 $0x88, s3;
	s6 =	simm.s32 @!p1 $0x1082;
	[sflag:s4] =	ssyncset.s32 $0xFFFFF086  }
0x25: {  	[simem:s6], [sflag:s4] =	dma.local [hbm:s3], $0xF7A  }
0x26: {  	[smem:$0x3F9B] =	sst s1;
	(tag) =	ssettag s2;
	_ =	strace s9  }
0x27: {  	s1 =	sld [smem:$0x3FAB]  }
0x28: {  	s2 =	sld [smem:$0x3FAC]  }
0x29: {  	s4 =	sld [smem:$0x3FAE]  }
0x2a: {  	p0 =	seq.s32 s5, $0x0;
	s5 =	sld [smem:$0x3FAF]  }
0x2b: {  	s6 =	sld [smem:$0x3FB0]  }
0x2c: {  	s7 =	sld [smem:$0x3FB1]  }
0x2d: {  	s3 =	simm.s32 $0x108;
	s8 =	sld [smem:$0x3FB2]  }
0x2e: {  	s3 =	simm.s32 @!p0 $0x1082;
	s9 =	sld [smem:$0x3FB3]  }
0x2f: {  	lr =	sadd.s32 s0, s3;
	s0 =	sld [smem:$0x3FAA]  }
0x30: {  	s3 =	sld [smem:$0x3FAD]  }
0x31: {  	[smem:$0x3FB6] =	sst s10  }
0x32: {  	s10 =	sld [smem:$0x3FB4];
	_ =	sdelay $0x3  }
0x33: {  	p0 =	seq.s32 s10, $0x1;
	s10 =	sld [smem:$0x3FB6];
	_ =	sdelay $0x3  }
0x34: {  	[smem:$0x3FB6] =	sst s10  }
0x35: {  	s10 =	sld [smem:$0x3FB5];
	_ =	sdelay $0x3  }
0x36: {  	p1 =	seq.s32 s10, $0x1;
	s10 =	sld [smem:$0x3FB6];
	_ =	sdelay $0x3  }
0x37: {  	[smem:$0x3FB6] =	sst s10  }
0x38: {  	s10 =	sld [smem:$0x3FB7]  }
0x39: {  	_ = 	snop;
	(pc) =	sbr.ind lr, $3  }
0x3a: {  	_ = 	snop  }
0x3b: {  	_ = 	snop  }
0x3c: {  	p2 =	seq.s32 s10, $0x1;
	s10 =	sld [smem:$0x3FB6]  }
0x3d: {  	_ =	shalt  }
0x3e: {  	_ =	shalt  }
0x3f: {  	_ =	shalt  }
0x40: {  	_ =	shalt  }
0x41: {  	_ =	shalt  }
0x42: {  	_ =	shalt  }
0x43: {  	_ =	shalt  }
0x44: {  	_ =	shalt  }
0x45: {  	_ =	shalt  }
0x46: {  	_ =	shalt  }
0x47: {  	_ =	shalt  }
0x48: {  	_ =	shalt  }
0x49: {  	_ =	shalt  }
0x4a: {  	_ =	shalt  }
0x4b: {  	_ =	shalt  }
0x4c: {  	_ =	shalt  }
0x4d: {  	_ =	shalt  }
0x4e: {  	_ =	shalt  }
0x4f: {  	_ =	shalt  }
0x50: {  	_ =	shalt  }
0x51: {  	_ =	shalt  }
0x52: {  	_ =	shalt  }
0x53: {  	_ =	shalt  }
0x54: {  	_ =	shalt  }
0x55: {  	_ =	shalt  }
0x56: {  	_ =	shalt  }
0x57: {  	_ =	shalt  }
0x58: {  	_ =	shalt  }
0x59: {  	_ =	shalt  }
0x5a: {  	_ =	shalt  }
0x5b: {  	_ =	shalt  }
0x5c: {  	_ =	shalt  }
0x5d: {  	_ =	shalt  }
0x5e: {  	_ =	shalt  }
0x5f: {  	_ =	shalt  }
0x60: {  	_ =	shalt  }
0x61: {  	_ =	shalt  }
0x62: {  	_ =	shalt  }
0x63: {  	_ =	shalt  }
0x64: {  	_ =	shalt  }
0x65: {  	_ =	shalt  }
0x66: {  	_ =	shalt  }
0x67: {  	_ =	shalt  }
0x68: {  	_ =	shalt  }
0x69: {  	_ =	shalt  }
0x6a: {  	_ =	shalt  }
0x6b: {  	_ =	shalt  }
0x6c: {  	_ =	shalt  }
0x6d: {  	_ =	shalt  }
0x6e: {  	_ =	shalt  }
0x6f: {  	_ =	shalt  }
0x70: {  	_ =	shalt  }
0x71: {  	_ =	shalt  }
0x72: {  	_ =	shalt  }
0x73: {  	_ =	shalt  }
0x74: {  	_ =	shalt  }
0x75: {  	_ =	shalt  }
0x76: {  	_ =	shalt  }
0x77: {  	_ =	shalt  }
0x78: {  	_ =	shalt  }
0x79: {  	_ =	shalt  }
0x7a: {  	_ =	shalt  }
0x7b: {  	_ =	shalt  }
0x7c: {  	_ =	shalt  }
0x7d: {  	_ =	shalt  }
0x7e: {  	_ =	shalt  }
0x7f: {  	_ =	shalt  }
0x80: {  	_ =	shalt  }
0x81: {  	_ =	shalt  }
0x82: {  	_ =	shalt  }
0x83: {  	_ =	shalt  }
0x84: {  	_ =	shalt  }
0x85: {  	_ =	shalt  }
0x86: {  	_ =	shalt  }
0x87: {  	_ =	shalt  }
.Lfunc_end0:
.L_simem_size_0:
called_computation_lowered:
.L_overlay_start_0:
0x88: {  	s2 =	sld [smem:$0x3FD9]  }
0x89: {  	s3 =	sld [smem:$0x3FFE];
	_ =	sdelay $0x1  }
0x8a: {  	s1 =	srdreg.scid  }
0x8b: {  	s0 =	sand.u32 $0x1, s1  }
0x8c: {  	s17 =	sshll.u32 s0, $0xA;
	s2 =	sadd.s32 s3, s2  }
0x8d: {  	s2 =	sadd.s32 s2, s17  }
0x8e: {  	[smem:$0x3FC2] =	sst s2  }
0x8f: {  	_ = 	snop  }
0x90: {  	s2 =	sld [smem:$0x3FD0];
	(tm) =	ssettm $0x1  }
0x91: {  	s18 =	sld [smem:$0x3FFB];
	_ =	sdelay $0x3  }
0x92: {  	_ =	strace s18  }
0x93: {  	s3 =	sld [smem:$0x3FFC];
	_ =	sdelay $0x3  }
0x94: {  	_ =	strace s3  }
0x95: {  	s3 =	sld [smem:$0x3FFD];
	_ =	sdelay $0x3  }
0x96: {  	_ =	strace s3  }
0x97: {  	_ =	strace $0x8FFFFFFF  }
0x98: {  	s19 =	sld [smem:$0x3FDB];
	_ =	sdelay $0x1  }
0x99: {  	s4 =	simm.s32 $_scs_section_size  }
0x9a: {  	s5 =	simm.s32 $_size__tile_overlayer_lowered;
	s6 =	simm.s32 $_tile_overlayer_lowered  }
0x9b: {  	s22 =	simm.s32 $0x1BFF;
	s21 =	sshll.u32 s6, $0x1;
	s3 =	sadd.s32 s4, s19  }
0x9c: {  	s7 =	simm.s32 $0x0;
	s20 =	sshll.u32 s5, $0x1;
	s5 =	sadd.s32 s21, s3  }
0x9d: {  	[timem:s7], [sflag:s22] =	dma.local [hbm:s5], s20  }
0x9e: {  	_ =	swait.ge [sflag:s22], s20  }
0x9f: {  	s4 =	ssub.s32 $0x0, s20;
	[sflag:s22] =	ssyncset.done $0x0  }
0xa0: {  	[sflag:s22] =	ssyncadd.s32 s4;
	_ =	sdelay $0x1  }
0xa1: {  	s23 =	simm.s32 $0x1B8B  }
0xa2: {  	_ =	swait.ge [sflag:s23], $0x1  }
0xa3: {  	[sflag:s23] =	ssyncset.done $0x0  }
0xa4: {  	s25 =	simm.s32 $0x1B8E;
	s24 =	sld [smem:$0x3FFE];
	[sflag:s23] =	ssyncadd.s32 $0xFFFFFFFF  }
0xa5: {  	s26 =	simm.s32 $execute0_lowered;
	[smem:$0x3FD2] =	sst s25  }
0xa6: {  	s5 =	sshll.u32 s26, $0x1;
	_ =	strace $0x80000046;
	[dreg:$0x1] =	wrdreg $0xFFFFFFFF  }
0xa7: {  	s28 =	simm.s32 $_size_execute0_lowered;
	s3 =	sadd.s32 s3, s5;
	[dreg:$0x0] =	wrdreg $0x0  }
0xa8: {  	s5 =	sshll.u32 s28, $0x1;
	[dreg:$0x2] =	wrdreg s3  }
0xa9: {  	[dreg:$0x3] =	wrdreg s5  }
0xaa: {  	[dreg:$0x4] =	wrdreg $0xC0  }
0xab: {  	_ =	task [dreg:s7], $0x5FFFF  }
0xac: {  	[dreg:$0x1] =	wrdreg $0xFFFFFFFF  }
0xad: {  	[dreg:$0x0] =	wrdreg $0x60  }
0xae: {  	[dreg:$0x2] =	wrdreg s24  }
0xaf: {  	[dreg:$0x3] =	wrdreg s2  }
0xb0: {  	[dreg:$0x4] =	wrdreg $0x2B000  }
0xb1: {  	[dreg:$0x5] =	wrdreg $0x9  }
0xb2: {  	_ =	task.clear_ibuf [dreg:s7], $0x6FFFF;
	_ =	strace $0x90000046  }
0xb3: {  	s29 =	simm.s32 $0x9;
	_ =	strace $0x80000048  }
0xb4: {  	_ =	swait.ge [sflag:s29], $0x1  }
0xb5: {  	[sflag:s29] =	ssyncadd.s32 $0xFFFFFFFF  }
0xb6: {  	_ =	strace $0x90000048  }
0xb7: {  	_ =	sfence  }
0xb8: {  	s30 =	sld [smem:$0x0];
	_ =	sdelay $0x2  }
0xb9: {  	s31 =	sshll.u32 s1, $0xD;
	s1 =	sshrl.u32 s1, $0x2  }
0xba: {  	s3 =	sand.u32 $0x4000, s31;
	s1 =	sadd.s32 s1, s30  }
0xbb: {  	s0 =	sor.u32 s3, s0;
	s1 =	sshll.u32 s1, $0x11  }
0xbc: {  	s0 =	sor.u32 s1, s0  }
0xbd: {  	s0 =	sadd.s32 $0x8F2B, s0  }
0xbe: {  	[sflag:s0] =	ssyncadd.remote.s32 $0x1  }
0xbf: {  	_ =	sfence.sel $0xFFFF  }
0xc0: {  	[dreg:$0x0] =	wrdreg $0xFFFFFFFF;
	(pc) =	sbr.abs _section_cstart, $3  }
0xc1: {  	[dreg:$0x1] =	wrdreg $0xFFFFFFFF  }
0xc2: {  	_ =	task.clear_ibuf [dreg:s7], $0x2FFFF;
	_ =	strace $0x9FFFFFFF  }
0xc3: {  	(tm) =	ssettm $0x7FFFFFFF  }
tec
execute0_lowered:
.L_overlay_start_1:
0x0: {  	(tag) =	ssettag $0x1  }
0x1: {  	s4 =	rddreg [dreg:$0x0]  }
0x2: {  	s6 =	rddreg [dreg:$0x1]  }
0x3: {  	s2 =	rddreg [dreg:$0x2]  }
0x4: {  	s0 =	rddreg [dreg:$0x3]  }
0x5: {  	s3 =	srdreg.scid;
	s1 =	stileid.u32  }
0x6: {  	s11 =	simm.s32 $0x2800;
	s14 =	simm.s32 $0x0;
	s5 =	sand.u32 $0x1, s3  }
0x7: {  	s7 =	sshll.u32 s1, $0x1;
	s8 =	smul.u32 $0x280, s1;
	s3 =	simm.s32 $0x0  }
0x8: {  	s12 =	sshll.u32 s1, $0x6;
	s7 =	sor.u32 s5, s7;
	s9 =	smul.u32 $0x2800, s5  }
0x9: {  	[smem:$0x7FF] =	sst s3;
	s5 =	ssub.s32 $0x2, s5;
	s7 =	smul.u32 $0x500, s7  }
0xa: {  	s12 =	sor.u32 $0x1C01, s12;
	_ =	strace $0x80000047;
	s10 =	sshrl.u32 s5, $0x1  }
0xb: {  	s9 =	sadd.s32 s8, s9;
	s10 =	ssub.s32 s5, s10;
	s7 =	sadd.s32 s7, s4  }
0xc: {  	s9 =	sshrl.u32 s9, $0x3;
	s4 =	sadd.s32 s8, s2;
	s8 =	simm.s32 $0x2880  }
0xd: {  	s5 =	sadd.s32 $0x1800, s7;
	s6 =	sadd.s32 s6, s9;
	s7 =	smax.u32 s10, $0x1  }
0xe: {  	v0 =	vimm.f32 $1.000000000e+00;
	v1 =	vimm.f32 $0.0e+00;
	s9 =	simm.s32 $0x1;
	s10 =	simm.s32 $0x80;
	s13 =	sshrl.u32 s4, $0x3  }
.LBB2_1:
0xf: {  	[tilespmem:$0x2800] =	vst v0  }
0x10: {  	[tilespmem:$0x2810] =	vst v0  }
0x11: {  	[tilespmem:$0x2820] =	vst v0  }
0x12: {  	[tilespmem:$0x2830] =	vst v0  }
0x13: {  	[tilespmem:$0x2840] =	vst v0  }
0x14: {  	[tilespmem:$0x2850] =	vst v0  }
0x15: {  	[tilespmem:$0x2860] =	vst v0  }
0x16: {  	[tilespmem:$0x2870] =	vst v0  }
0x17: {  	[tilespmem:$0x2880] =	vst v1  }
0x18: {  	[tilespmem:$0x2890] =	vst v1  }
0x19: {  	[tilespmem:$0x28A0] =	vst v1  }
0x1a: {  	[tilespmem:$0x28B0] =	vst v1  }
0x1b: {  	[tilespmem:$0x28C0] =	vst v1  }
0x1c: {  	[tilespmem:$0x28D0] =	vst v1  }
0x1d: {  	[tilespmem:$0x28E0] =	vst v1  }
0x1e: {  	[tilespmem:$0x28F0] =	vst v1  }
0x1f: {  	[tilespmem:$0x2900] =	vst v1  }
0x20: {  	[tilespmem:$0x2910] =	vst v1  }
0x21: {  	[tilespmem:$0x2920] =	vst v1  }
0x22: {  	[tilespmem:$0x2930] =	vst v1  }
0x23: {  	[tilespmem:$0x2940] =	vst v1  }
0x24: {  	[tilespmem:$0x2950] =	vst v1  }
0x25: {  	[tilespmem:$0x2960] =	vst v1  }
0x26: {  	[tilespmem:$0x2970] =	vst v1  }
0x27: {  	[tilespmem:$0x2980] =	vst v1  }
0x28: {  	[tilespmem:$0x2990] =	vst v1  }
0x29: {  	[tilespmem:$0x29A0] =	vst v1  }
0x2a: {  	[tilespmem:$0x29B0] =	vst v1  }
0x2b: {  	[tilespmem:$0x29C0] =	vst v1  }
0x2c: {  	[tilespmem:$0x29D0] =	vst v1  }
0x2d: {  	[tilespmem:$0x29E0] =	vst v1  }
0x2e: {  	[tilespmem:$0x29F0] =	vst v1  }
0x2f: {  	[tilespmem:$0x2A00] =	vst v1  }
0x30: {  	[tilespmem:$0x2A10] =	vst v1  }
0x31: {  	[tilespmem:$0x2A20] =	vst v1  }
0x32: {  	[tilespmem:$0x2A30] =	vst v1  }
0x33: {  	[tilespmem:$0x2A40] =	vst v1  }
0x34: {  	[tilespmem:$0x2A50] =	vst v1  }
0x35: {  	[tilespmem:$0x2A60] =	vst v1  }
0x36: {  	[tilespmem:$0x2A70] =	vst v1  }
0x37: {  	[tilespmem:$0x2A80] =	vst v1  }
0x38: {  	[tilespmem:$0x2A90] =	vst v1  }
0x39: {  	[tilespmem:$0x2AA0] =	vst v1  }
0x3a: {  	[tilespmem:$0x2AB0] =	vst v1  }
0x3b: {  	[tilespmem:$0x2AC0] =	vst v1  }
0x3c: {  	[tilespmem:$0x2AD0] =	vst v1  }
0x3d: {  	[tilespmem:$0x2AE0] =	vst v1  }
0x3e: {  	[tilespmem:$0x2AF0] =	vst v1  }
0x3f: {  	[spmem:s4] =	stream.linear.scatter [tilespmem:s8], [sflag:$0x1], $0x280, $0x38;
	[tilespmem:$0x2D80] =	vst v63  }
0x40: {  	_ =	swait.ge [sflag:s9], $0x280  }
0x41: {  	[sflag:s9] =	ssyncset.done $0x0  }
0x42: {  	[sflag:s9] =	ssyncadd.s32 $0xFFFFFD80  }
0x43: {  	[bflag:$0x0] =	sbarrier.arrive $0xFFFF  }
0x44: {  	[tilespmem:s3], [sflag:$0x1] =	stream.linear.gather [hbm4b:s5+s3], $0x2800, $0x38;
	[tilespmem:$0x2D80] =	vst v63  }
0x45: {  	_ =	swait.ge [sflag:s9], $0x2800  }
0x46: {  	[sflag:s9] =	ssyncset.done $0x0  }
0x47: {  	s15 =	simm.s32 $0x0;
	[sflag:s9] =	ssyncadd.s32 $0xFFFFD800  }
0x48: {  	[spmem:s2] =	stream.indirect.scatter.add.f32 [tilespmem:s11], [sflag:$0x1], $0x1, s15, s10, $0xb8;
	[tilespmem:$0x2D80] =	vst v63  }
0x49: {  	_ =	swait.ge [sflag:s9], $0x80  }
0x4a: {  	s15 =	simm.s32 $0x200;
	[sflag:s9] =	ssyncset.done $0x0  }
.LBB2_2:
0x4b: {  	s16 =	sshra.s32 s15, $0x2;
	[sflag:s9] =	ssyncadd.s32 $0xFFFFFF80;
	p0 =	sne.s32 s15, $0x9E00  }
0x4c: {  	[spmem:s2] =	stream.indirect.scatter.add.f32 [tilespmem:s11], [sflag:$0x1], $0x1, s16, s10, $0xb8;
	[tilespmem:$0x2D80] =	vst v63  }
.Ltmp0:
0x4d: {  	_ = 	snop;
	(pc) =	sbr.rel @p0 .LBB2_2-.Ltmp0, $4  }
0x4e: {  	_ = 	snop  }
0x4f: {  	s15 =	sadd.s32 $0x200, s15  }
0x50: {  	_ =	swait.ge [sflag:s9], $0x80  }
0x51: {  	[sflag:s9] =	ssyncset.done $0x0  }
0x52: {  	s14 =	sadd.s32 $0x1, s14  }
0x53: {  	[sflag:s9] =	ssyncadd.s32 $0xFFFFFF80;
	p0 =	sne.s32 s14, s7  }
.Ltmp1:
0x54: {  	[bflag:$0x0] =	sbarrier.arrive $0xFFFF;
	(pc) =	sbr.rel @p0 .LBB2_1-.Ltmp1, $4  }
0x55: {  	[hbm:s6], [sflag:s12] =	dma.local [spmem:s13], $0x50  }
0x56: {  	_ =	swait.ge [sflag:s9], $0x50  }
0x57: {  	[sflag:s9] =	ssyncset.done $0x0  }
0x58: {  	[sflag:s9] =	ssyncadd.s32 $0xFFFFFFB0  }
0x59: {  	_ =	sfence.sel $0x180000  }
0x5a: {  	[bflag:$0x0] =	sbarrier.arrive $0xFFFF  }
0x5b: {  	p0 =	sne.s32 s1, $0x0;
	_ =	strace $0x90000047  }
0x5c: {  	s0 =	sadd.s32 @!p0 $0x100000, s0;
	[bflag:$0x2] =	sbarrier.arrive $0xFFFF  }
0x5d: {  	[sflag:s0] =	ssyncadd.tile.s32 @!p0 $0x1;
	_ =	shalt  }
.Lfunc_end2:
_tile_overlayer_lowered:
.L_overlay_start_2:
0x5e: {  	(tag) =	ssettag $0x2  }
0x5f: {  	s0 =	rddreg [dreg:$0x0];
	s2 =	stileid.u32  }
0x60: {  	s1 =	rddreg [dreg:$0x1];
	p0 =	sne.s32 s2, $0x0  }
0x61: {  	s3 =	rddreg [dreg:$0x2];
	[bflag:$0x3] =	sbarrier.arrive $0xFFFF;
	s2 =	simm.s32 @!p0 $0x1C01  }
0x62: {  	[timem:s3], [sflag:s2] =	dma.local @!p0 [hbm:s0], s1  }
0x63: {  	s0 =	simm.s32 @!p0 $0x1  }
0x64: {  	_ =	swait.ge @!p0 [sflag:s0], s1  }
0x65: {  	s1 =	ssub.s32 @!p0 $0x0, s1;
	[sflag:s0] =	ssyncset.done @!p0 $0x0  }
0x66: {  	[sflag:s0] =	ssyncadd.s32 @!p0 s1  }
0x67: {  	[bflag:$0x3] =	sbarrier.arrive $0xFFFF  }
0x68: {  	_ =	shalt  }

</sc_bundles>
